<compile_context>
chip_gen: v7x
topology: tpu7x:2x2x1
jax: 0.10.2.dev20260603
libtpu: 0.0.44.dev20260713+nightly
codegen_flags: <defaults>
</compile_context>

<pallas_src>
import functools

import jax
import jax.numpy as jnp
from jax import lax
from jax.experimental import pallas as pl
from jax.experimental.pallas import tpu as pltpu
from jax.experimental.pallas import tpu_sc as plsc

_N = 10000
_E = 320000
_D_IN = 128
_D_HID = 256
_N_CLS = 64
_DX = _D_IN + 16

_NC = 2
_NS = 16
_NW = _NC * _NS
_EPT = _E // _NW
_CH = 128
_NCHUNK = _EPT // _CH
_NPAIR = _NCHUNK // 2
_TAIL = _EPT - _NCHUNK * _CH
_RPT = 624
_REXTRA = _N - _NS * _RPT


def _make_sc_agg(D):
  mesh = plsc.VectorSubcoreMesh(core_axis_name="c", subcore_axis_name="s")
  out_type = jax.ShapeDtypeStruct((_NC, _N, D), jnp.float32)
  scratch = [
      pltpu.VMEM((4, _CH), jnp.int32),
      pltpu.VMEM((4, _CH), jnp.int32),
      pltpu.VMEM((2, _CH, D), jnp.float32),
      pltpu.VMEM_SHARED((_N, D), jnp.float32),
      pltpu.SemaphoreType.DMA,
      pltpu.SemaphoreType.DMA,
      pltpu.SemaphoreType.DMA,
      pltpu.SemaphoreType.DMA,
      pltpu.SemaphoreType.DMA,
      pltpu.SemaphoreType.DMA,
  ]

  def body(table, adj_hbm, agg_out,
           srcv, dstv, rows, acc, isem0, isem1, gsem0, gsem1, ssem0, ssem1):
    cc = lax.axis_index("c")
    s = lax.axis_index("s")
    wid = s * _NC + cc
    ebase = wid * _EPT

    def islot(c):
      return lax.rem(c, 4)

    def i_issue(c, sem):
      pltpu.async_copy(adj_hbm.at[0, pl.ds(ebase + c * _CH, _CH)],
                       srcv.at[islot(c)], sem)
      pltpu.async_copy(adj_hbm.at[1, pl.ds(ebase + c * _CH, _CH)],
                       dstv.at[islot(c)], sem)

    def i_wait(c, sem):
      pltpu.make_async_copy(adj_hbm.at[0, pl.ds(ebase + c * _CH, _CH)],
                            srcv.at[islot(c)], sem).wait()
      pltpu.make_async_copy(adj_hbm.at[1, pl.ds(ebase + c * _CH, _CH)],
                            dstv.at[islot(c)], sem).wait()

    def g_issue(c, b, sem):
      pltpu.async_copy(table.at[srcv.at[islot(c)]], rows.at[b], sem)

    def g_wait(c, b, sem):
      pltpu.make_async_copy(table.at[srcv.at[islot(c)]], rows.at[b],
                            sem).wait()

    def s_issue(c, b, sem):
      pltpu.async_copy(rows.at[b], acc.at[dstv.at[islot(c)]], sem, add=True)

    def s_wait(c, b, sem):
      pltpu.make_async_copy(rows.at[b], acc.at[dstv.at[islot(c)]],
                            sem).wait()

    i_issue(0, isem0)
    i_issue(1, isem1)

    zv = jnp.zeros((16,), jnp.float32)

    def zrow(i, _):
      for j in range(D // 16):
        rows[0, i, pl.ds(j * 16, 16)] = zv
      return 0

    lax.fori_loop(0, _CH, zrow, 0)
    for k in range(_RPT // _CH):
      pltpu.sync_copy(rows.at[0], acc.at[pl.ds(s * _RPT + k * _CH, _CH)])
    rem = _RPT - (_RPT // _CH) * _CH
    if rem:
      pltpu.sync_copy(rows.at[0, pl.ds(0, rem)],
                      acc.at[pl.ds(s * _RPT + (_RPT // _CH) * _CH, rem)])

    @pl.when(s == _NS - 1)
    def _():
      pltpu.sync_copy(rows.at[0, pl.ds(0, _REXTRA)],
                      acc.at[pl.ds(_NS * _RPT, _REXTRA)])

    plsc.subcore_barrier()

    i_wait(0, isem0)
    i_issue(2, isem0)
    g_issue(0, 0, gsem0)

    def pair(p, _):
      ce = 2 * p
      co = 2 * p + 1
      g_wait(ce, 0, gsem0)
      s_issue(ce, 0, ssem0)

      @pl.when(p > 0)
      def _():
        s_wait(ce - 1, 1, ssem1)

      i_wait(ce + 1, isem1)

      @pl.when(ce + 3 < _NCHUNK)
      def _():
        i_issue(ce + 3, isem1)

      g_issue(ce + 1, 1, gsem1)
      g_wait(co, 1, gsem1)
      s_issue(co, 1, ssem1)
      s_wait(co - 1, 0, ssem0)

      @pl.when(co + 1 < _NCHUNK)
      def _():
        i_wait(co + 1, isem0)

      @pl.when(co + 3 < _NCHUNK)
      def _():
        i_issue(co + 3, isem0)

      @pl.when(co + 1 < _NCHUNK)
      def _():
        g_issue(co + 1, 0, gsem0)

      return 0

    lax.fori_loop(0, _NPAIR, pair, 0)

    tbase = ebase + _NCHUNK * _CH
    pltpu.async_copy(adj_hbm.at[0, pl.ds(tbase, _TAIL)],
                     srcv.at[0, pl.ds(0, _TAIL)], isem0)
    pltpu.async_copy(adj_hbm.at[1, pl.ds(tbase, _TAIL)],
                     dstv.at[0, pl.ds(0, _TAIL)], isem0)
    s_wait(_NCHUNK - 1, 1, ssem1)
    pltpu.make_async_copy(adj_hbm.at[0, pl.ds(tbase, _TAIL)],
                          srcv.at[0, pl.ds(0, _TAIL)], isem0).wait()
    pltpu.make_async_copy(adj_hbm.at[1, pl.ds(tbase, _TAIL)],
                          dstv.at[0, pl.ds(0, _TAIL)], isem0).wait()
    pltpu.async_copy(table.at[srcv.at[0, pl.ds(0, _TAIL)]],
                     rows.at[0, pl.ds(0, _TAIL)], gsem0)
    pltpu.make_async_copy(table.at[srcv.at[0, pl.ds(0, _TAIL)]],
                          rows.at[0, pl.ds(0, _TAIL)], gsem0).wait()
    pltpu.async_copy(rows.at[0, pl.ds(0, _TAIL)],
                     acc.at[dstv.at[0, pl.ds(0, _TAIL)]], ssem0, add=True)
    pltpu.make_async_copy(rows.at[0, pl.ds(0, _TAIL)],
                          acc.at[dstv.at[0, pl.ds(0, _TAIL)]], ssem0).wait()
    plsc.subcore_barrier()

    pltpu.sync_copy(acc.at[pl.ds(s * _RPT, _RPT)],
                    agg_out.at[cc, pl.ds(s * _RPT, _RPT)])

    @pl.when(s == _NS - 1)
    def _():
      pltpu.sync_copy(acc.at[pl.ds(_NS * _RPT, _REXTRA)],
                      agg_out.at[cc, pl.ds(_NS * _RPT, _REXTRA)])

  return pl.kernel(
      body, out_type=out_type, mesh=mesh, scratch_types=scratch,
      compiler_params=pltpu.CompilerParams(use_tc_tiling_on_sc=False))


_sc_agg_x = _make_sc_agg(_DX)
_sc_agg_h = _make_sc_agg(_N_CLS)


_BR = 2000


def _tc1_body(x_ref, aggxp_ref, w1s_ref, w1n_ref, b1_ref,
              w2s_ref, w2n_ref, hs_ref, hw_ref, rdeg_ref):
  ap = aggxp_ref[0] + aggxp_ref[1]
  agg = ap[:, :_D_IN]
  deg = jnp.max(ap[:, _D_IN:], axis=1, keepdims=True)
  rdeg = 1.0 / jnp.maximum(deg, 1.0)
  hn = agg * rdeg
  h = (jnp.dot(x_ref[...], w1s_ref[...], preferred_element_type=jnp.float32)
       + jnp.dot(hn, w1n_ref[...], preferred_element_type=jnp.float32)
       + b1_ref[...])
  h = jnp.maximum(h, 0.0)
  hs_ref[...] = jnp.dot(h, w2s_ref[...], preferred_element_type=jnp.float32)
  hw_ref[...] = jnp.dot(h, w2n_ref[...], preferred_element_type=jnp.float32)
  rdeg_ref[...] = jnp.broadcast_to(rdeg, (_BR, _N_CLS))


_tc1 = pl.pallas_call(
    _tc1_body,
    grid=(_N // _BR,),
    in_specs=[
        pl.BlockSpec((_BR, _D_IN), lambda i: (i, 0)),
        pl.BlockSpec((_NC, _BR, _DX), lambda i: (0, i, 0)),
        pl.BlockSpec((_D_IN, _D_HID), lambda i: (0, 0)),
        pl.BlockSpec((_D_IN, _D_HID), lambda i: (0, 0)),
        pl.BlockSpec((1, _D_HID), lambda i: (0, 0)),
        pl.BlockSpec((_D_HID, _N_CLS), lambda i: (0, 0)),
        pl.BlockSpec((_D_HID, _N_CLS), lambda i: (0, 0)),
    ],
    out_specs=[
        pl.BlockSpec((_BR, _N_CLS), lambda i: (i, 0)),
        pl.BlockSpec((_BR, _N_CLS), lambda i: (i, 0)),
        pl.BlockSpec((_BR, _N_CLS), lambda i: (i, 0)),
    ],
    out_shape=[
        jax.ShapeDtypeStruct((_N, _N_CLS), jnp.float32),
        jax.ShapeDtypeStruct((_N, _N_CLS), jnp.float32),
        jax.ShapeDtypeStruct((_N, _N_CLS), jnp.float32),
    ],
)


def _tc2_body(hs_ref, agg2p_ref, rdeg_ref, b2_ref, out_ref):
  agg = agg2p_ref[0] + agg2p_ref[1]
  logits = hs_ref[...] + agg * rdeg_ref[...] + b2_ref[...]
  m = jnp.max(logits, axis=1, keepdims=True)
  lse = jnp.log(jnp.sum(jnp.exp(logits - m), axis=1, keepdims=True)) + m
  out_ref[...] = logits - lse


_tc2 = pl.pallas_call(
    _tc2_body,
    grid=(_N // _BR,),
    in_specs=[
        pl.BlockSpec((_BR, _N_CLS), lambda i: (i, 0)),
        pl.BlockSpec((_NC, _BR, _N_CLS), lambda i: (0, i, 0)),
        pl.BlockSpec((_BR, _N_CLS), lambda i: (i, 0)),
        pl.BlockSpec((1, _N_CLS), lambda i: (0, 0)),
    ],
    out_specs=pl.BlockSpec((_BR, _N_CLS), lambda i: (i, 0)),
    out_shape=jax.ShapeDtypeStruct((_N, _N_CLS), jnp.float32),
)


@jax.jit
def kernel(features, adj, W1_self, W1_neigh, b1, W2_self, W2_neigh, b2):
  xext = lax.pad(features, jnp.float32(1.0),
                 [(0, 0, 0), (0, _DX - _D_IN, 0)])
  aggxp = _sc_agg_x(xext, adj)
  hs, hw, rdeg = _tc1(features, aggxp, W1_self, W1_neigh,
                      b1.reshape(1, _D_HID), W2_self, W2_neigh)
  agg2p = _sc_agg_h(hw, adj)
  return _tc2(hs, agg2p, rdeg, b2.reshape(1, _N_CLS))

# --- scband reference (transcript-rebuilt; emitter-appended) ---
"""Pipeline reference for scband-graph-sage-3951369912453 (READ-ONLY COPY).

The authoritative reference and input builder live on the scoring server;
editing this copy changes nothing except your own understanding.
"""

import jax, jax.numpy as jnp
import numpy as np

N = 10000
E = 320000
D_IN = 128
D_HID = 256
N_CLS = 64


def setup_inputs(seed: int = 0) -> dict:
    key = jax.random.key(seed)
    ks = jax.random.split(key, 8)
    features = jax.random.normal(ks[0], (N, D_IN), dtype=jnp.float32)
    adj = jax.random.randint(ks[1], (2, E), 0, N, dtype=jnp.int32)
    s1 = 1.0 / np.sqrt(D_IN)
    s2 = 1.0 / np.sqrt(D_HID)
    W1_self = jax.random.uniform(ks[2], (D_IN, D_HID), jnp.float32, -s1, s1)
    W1_neigh = jax.random.uniform(ks[3], (D_IN, D_HID), jnp.float32, -s1, s1)
    b1 = jnp.zeros((D_HID,), jnp.float32)
    W2_self = jax.random.uniform(ks[4], (D_HID, N_CLS), jnp.float32, -s2, s2)
    W2_neigh = jax.random.uniform(ks[5], (D_HID, N_CLS), jnp.float32, -s2, s2)
    b2 = jnp.zeros((N_CLS,), jnp.float32)
    return {"features": features, "adj": adj, "W1_self": W1_self, "W1_neigh": W1_neigh,
            "b1": b1, "W2_self": W2_self, "W2_neigh": W2_neigh, "b2": b2}


def _sage_conv(x, src, dst, W_self, W_neigh, b, activation):
    # DGL SAGEConv with 'mean' aggregator: fc_self(h) + fc_neigh(mean_neigh(h))
    msg = x[src]                                      # gather along edges
    agg = jax.ops.segment_sum(msg, dst, num_segments=N)
    deg = jax.ops.segment_sum(jnp.ones((msg.shape[0], 1), jnp.float32), dst, num_segments=N)
    h_neigh = agg / jnp.clip(deg, 1.0, None)
    out = x @ W_self + h_neigh @ W_neigh + b
    if activation is not None:
        out = activation(out)
    return out


def reference(features, adj, W1_self, W1_neigh, b1, W2_self, W2_neigh, b2):
    src = adj[0]
    dst = adj[1]
    h = _sage_conv(features, src, dst, W1_self, W1_neigh, b1, jax.nn.relu)
    h = _sage_conv(h, src, dst, W2_self, W2_neigh, b2, None)
    return jax.nn.log_softmax(h, axis=-1)

if __name__ == "__main__":
    import jax
    _d = setup_inputs()
    print(jax.jit(kernel)(*tuple(_d.values())))

</pallas_src>

<mosaic_0001>
#map = affine_map<(d0, d1) -> (0, 0)>
#map1 = affine_map<(d0, d1) -> (0, 0, 0)>
module attributes {stable_mosaic.version = 14 : i64} {
  func.func @body(%arg0: i32, %arg1: i32, %arg2: memref<10000x144xf32, #tpu.memory_space<hbm>>, %arg3: memref<2x320000xi32, #tpu.memory_space<hbm>>, %arg4: memref<2x10000x144xf32, #tpu.memory_space<hbm>>, %arg5: memref<4x128xi32, #tpu.memory_space<vmem>>, %arg6: memref<4x128xi32, #tpu.memory_space<vmem>>, %arg7: memref<2x128x144xf32, #tpu.memory_space<vmem>>, %arg8: memref<10000x144xf32, #tpu.memory_space<vmem_shared>>, %arg9: memref<!tpu.dma_semaphore, #tpu.memory_space<semaphore_mem>>, %arg10: memref<!tpu.dma_semaphore, #tpu.memory_space<semaphore_mem>>, %arg11: memref<!tpu.dma_semaphore, #tpu.memory_space<semaphore_mem>>, %arg12: memref<!tpu.dma_semaphore, #tpu.memory_space<semaphore_mem>>, %arg13: memref<!tpu.dma_semaphore, #tpu.memory_space<semaphore_mem>>, %arg14: memref<!tpu.dma_semaphore, #tpu.memory_space<semaphore_mem>>) attributes {dimension_semantics = [#tpu.dimension_semantics<core_parallel>, #tpu.dimension_semantics<subcore_parallel>], iteration_bounds = array<i64: 2, 16>, scalar_prefetch = 0 : i64, scratch_operands = 10 : i64, tpu.core_type = #tpu.core_type<sc_vector_subcore>, window_params = [{transform_indices = #map}, {transform_indices = #map}, {transform_indices = #map1}]} {
    %mul3A = arith.constant 2 : i32
    %mul3A_0 = arith.muli %arg1, %mul3A : i32
    %add3A = arith.addi %mul3A_0, %arg0 : i32
    %mul3A_1 = arith.constant 10000 : i32
    %mul3A_2 = arith.muli %add3A, %mul3A_1 : i32
    %add3A_3 = arith.constant 0 : i32
    %add3A_4 = arith.addi %mul3A_2, %add3A_3 : i32
    %rem3A = arith.constant 0 : i32
    %rem3A_5 = arith.constant 4 : i32
    %rem3A_6 = arith.remsi %rem3A, %rem3A_5 : i32
    %dma_start3A = arith.constant 0 : i32
    %dma_start3A_7 = arith.constant 0 : i32
    %dma_start3A_8 = tpu.memref_slice %arg5[%rem3A_6, %dma_start3A_7] : memref<4x128xi32, #tpu.memory_space<vmem>> -> memref<1x128xi32, #tpu.memory_space<vmem>>
    %dma_start3A_9 = tpu.memref_squeeze %dma_start3A_8 : memref<1x128xi32, #tpu.memory_space<vmem>> -> memref<128xi32, #tpu.memory_space<vmem>>
    %dma_start3A_10 = tpu.memref_slice %arg3[%dma_start3A, %add3A_4] : memref<2x320000xi32, #tpu.memory_space<hbm>> -> memref<1x128xi32, #tpu.memory_space<hbm>>
    %dma_start3A_11 = tpu.memref_squeeze %dma_start3A_10 : memref<1x128xi32, #tpu.memory_space<hbm>> -> memref<128xi32, #tpu.memory_space<hbm>>
    %dma_start3A_12 = arith.constant 0 : i32
    %dma_start3A_13 = tpu.memref_slice %arg5[%rem3A_6, %dma_start3A_12] : memref<4x128xi32, #tpu.memory_space<vmem>> -> memref<1x128xi32, #tpu.memory_space<vmem>>
    %dma_start3A_14 = tpu.memref_squeeze %dma_start3A_13 : memref<1x128xi32, #tpu.memory_space<vmem>> -> memref<128xi32, #tpu.memory_space<vmem>>
    %dma_start3A_15 = tpu.memref_slice %arg3[%dma_start3A, %add3A_4] : memref<2x320000xi32, #tpu.memory_space<hbm>> -> memref<1x128xi32, #tpu.memory_space<hbm>>
    %dma_start3A_16 = tpu.memref_squeeze %dma_start3A_15 : memref<1x128xi32, #tpu.memory_space<hbm>> -> memref<128xi32, #tpu.memory_space<hbm>>
    tpu.enqueue_dma source(%dma_start3A_16 : memref<128xi32, #tpu.memory_space<hbm>>) target(%dma_start3A_14 : memref<128xi32, #tpu.memory_space<vmem>>) target_semaphore(%arg9 : memref<!tpu.dma_semaphore, #tpu.memory_space<semaphore_mem>>)
    %add3A_17 = arith.constant 0 : i32
    %add3A_18 = arith.addi %mul3A_2, %add3A_17 : i32
    %rem3A_19 = arith.constant 0 : i32
    %rem3A_20 = arith.constant 4 : i32
    %rem3A_21 = arith.remsi %rem3A_19, %rem3A_20 : i32
    %dma_start3A_22 = arith.constant 1 : i32
    %dma_start3A_23 = arith.constant 0 : i32
    %dma_start3A_24 = tpu.memref_slice %arg6[%rem3A_21, %dma_start3A_23] : memref<4x128xi32, #tpu.memory_space<vmem>> -> memref<1x128xi32, #tpu.memory_space<vmem>>
    %dma_start3A_25 = tpu.memref_squeeze %dma_start3A_24 : memref<1x128xi32, #tpu.memory_space<vmem>> -> memref<128xi32, #tpu.memory_space<vmem>>
    %dma_start3A_26 = tpu.memref_slice %arg3[%dma_start3A_22, %add3A_18] : memref<2x320000xi32, #tpu.memory_space<hbm>> -> memref<1x128xi32, #tpu.memory_space<hbm>>
    %dma_start3A_27 = tpu.memref_squeeze %dma_start3A_26 : memref<1x128xi32, #tpu.memory_space<hbm>> -> memref<128xi32, #tpu.memory_space<hbm>>
    %dma_start3A_28 = arith.constant 0 : i32
    %dma_start3A_29 = tpu.memref_slice %arg6[%rem3A_21, %dma_start3A_28] : memref<4x128xi32, #tpu.memory_space<vmem>> -> memref<1x128xi32, #tpu.memory_space<vmem>>
    %dma_start3A_30 = tpu.memref_squeeze %dma_start3A_29 : memref<1x128xi32, #tpu.memory_space<vmem>> -> memref<128xi32, #tpu.memory_space<vmem>>
    %dma_start3A_31 = tpu.memref_slice %arg3[%dma_start3A_22, %add3A_18] : memref<2x320000xi32, #tpu.memory_space<hbm>> -> memref<1x128xi32, #tpu.memory_space<hbm>>
    %dma_start3A_32 = tpu.memref_squeeze %dma_start3A_31 : memref<1x128xi32, #tpu.memory_space<hbm>> -> memref<128xi32, #tpu.memory_space<hbm>>
    tpu.enqueue_dma source(%dma_start3A_32 : memref<128xi32, #tpu.memory_space<hbm>>) target(%dma_start3A_30 : memref<128xi32, #tpu.memory_space<vmem>>) target_semaphore(%arg9 : memref<!tpu.dma_semaphore, #tpu.memory_space<semaphore_mem>>)
    %add3A_33 = arith.constant 128 : i32
    %add3A_34 = arith.addi %mul3A_2, %add3A_33 : i32
    %rem3A_35 = arith.constant 1 : i32
    %rem3A_36 = arith.constant 4 : i32
    %rem3A_37 = arith.remsi %rem3A_35, %rem3A_36 : i32
    %dma_start3A_38 = arith.constant 0 : i32
    %dma_start3A_39 = arith.constant 0 : i32
    %dma_start3A_40 = tpu.memref_slice %arg5[%rem3A_37, %dma_start3A_39] : memref<4x128xi32, #tpu.memory_space<vmem>> -> memref<1x128xi32, #tpu.memory_space<vmem>>
    %dma_start3A_41 = tpu.memref_squeeze %dma_start3A_40 : memref<1x128xi32, #tpu.memory_space<vmem>> -> memref<128xi32, #tpu.memory_space<vmem>>
    %dma_start3A_42 = tpu.memref_slice %arg3[%dma_start3A_38, %add3A_34] : memref<2x320000xi32, #tpu.memory_space<hbm>> -> memref<1x128xi32, #tpu.memory_space<hbm>>
    %dma_start3A_43 = tpu.memref_squeeze %dma_start3A_42 : memref<1x128xi32, #tpu.memory_space<hbm>> -> memref<128xi32, #tpu.memory_space<hbm>>
    %dma_start3A_44 = arith.constant 0 : i32
    %dma_start3A_45 = tpu.memref_slice %arg5[%rem3A_37, %dma_start3A_44] : memref<4x128xi32, #tpu.memory_space<vmem>> -> memref<1x128xi32, #tpu.memory_space<vmem>>
    %dma_start3A_46 = tpu.memref_squeeze %dma_start3A_45 : memref<1x128xi32, #tpu.memory_space<vmem>> -> memref<128xi32, #tpu.memory_space<vmem>>
    %dma_start3A_47 = tpu.memref_slice %arg3[%dma_start3A_38, %add3A_34] : memref<2x320000xi32, #tpu.memory_space<hbm>> -> memref<1x128xi32, #tpu.memory_space<hbm>>
    %dma_start3A_48 = tpu.memref_squeeze %dma_start3A_47 : memref<1x128xi32, #tpu.memory_space<hbm>> -> memref<128xi32, #tpu.memory_space<hbm>>
    tpu.enqueue_dma source(%dma_start3A_48 : memref<128xi32, #tpu.memory_space<hbm>>) target(%dma_start3A_46 : memref<128xi32, #tpu.memory_space<vmem>>) target_semaphore(%arg10 : memref<!tpu.dma_semaphore, #tpu.memory_space<semaphore_mem>>)
    %add3A_49 = arith.constant 128 : i32
    %add3A_50 = arith.addi %mul3A_2, %add3A_49 : i32
    %rem3A_51 = arith.constant 1 : i32
    %rem3A_52 = arith.constant 4 : i32
    %rem3A_53 = arith.remsi %rem3A_51, %rem3A_52 : i32
    %dma_start3A_54 = arith.constant 1 : i32
    %dma_start3A_55 = arith.constant 0 : i32
    %dma_start3A_56 = tpu.memref_slice %arg6[%rem3A_53, %dma_start3A_55] : memref<4x128xi32, #tpu.memory_space<vmem>> -> memref<1x128xi32, #tpu.memory_space<vmem>>
    %dma_start3A_57 = tpu.memref_squeeze %dma_start3A_56 : memref<1x128xi32, #tpu.memory_space<vmem>> -> memref<128xi32, #tpu.memory_space<vmem>>
    %dma_start3A_58 = tpu.memref_slice %arg3[%dma_start3A_54, %add3A_50] : memref<2x320000xi32, #tpu.memory_space<hbm>> -> memref<1x128xi32, #tpu.memory_space<hbm>>
    %dma_start3A_59 = tpu.memref_squeeze %dma_start3A_58 : memref<1x128xi32, #tpu.memory_space<hbm>> -> memref<128xi32, #tpu.memory_space<hbm>>
    %dma_start3A_60 = arith.constant 0 : i32
    %dma_start3A_61 = tpu.memref_slice %arg6[%rem3A_53, %dma_start3A_60] : memref<4x128xi32, #tpu.memory_space<vmem>> -> memref<1x128xi32, #tpu.memory_space<vmem>>
    %dma_start3A_62 = tpu.memref_squeeze %dma_start3A_61 : memref<1x128xi32, #tpu.memory_space<vmem>> -> memref<128xi32, #tpu.memory_space<vmem>>
    %dma_start3A_63 = tpu.memref_slice %arg3[%dma_start3A_54, %add3A_50] : memref<2x320000xi32, #tpu.memory_space<hbm>> -> memref<1x128xi32, #tpu.memory_space<hbm>>
    %dma_start3A_64 = tpu.memref_squeeze %dma_start3A_63 : memref<1x128xi32, #tpu.memory_space<hbm>> -> memref<128xi32, #tpu.memory_space<hbm>>
    tpu.enqueue_dma source(%dma_start3A_64 : memref<128xi32, #tpu.memory_space<hbm>>) target(%dma_start3A_62 : memref<128xi32, #tpu.memory_space<vmem>>) target_semaphore(%arg10 : memref<!tpu.dma_semaphore, #tpu.memory_space<semaphore_mem>>)
    %broadcast_in_dim3A = arith.constant 0.000000e+00 : f32
    %broadcast_in_dim3A_65 = vector.broadcast %broadcast_in_dim3A : f32 to vector<16xf32>
    %scan3A = arith.constant 0 : i32
    %scan3A_66 = arith.constant 0 : i32
    %scan3A_67 = arith.constant 128 : i32
    %scan3A_68 = arith.addi %scan3A_66, %scan3A_67 : i32
    %scan3A_69 = arith.constant 1 : i32
    %scan3A_70 = scf.for %scan3A_304 = %scan3A_66 to %scan3A_68 step %scan3A_69 iter_args(%scan3A_305 = %scan3A) -> (i32)  : i32 {
      %swap3A = arith.constant 0 : i32
      %swap3A_306 = arith.index_cast %swap3A : i32 to index
      %swap3A_307 = arith.index_cast %scan3A_304 : i32 to index
      %swap3A_308 = arith.constant 0 : index
      %swap3A_309 = tpu.vector_load %arg7[%swap3A_306, %swap3A_307, %swap3A_308] {strides = array<i32>} : memref<2x128x144xf32, #tpu.memory_space<vmem>>, vector<1x1x16xf32>,
      %swap3A_310 = vector.shape_cast %swap3A_309 : vector<1x1x16xf32> to vector<16xf32>
      %swap3A_311 = vector.shape_cast %broadcast_in_dim3A_65 : vector<16xf32> to vector<1x1x16xf32>
      tpu.vector_store %arg7[%swap3A_306, %swap3A_307, %swap3A_308], %swap3A_311 {strides = array<i32>} : memref<2x128x144xf32, #tpu.memory_space<vmem>>, vector<1x1x16xf32>,
      %swap3A_312 = arith.constant 0 : i32
      %swap3A_313 = arith.index_cast %swap3A_312 : i32 to index
      %swap3A_314 = arith.index_cast %scan3A_304 : i32 to index
      %swap3A_315 = arith.constant 16 : index
      %swap3A_316 = tpu.vector_load %arg7[%swap3A_313, %swap3A_314, %swap3A_315] {strides = array<i32>} : memref<2x128x144xf32, #tpu.memory_space<vmem>>, vector<1x1x16xf32>,
      %swap3A_317 = vector.shape_cast %swap3A_316 : vector<1x1x16xf32> to vector<16xf32>
      %swap3A_318 = vector.shape_cast %broadcast_in_dim3A_65 : vector<16xf32> to vector<1x1x16xf32>
      tpu.vector_store %arg7[%swap3A_313, %swap3A_314, %swap3A_315], %swap3A_318 {strides = array<i32>} : memref<2x128x144xf32, #tpu.memory_space<vmem>>, vector<1x1x16xf32>,
      %swap3A_319 = arith.constant 0 : i32
      %swap3A_320 = arith.index_cast %swap3A_319 : i32 to index
      %swap3A_321 = arith.index_cast %scan3A_304 : i32 to index
      %swap3A_322 = arith.constant 32 : index
      %swap3A_323 = tpu.vector_load %arg7[%swap3A_320, %swap3A_321, %swap3A_322] {strides = array<i32>} : memref<2x128x144xf32, #tpu.memory_space<vmem>>, vector<1x1x16xf32>,
      %swap3A_324 = vector.shape_cast %swap3A_323 : vector<1x1x16xf32> to vector<16xf32>
      %swap3A_325 = vector.shape_cast %broadcast_in_dim3A_65 : vector<16xf32> to vector<1x1x16xf32>
      tpu.vector_store %arg7[%swap3A_320, %swap3A_321, %swap3A_322], %swap3A_325 {strides = array<i32>} : memref<2x128x144xf32, #tpu.memory_space<vmem>>, vector<1x1x16xf32>,
      %swap3A_326 = arith.constant 0 : i32
      %swap3A_327 = arith.index_cast %swap3A_326 : i32 to index
      %swap3A_328 = arith.index_cast %scan3A_304 : i32 to index
      %swap3A_329 = arith.constant 48 : index
      %swap3A_330 = tpu.vector_load %arg7[%swap3A_327, %swap3A_328, %swap3A_329] {strides = array<i32>} : memref<2x128x144xf32, #tpu.memory_space<vmem>>, vector<1x1x16xf32>,
      %swap3A_331 = vector.shape_cast %swap3A_330 : vector<1x1x16xf32> to vector<16xf32>
      %swap3A_332 = vector.shape_cast %broadcast_in_dim3A_65 : vector<16xf32> to vector<1x1x16xf32>
      tpu.vector_store %arg7[%swap3A_327, %swap3A_328, %swap3A_329], %swap3A_332 {strides = array<i32>} : memref<2x128x144xf32, #tpu.memory_space<vmem>>, vector<1x1x16xf32>,
      %swap3A_333 = arith.constant 0 : i32
      %swap3A_334 = arith.index_cast %swap3A_333 : i32 to index
      %swap3A_335 = arith.index_cast %scan3A_304 : i32 to index
      %swap3A_336 = arith.constant 64 : index
      %swap3A_337 = tpu.vector_load %arg7[%swap3A_334, %swap3A_335, %swap3A_336] {strides = array<i32>} : memref<2x128x144xf32, #tpu.memory_space<vmem>>, vector<1x1x16xf32>,
      %swap3A_338 = vector.shape_cast %swap3A_337 : vector<1x1x16xf32> to vector<16xf32>
      %swap3A_339 = vector.shape_cast %broadcast_in_dim3A_65 : vector<16xf32> to vector<1x1x16xf32>
      tpu.vector_store %arg7[%swap3A_334, %swap3A_335, %swap3A_336], %swap3A_339 {strides = array<i32>} : memref<2x128x144xf32, #tpu.memory_space<vmem>>, vector<1x1x16xf32>,
      %swap3A_340 = arith.constant 0 : i32
      %swap3A_341 = arith.index_cast %swap3A_340 : i32 to index
      %swap3A_342 = arith.index_cast %scan3A_304 : i32 to index
      %swap3A_343 = arith.constant 80 : index
      %swap3A_344 = tpu.vector_load %arg7[%swap3A_341, %swap3A_342, %swap3A_343] {strides = array<i32>} : memref<2x128x144xf32, #tpu.memory_space<vmem>>, vector<1x1x16xf32>,
      %swap3A_345 = vector.shape_cast %swap3A_344 : vector<1x1x16xf32> to vector<16xf32>
      %swap3A_346 = vector.shape_cast %broadcast_in_dim3A_65 : vector<16xf32> to vector<1x1x16xf32>
      tpu.vector_store %arg7[%swap3A_341, %swap3A_342, %swap3A_343], %swap3A_346 {strides = array<i32>} : memref<2x128x144xf32, #tpu.memory_space<vmem>>, vector<1x1x16xf32>,
      %swap3A_347 = arith.constant 0 : i32
      %swap3A_348 = arith.index_cast %swap3A_347 : i32 to index
      %swap3A_349 = arith.index_cast %scan3A_304 : i32 to index
      %swap3A_350 = arith.constant 96 : index
      %swap3A_351 = tpu.vector_load %arg7[%swap3A_348, %swap3A_349, %swap3A_350] {strides = array<i32>} : memref<2x128x144xf32, #tpu.memory_space<vmem>>, vector<1x1x16xf32>,
      %swap3A_352 = vector.shape_cast %swap3A_351 : vector<1x1x16xf32> to vector<16xf32>
      %swap3A_353 = vector.shape_cast %broadcast_in_dim3A_65 : vector<16xf32> to vector<1x1x16xf32>
      tpu.vector_store %arg7[%swap3A_348, %swap3A_349, %swap3A_350], %swap3A_353 {strides = array<i32>} : memref<2x128x144xf32, #tpu.memory_space<vmem>>, vector<1x1x16xf32>,
      %swap3A_354 = arith.constant 0 : i32
      %swap3A_355 = arith.index_cast %swap3A_354 : i32 to index
      %swap3A_356 = arith.index_cast %scan3A_304 : i32 to index
      %swap3A_357 = arith.constant 112 : index
      %swap3A_358 = tpu.vector_load %arg7[%swap3A_355, %swap3A_356, %swap3A_357] {strides = array<i32>} : memref<2x128x144xf32, #tpu.memory_space<vmem>>, vector<1x1x16xf32>,
      %swap3A_359 = vector.shape_cast %swap3A_358 : vector<1x1x16xf32> to vector<16xf32>
      %swap3A_360 = vector.shape_cast %broadcast_in_dim3A_65 : vector<16xf32> to vector<1x1x16xf32>
      tpu.vector_store %arg7[%swap3A_355, %swap3A_356, %swap3A_357], %swap3A_360 {strides = array<i32>} : memref<2x128x144xf32, #tpu.memory_space<vmem>>, vector<1x1x16xf32>,
      %swap3A_361 = arith.constant 0 : i32
      %swap3A_362 = arith.index_cast %swap3A_361 : i32 to index
      %swap3A_363 = arith.index_cast %scan3A_304 : i32 to index
      %swap3A_364 = arith.constant 128 : index
      %swap3A_365 = tpu.vector_load %arg7[%swap3A_362, %swap3A_363, %swap3A_364] {strides = array<i32>} : memref<2x128x144xf32, #tpu.memory_space<vmem>>, vector<1x1x16xf32>,
      %swap3A_366 = vector.shape_cast %swap3A_365 : vector<1x1x16xf32> to vector<16xf32>
      %swap3A_367 = vector.shape_cast %broadcast_in_dim3A_65 : vector<16xf32> to vector<1x1x16xf32>
      tpu.vector_store %arg7[%swap3A_362, %swap3A_363, %swap3A_364], %swap3A_367 {strides = array<i32>} : memref<2x128x144xf32, #tpu.memory_space<vmem>>, vector<1x1x16xf32>,
      %scan3A_368 = arith.constant 0 : i32
      scf.yield %scan3A_368 : i32
    }
    %scan3A_71 = arith.constant 128 : i32
    %mul3A_72 = arith.constant 624 : i32
    %mul3A_73 = arith.muli %arg1, %mul3A_72 : i32
    %add3A_74 = arith.constant 0 : i32
    %add3A_75 = arith.addi %mul3A_73, %add3A_74 : i32
    %run_scoped3A = arith.constant 0 : i32
    "tpu.region"() ({
      %run_scoped3A_304 = tpu.sem_alloc : memref<!tpu.dma_semaphore, #tpu.memory_space<semaphore_mem>>
      %dma_start3A_305 = arith.constant 0 : i32
      %dma_start3A_306 = arith.constant 0 : i32
      %dma_start3A_307 = tpu.memref_slice %arg7[%run_scoped3A, %dma_start3A_305, %dma_start3A_306] : memref<2x128x144xf32, #tpu.memory_space<vmem>> -> memref<1x128x144xf32, #tpu.memory_space<vmem>>
      %dma_start3A_308 = tpu.memref_squeeze %dma_start3A_307 : memref<1x128x144xf32, #tpu.memory_space<vmem>> -> memref<128x144xf32, #tpu.memory_space<vmem>>
      %dma_start3A_309 = arith.constant 0 : i32
      %dma_start3A_310 = tpu.memref_slice %arg8[%add3A_75, %dma_start3A_309] : memref<10000x144xf32, #tpu.memory_space<vmem_shared>> -> memref<128x144xf32, #tpu.memory_space<vmem_shared>>
      %dma_start3A_311 = arith.constant 0 : i32
      %dma_start3A_312 = tpu.memref_slice %arg8[%add3A_75, %dma_start3A_311] : memref<10000x144xf32, #tpu.memory_space<vmem_shared>> -> memref<128x144xf32, #tpu.memory_space<vmem_shared>>
      %dma_start3A_313 = arith.constant 0 : i32
      %dma_start3A_314 = arith.constant 0 : i32
      %dma_start3A_315 = tpu.memref_slice %arg7[%run_scoped3A, %dma_start3A_313, %dma_start3A_314] : memref<2x128x144xf32, #tpu.memory_space<vmem>> -> memref<1x128x144xf32, #tpu.memory_space<vmem>>
      %dma_start3A_316 = tpu.memref_squeeze %dma_start3A_315 : memref<1x128x144xf32, #tpu.memory_space<vmem>> -> memref<128x144xf32, #tpu.memory_space<vmem>>
      tpu.enqueue_dma source(%dma_start3A_316 : memref<128x144xf32, #tpu.memory_space<vmem>>) target(%dma_start3A_312 : memref<128x144xf32, #tpu.memory_space<vmem_shared>>) target_semaphore(%run_scoped3A_304 : memref<!tpu.dma_semaphore, #tpu.memory_space<semaphore_mem>>)
      %dma_wait3A_317 = arith.constant 0 : i32
      %dma_wait3A_318 = arith.constant 0 : i32
      %dma_wait3A_319 = tpu.memref_slice %arg7[%run_scoped3A, %dma_wait3A_317, %dma_wait3A_318] : memref<2x128x144xf32, #tpu.memory_space<vmem>> -> memref<1x128x144xf32, #tpu.memory_space<vmem>>
      %dma_wait3A_320 = tpu.memref_squeeze %dma_wait3A_319 : memref<1x128x144xf32, #tpu.memory_space<vmem>> -> memref<128x144xf32, #tpu.memory_space<vmem>>
      %dma_wait3A_321 = arith.constant 0 : i32
      %dma_wait3A_322 = tpu.memref_slice %arg8[%add3A_75, %dma_wait3A_321] : memref<10000x144xf32, #tpu.memory_space<vmem_shared>> -> memref<128x144xf32, #tpu.memory_space<vmem_shared>>
      %dma_wait3A_323 = arith.constant 0 : i32
      %dma_wait3A_324 = tpu.memref_slice %arg8[%add3A_75, %dma_wait3A_323] : memref<10000x144xf32, #tpu.memory_space<vmem_shared>> -> memref<128x144xf32, #tpu.memory_space<vmem_shared>>
      %dma_wait3A_325 = arith.constant 0 : i32
      %dma_wait3A_326 = arith.constant 0 : i32
      %dma_wait3A_327 = tpu.memref_slice %arg7[%run_scoped3A, %dma_wait3A_325, %dma_wait3A_326] : memref<2x128x144xf32, #tpu.memory_space<vmem>> -> memref<1x128x144xf32, #tpu.memory_space<vmem>>
      %dma_wait3A_328 = tpu.memref_squeeze %dma_wait3A_327 : memref<1x128x144xf32, #tpu.memory_space<vmem>> -> memref<128x144xf32, #tpu.memory_space<vmem>>
      tpu.wait_dma2 semaphore(%run_scoped3A_304 : memref<!tpu.dma_semaphore, #tpu.memory_space<semaphore_mem>>) src(%dma_wait3A_328 : memref<128x144xf32, #tpu.memory_space<vmem>>) dst(%dma_wait3A_324 : memref<128x144xf32, #tpu.memory_space<vmem_shared>>)
      tpu.yield
    }) : () -> ()
    %mul3A_76 = arith.constant 624 : i32
    %mul3A_77 = arith.muli %arg1, %mul3A_76 : i32
    %add3A_78 = arith.constant 128 : i32
    %add3A_79 = arith.addi %mul3A_77, %add3A_78 : i32
    %run_scoped3A_80 = arith.constant 0 : i32
    "tpu.region"() ({
      %run_scoped3A_304 = tpu.sem_alloc : memref<!tpu.dma_semaphore, #tpu.memory_space<semaphore_mem>>
      %dma_start3A_305 = arith.constant 0 : i32
      %dma_start3A_306 = arith.constant 0 : i32
      %dma_start3A_307 = tpu.memref_slice %arg7[%run_scoped3A_80, %dma_start3A_305, %dma_start3A_306] : memref<2x128x144xf32, #tpu.memory_space<vmem>> -> memref<1x128x144xf32, #tpu.memory_space<vmem>>
      %dma_start3A_308 = tpu.memref_squeeze %dma_start3A_307 : memref<1x128x144xf32, #tpu.memory_space<vmem>> -> memref<128x144xf32, #tpu.memory_space<vmem>>
      %dma_start3A_309 = arith.constant 0 : i32
      %dma_start3A_310 = tpu.memref_slice %arg8[%add3A_79, %dma_start3A_309] : memref<10000x144xf32, #tpu.memory_space<vmem_shared>> -> memref<128x144xf32, #tpu.memory_space<vmem_shared>>
      %dma_start3A_311 = arith.constant 0 : i32
      %dma_start3A_312 = tpu.memref_slice %arg8[%add3A_79, %dma_start3A_311] : memref<10000x144xf32, #tpu.memory_space<vmem_shared>> -> memref<128x144xf32, #tpu.memory_space<vmem_shared>>
      %dma_start3A_313 = arith.constant 0 : i32
      %dma_start3A_314 = arith.constant 0 : i32
      %dma_start3A_315 = tpu.memref_slice %arg7[%run_scoped3A_80, %dma_start3A_313, %dma_start3A_314] : memref<2x128x144xf32, #tpu.memory_space<vmem>> -> memref<1x128x144xf32, #tpu.memory_space<vmem>>
      %dma_start3A_316 = tpu.memref_squeeze %dma_start3A_315 : memref<1x128x144xf32, #tpu.memory_space<vmem>> -> memref<128x144xf32, #tpu.memory_space<vmem>>
      tpu.enqueue_dma source(%dma_start3A_316 : memref<128x144xf32, #tpu.memory_space<vmem>>) target(%dma_start3A_312 : memref<128x144xf32, #tpu.memory_space<vmem_shared>>) target_semaphore(%run_scoped3A_304 : memref<!tpu.dma_semaphore, #tpu.memory_space<semaphore_mem>>)
      %dma_wait3A_317 = arith.constant 0 : i32
      %dma_wait3A_318 = arith.constant 0 : i32
      %dma_wait3A_319 = tpu.memref_slice %arg7[%run_scoped3A_80, %dma_wait3A_317, %dma_wait3A_318] : memref<2x128x144xf32, #tpu.memory_space<vmem>> -> memref<1x128x144xf32, #tpu.memory_space<vmem>>
      %dma_wait3A_320 = tpu.memref_squeeze %dma_wait3A_319 : memref<1x128x144xf32, #tpu.memory_space<vmem>> -> memref<128x144xf32, #tpu.memory_space<vmem>>
      %dma_wait3A_321 = arith.constant 0 : i32
      %dma_wait3A_322 = tpu.memref_slice %arg8[%add3A_79, %dma_wait3A_321] : memref<10000x144xf32, #tpu.memory_space<vmem_shared>> -> memref<128x144xf32, #tpu.memory_space<vmem_shared>>
      %dma_wait3A_323 = arith.constant 0 : i32
      %dma_wait3A_324 = tpu.memref_slice %arg8[%add3A_79, %dma_wait3A_323] : memref<10000x144xf32, #tpu.memory_space<vmem_shared>> -> memref<128x144xf32, #tpu.memory_space<vmem_shared>>
      %dma_wait3A_325 = arith.constant 0 : i32
      %dma_wait3A_326 = arith.constant 0 : i32
      %dma_wait3A_327 = tpu.memref_slice %arg7[%run_scoped3A_80, %dma_wait3A_325, %dma_wait3A_326] : memref<2x128x144xf32, #tpu.memory_space<vmem>> -> memref<1x128x144xf32, #tpu.memory_space<vmem>>
      %dma_wait3A_328 = tpu.memref_squeeze %dma_wait3A_327 : memref<1x128x144xf32, #tpu.memory_space<vmem>> -> memref<128x144xf32, #tpu.memory_space<vmem>>
      tpu.wait_dma2 semaphore(%run_scoped3A_304 : memref<!tpu.dma_semaphore, #tpu.memory_space<semaphore_mem>>) src(%dma_wait3A_328 : memref<128x144xf32, #tpu.memory_space<vmem>>) dst(%dma_wait3A_324 : memref<128x144xf32, #tpu.memory_space<vmem_shared>>)
      tpu.yield
    }) : () -> ()
    %mul3A_81 = arith.constant 624 : i32
    %mul3A_82 = arith.muli %arg1, %mul3A_81 : i32
    %add3A_83 = arith.constant 256 : i32
    %add3A_84 = arith.addi %mul3A_82, %add3A_83 : i32
    %run_scoped3A_85 = arith.constant 0 : i32
    "tpu.region"() ({
      %run_scoped3A_304 = tpu.sem_alloc : memref<!tpu.dma_semaphore, #tpu.memory_space<semaphore_mem>>
      %dma_start3A_305 = arith.constant 0 : i32
      %dma_start3A_306 = arith.constant 0 : i32
      %dma_start3A_307 = tpu.memref_slice %arg7[%run_scoped3A_85, %dma_start3A_305, %dma_start3A_306] : memref<2x128x144xf32, #tpu.memory_space<vmem>> -> memref<1x128x144xf32, #tpu.memory_space<vmem>>
      %dma_start3A_308 = tpu.memref_squeeze %dma_start3A_307 : memref<1x128x144xf32, #tpu.memory_space<vmem>> -> memref<128x144xf32, #tpu.memory_space<vmem>>
      %dma_start3A_309 = arith.constant 0 : i32
      %dma_start3A_310 = tpu.memref_slice %arg8[%add3A_84, %dma_start3A_309] : memref<10000x144xf32, #tpu.memory_space<vmem_shared>> -> memref<128x144xf32, #tpu.memory_space<vmem_shared>>
      %dma_start3A_311 = arith.constant 0 : i32
      %dma_start3A_312 = tpu.memref_slice %arg8[%add3A_84, %dma_start3A_311] : memref<10000x144xf32, #tpu.memory_space<vmem_shared>> -> memref<128x144xf32, #tpu.memory_space<vmem_shared>>
      %dma_start3A_313 = arith.constant 0 : i32
      %dma_start3A_314 = arith.constant 0 : i32
      %dma_start3A_315 = tpu.memref_slice %arg7[%run_scoped3A_85, %dma_start3A_313, %dma_start3A_314] : memref<2x128x144xf32, #tpu.memory_space<vmem>> -> memref<1x128x144xf32, #tpu.memory_space<vmem>>
      %dma_start3A_316 = tpu.memref_squeeze %dma_start3A_315 : memref<1x128x144xf32, #tpu.memory_space<vmem>> -> memref<128x144xf32, #tpu.memory_space<vmem>>
      tpu.enqueue_dma source(%dma_start3A_316 : memref<128x144xf32, #tpu.memory_space<vmem>>) target(%dma_start3A_312 : memref<128x144xf32, #tpu.memory_space<vmem_shared>>) target_semaphore(%run_scoped3A_304 : memref<!tpu.dma_semaphore, #tpu.memory_space<semaphore_mem>>)
      %dma_wait3A_317 = arith.constant 0 : i32
      %dma_wait3A_318 = arith.constant 0 : i32
      %dma_wait3A_319 = tpu.memref_slice %arg7[%run_scoped3A_85, %dma_wait3A_317, %dma_wait3A_318] : memref<2x128x144xf32, #tpu.memory_space<vmem>> -> memref<1x128x144xf32, #tpu.memory_space<vmem>>
      %dma_wait3A_320 = tpu.memref_squeeze %dma_wait3A_319 : memref<1x128x144xf32, #tpu.memory_space<vmem>> -> memref<128x144xf32, #tpu.memory_space<vmem>>
      %dma_wait3A_321 = arith.constant 0 : i32
      %dma_wait3A_322 = tpu.memref_slice %arg8[%add3A_84, %dma_wait3A_321] : memref<10000x144xf32, #tpu.memory_space<vmem_shared>> -> memref<128x144xf32, #tpu.memory_space<vmem_shared>>
      %dma_wait3A_323 = arith.constant 0 : i32
      %dma_wait3A_324 = tpu.memref_slice %arg8[%add3A_84, %dma_wait3A_323] : memref<10000x144xf32, #tpu.memory_space<vmem_shared>> -> memref<128x144xf32, #tpu.memory_space<vmem_shared>>
      %dma_wait3A_325 = arith.constant 0 : i32
      %dma_wait3A_326 = arith.constant 0 : i32
      %dma_wait3A_327 = tpu.memref_slice %arg7[%run_scoped3A_85, %dma_wait3A_325, %dma_wait3A_326] : memref<2x128x144xf32, #tpu.memory_space<vmem>> -> memref<1x128x144xf32, #tpu.memory_space<vmem>>
      %dma_wait3A_328 = tpu.memref_squeeze %dma_wait3A_327 : memref<1x128x144xf32, #tpu.memory_space<vmem>> -> memref<128x144xf32, #tpu.memory_space<vmem>>
      tpu.wait_dma2 semaphore(%run_scoped3A_304 : memref<!tpu.dma_semaphore, #tpu.memory_space<semaphore_mem>>) src(%dma_wait3A_328 : memref<128x144xf32, #tpu.memory_space<vmem>>) dst(%dma_wait3A_324 : memref<128x144xf32, #tpu.memory_space<vmem_shared>>)
      tpu.yield
    }) : () -> ()
    %mul3A_86 = arith.constant 624 : i32
    %mul3A_87 = arith.muli %arg1, %mul3A_86 : i32
    %add3A_88 = arith.constant 384 : i32
    %add3A_89 = arith.addi %mul3A_87, %add3A_88 : i32
    %run_scoped3A_90 = arith.constant 0 : i32
    "tpu.region"() ({
      %run_scoped3A_304 = tpu.sem_alloc : memref<!tpu.dma_semaphore, #tpu.memory_space<semaphore_mem>>
      %dma_start3A_305 = arith.constant 0 : i32
      %dma_start3A_306 = arith.constant 0 : i32
      %dma_start3A_307 = tpu.memref_slice %arg7[%run_scoped3A_90, %dma_start3A_305, %dma_start3A_306] : memref<2x128x144xf32, #tpu.memory_space<vmem>> -> memref<1x128x144xf32, #tpu.memory_space<vmem>>
      %dma_start3A_308 = tpu.memref_squeeze %dma_start3A_307 : memref<1x128x144xf32, #tpu.memory_space<vmem>> -> memref<128x144xf32, #tpu.memory_space<vmem>>
      %dma_start3A_309 = arith.constant 0 : i32
      %dma_start3A_310 = tpu.memref_slice %arg8[%add3A_89, %dma_start3A_309] : memref<10000x144xf32, #tpu.memory_space<vmem_shared>> -> memref<128x144xf32, #tpu.memory_space<vmem_shared>>
      %dma_start3A_311 = arith.constant 0 : i32
      %dma_start3A_312 = tpu.memref_slice %arg8[%add3A_89, %dma_start3A_311] : memref<10000x144xf32, #tpu.memory_space<vmem_shared>> -> memref<128x144xf32, #tpu.memory_space<vmem_shared>>
      %dma_start3A_313 = arith.constant 0 : i32
      %dma_start3A_314 = arith.constant 0 : i32
      %dma_start3A_315 = tpu.memref_slice %arg7[%run_scoped3A_90, %dma_start3A_313, %dma_start3A_314] : memref<2x128x144xf32, #tpu.memory_space<vmem>> -> memref<1x128x144xf32, #tpu.memory_space<vmem>>
      %dma_start3A_316 = tpu.memref_squeeze %dma_start3A_315 : memref<1x128x144xf32, #tpu.memory_space<vmem>> -> memref<128x144xf32, #tpu.memory_space<vmem>>
      tpu.enqueue_dma source(%dma_start3A_316 : memref<128x144xf32, #tpu.memory_space<vmem>>) target(%dma_start3A_312 : memref<128x144xf32, #tpu.memory_space<vmem_shared>>) target_semaphore(%run_scoped3A_304 : memref<!tpu.dma_semaphore, #tpu.memory_space<semaphore_mem>>)
      %dma_wait3A_317 = arith.constant 0 : i32
      %dma_wait3A_318 = arith.constant 0 : i32
      %dma_wait3A_319 = tpu.memref_slice %arg7[%run_scoped3A_90, %dma_wait3A_317, %dma_wait3A_318] : memref<2x128x144xf32, #tpu.memory_space<vmem>> -> memref<1x128x144xf32, #tpu.memory_space<vmem>>
      %dma_wait3A_320 = tpu.memref_squeeze %dma_wait3A_319 : memref<1x128x144xf32, #tpu.memory_space<vmem>> -> memref<128x144xf32, #tpu.memory_space<vmem>>
      %dma_wait3A_321 = arith.constant 0 : i32
      %dma_wait3A_322 = tpu.memref_slice %arg8[%add3A_89, %dma_wait3A_321] : memref<10000x144xf32, #tpu.memory_space<vmem_shared>> -> memref<128x144xf32, #tpu.memory_space<vmem_shared>>
      %dma_wait3A_323 = arith.constant 0 : i32
      %dma_wait3A_324 = tpu.memref_slice %arg8[%add3A_89, %dma_wait3A_323] : memref<10000x144xf32, #tpu.memory_space<vmem_shared>> -> memref<128x144xf32, #tpu.memory_space<vmem_shared>>
      %dma_wait3A_325 = arith.constant 0 : i32
      %dma_wait3A_326 = arith.constant 0 : i32
      %dma_wait3A_327 = tpu.memref_slice %arg7[%run_scoped3A_90, %dma_wait3A_325, %dma_wait3A_326] : memref<2x128x144xf32, #tpu.memory_space<vmem>> -> memref<1x128x144xf32, #tpu.memory_space<vmem>>
      %dma_wait3A_328 = tpu.memref_squeeze %dma_wait3A_327 : memref<1x128x144xf32, #tpu.memory_space<vmem>> -> memref<128x144xf32, #tpu.memory_space<vmem>>
      tpu.wait_dma2 semaphore(%run_scoped3A_304 : memref<!tpu.dma_semaphore, #tpu.memory_space<semaphore_mem>>) src(%dma_wait3A_328 : memref<128x144xf32, #tpu.memory_space<vmem>>) dst(%dma_wait3A_324 : memref<128x144xf32, #tpu.memory_space<vmem_shared>>)
      tpu.yield
    }) : () -> ()
    %mul3A_91 = arith.constant 624 : i32
    %mul3A_92 = arith.muli %arg1, %mul3A_91 : i32
    %add3A_93 = arith.constant 512 : i32
    %add3A_94 = arith.addi %mul3A_92, %add3A_93 : i32
    %run_scoped3A_95 = arith.constant 0 : i32
    "tpu.region"() ({
      %run_scoped3A_304 = tpu.sem_alloc : memref<!tpu.dma_semaphore, #tpu.memory_space<semaphore_mem>>
      %dma_start3A_305 = arith.constant 0 : i32
      %dma_start3A_306 = arith.constant 0 : i32
      %dma_start3A_307 = tpu.memref_slice %arg7[%run_scoped3A_95, %dma_start3A_305, %dma_start3A_306] : memref<2x128x144xf32, #tpu.memory_space<vmem>> -> memref<1x112x144xf32, #tpu.memory_space<vmem>>
      %dma_start3A_308 = tpu.memref_squeeze %dma_start3A_307 : memref<1x112x144xf32, #tpu.memory_space<vmem>> -> memref<112x144xf32, #tpu.memory_space<vmem>>
      %dma_start3A_309 = arith.constant 0 : i32
      %dma_start3A_310 = tpu.memref_slice %arg8[%add3A_94, %dma_start3A_309] : memref<10000x144xf32, #tpu.memory_space<vmem_shared>> -> memref<112x144xf32, #tpu.memory_space<vmem_shared>>
      %dma_start3A_311 = arith.constant 0 : i32
      %dma_start3A_312 = tpu.memref_slice %arg8[%add3A_94, %dma_start3A_311] : memref<10000x144xf32, #tpu.memory_space<vmem_shared>> -> memref<112x144xf32, #tpu.memory_space<vmem_shared>>
      %dma_start3A_313 = arith.constant 0 : i32
      %dma_start3A_314 = arith.constant 0 : i32
      %dma_start3A_315 = tpu.memref_slice %arg7[%run_scoped3A_95, %dma_start3A_313, %dma_start3A_314] : memref<2x128x144xf32, #tpu.memory_space<vmem>> -> memref<1x112x144xf32, #tpu.memory_space<vmem>>
      %dma_start3A_316 = tpu.memref_squeeze %dma_start3A_315 : memref<1x112x144xf32, #tpu.memory_space<vmem>> -> memref<112x144xf32, #tpu.memory_space<vmem>>
      tpu.enqueue_dma source(%dma_start3A_316 : memref<112x144xf32, #tpu.memory_space<vmem>>) target(%dma_start3A_312 : memref<112x144xf32, #tpu.memory_space<vmem_shared>>) target_semaphore(%run_scoped3A_304 : memref<!tpu.dma_semaphore, #tpu.memory_space<semaphore_mem>>)
      %dma_wait3A_317 = arith.constant 0 : i32
      %dma_wait3A_318 = arith.constant 0 : i32
      %dma_wait3A_319 = tpu.memref_slice %arg7[%run_scoped3A_95, %dma_wait3A_317, %dma_wait3A_318] : memref<2x128x144xf32, #tpu.memory_space<vmem>> -> memref<1x112x144xf32, #tpu.memory_space<vmem>>
      %dma_wait3A_320 = tpu.memref_squeeze %dma_wait3A_319 : memref<1x112x144xf32, #tpu.memory_space<vmem>> -> memref<112x144xf32, #tpu.memory_space<vmem>>
      %dma_wait3A_321 = arith.constant 0 : i32
      %dma_wait3A_322 = tpu.memref_slice %arg8[%add3A_94, %dma_wait3A_321] : memref<10000x144xf32, #tpu.memory_space<vmem_shared>> -> memref<112x144xf32, #tpu.memory_space<vmem_shared>>
      %dma_wait3A_323 = arith.constant 0 : i32
      %dma_wait3A_324 = tpu.memref_slice %arg8[%add3A_94, %dma_wait3A_323] : memref<10000x144xf32, #tpu.memory_space<vmem_shared>> -> memref<112x144xf32, #tpu.memory_space<vmem_shared>>
      %dma_wait3A_325 = arith.constant 0 : i32
      %dma_wait3A_326 = arith.constant 0 : i32
      %dma_wait3A_327 = tpu.memref_slice %arg7[%run_scoped3A_95, %dma_wait3A_325, %dma_wait3A_326] : memref<2x128x144xf32, #tpu.memory_space<vmem>> -> memref<1x112x144xf32, #tpu.memory_space<vmem>>
      %dma_wait3A_328 = tpu.memref_squeeze %dma_wait3A_327 : memref<1x112x144xf32, #tpu.memory_space<vmem>> -> memref<112x144xf32, #tpu.memory_space<vmem>>
      tpu.wait_dma2 semaphore(%run_scoped3A_304 : memref<!tpu.dma_semaphore, #tpu.memory_space<semaphore_mem>>) src(%dma_wait3A_328 : memref<112x144xf32, #tpu.memory_space<vmem>>) dst(%dma_wait3A_324 : memref<112x144xf32, #tpu.memory_space<vmem_shared>>)
      tpu.yield
    }) : () -> ()
    %eq3A = arith.constant 15 : i32
    %eq3A_96 = arith.cmpi eq, %arg1, %eq3A : i32
    %convert_element_type3A = arith.extui %eq3A_96 : i1 to i32
    %cond3A = arith.constant 0 : i32
    %cond3A_97 = arith.cmpi ne, %convert_element_type3A, %cond3A : i32
    scf.if %cond3A_97 {
      %run_scoped3A_304 = arith.constant 0 : i32
      "tpu.region"() ({
        %run_scoped3A_305 = tpu.sem_alloc : memref<!tpu.dma_semaphore, #tpu.memory_space<semaphore_mem>>
        %dma_start3A_306 = arith.constant 0 : i32
        %dma_start3A_307 = arith.constant 0 : i32
        %dma_start3A_308 = tpu.memref_slice %arg7[%run_scoped3A_304, %dma_start3A_306, %dma_start3A_307] : memref<2x128x144xf32, #tpu.memory_space<vmem>> -> memref<1x16x144xf32, #tpu.memory_space<vmem>>
        %dma_start3A_309 = tpu.memref_squeeze %dma_start3A_308 : memref<1x16x144xf32, #tpu.memory_space<vmem>> -> memref<16x144xf32, #tpu.memory_space<vmem>>
        %dma_start3A_310 = arith.constant 9984 : i32
        %dma_start3A_311 = arith.constant 0 : i32
        %dma_start3A_312 = tpu.memref_slice %arg8[%dma_start3A_310, %dma_start3A_311] : memref<10000x144xf32, #tpu.memory_space<vmem_shared>> -> memref<16x144xf32, #tpu.memory_space<vmem_shared>>
        %dma_start3A_313 = arith.constant 9984 : i32
        %dma_start3A_314 = arith.constant 0 : i32
        %dma_start3A_315 = tpu.memref_slice %arg8[%dma_start3A_313, %dma_start3A_314] : memref<10000x144xf32, #tpu.memory_space<vmem_shared>> -> memref<16x144xf32, #tpu.memory_space<vmem_shared>>
        %dma_start3A_316 = arith.constant 0 : i32
        %dma_start3A_317 = arith.constant 0 : i32
        %dma_start3A_318 = tpu.memref_slice %arg7[%run_scoped3A_304, %dma_start3A_316, %dma_start3A_317] : memref<2x128x144xf32, #tpu.memory_space<vmem>> -> memref<1x16x144xf32, #tpu.memory_space<vmem>>
        %dma_start3A_319 = tpu.memref_squeeze %dma_start3A_318 : memref<1x16x144xf32, #tpu.memory_space<vmem>> -> memref<16x144xf32, #tpu.memory_space<vmem>>
        tpu.enqueue_dma source(%dma_start3A_319 : memref<16x144xf32, #tpu.memory_space<vmem>>) target(%dma_start3A_315 : memref<16x144xf32, #tpu.memory_space<vmem_shared>>) target_semaphore(%run_scoped3A_305 : memref<!tpu.dma_semaphore, #tpu.memory_space<semaphore_mem>>)
        %dma_wait3A_320 = arith.constant 0 : i32
        %dma_wait3A_321 = arith.constant 0 : i32
        %dma_wait3A_322 = tpu.memref_slice %arg7[%run_scoped3A_304, %dma_wait3A_320, %dma_wait3A_321] : memref<2x128x144xf32, #tpu.memory_space<vmem>> -> memref<1x16x144xf32, #tpu.memory_space<vmem>>
        %dma_wait3A_323 = tpu.memref_squeeze %dma_wait3A_322 : memref<1x16x144xf32, #tpu.memory_space<vmem>> -> memref<16x144xf32, #tpu.memory_space<vmem>>
        %dma_wait3A_324 = arith.constant 9984 : i32
        %dma_wait3A_325 = arith.constant 0 : i32
        %dma_wait3A_326 = tpu.memref_slice %arg8[%dma_wait3A_324, %dma_wait3A_325] : memref<10000x144xf32, #tpu.memory_space<vmem_shared>> -> memref<16x144xf32, #tpu.memory_space<vmem_shared>>
        %dma_wait3A_327 = arith.constant 9984 : i32
        %dma_wait3A_328 = arith.constant 0 : i32
        %dma_wait3A_329 = tpu.memref_slice %arg8[%dma_wait3A_327, %dma_wait3A_328] : memref<10000x144xf32, #tpu.memory_space<vmem_shared>> -> memref<16x144xf32, #tpu.memory_space<vmem_shared>>
        %dma_wait3A_330 = arith.constant 0 : i32
        %dma_wait3A_331 = arith.constant 0 : i32
        %dma_wait3A_332 = tpu.memref_slice %arg7[%run_scoped3A_304, %dma_wait3A_330, %dma_wait3A_331] : memref<2x128x144xf32, #tpu.memory_space<vmem>> -> memref<1x16x144xf32, #tpu.memory_space<vmem>>
        %dma_wait3A_333 = tpu.memref_squeeze %dma_wait3A_332 : memref<1x16x144xf32, #tpu.memory_space<vmem>> -> memref<16x144xf32, #tpu.memory_space<vmem>>
        tpu.wait_dma2 semaphore(%run_scoped3A_305 : memref<!tpu.dma_semaphore, #tpu.memory_space<semaphore_mem>>) src(%dma_wait3A_333 : memref<16x144xf32, #tpu.memory_space<vmem>>) dst(%dma_wait3A_329 : memref<16x144xf32, #tpu.memory_space<vmem_shared>>)
        tpu.yield
      }) : () -> ()
    } else {
    }
    %barrier3A = arith.constant 0 : index
    tpu.barrier barrier_id(%barrier3A)
    %add3A_98 = arith.constant 0 : i32
    %add3A_99 = arith.addi %mul3A_2, %add3A_98 : i32
    %rem3A_100 = arith.constant 0 : i32
    %rem3A_101 = arith.constant 4 : i32
    %rem3A_102 = arith.remsi %rem3A_100, %rem3A_101 : i32
    %dma_wait3A = arith.constant 0 : i32
    %dma_wait3A_103 = arith.constant 0 : i32
    %dma_wait3A_104 = tpu.memref_slice %arg5[%rem3A_102, %dma_wait3A_103] : memref<4x128xi32, #tpu.memory_space<vmem>> -> memref<1x128xi32, #tpu.memory_space<vmem>>
    %dma_wait3A_105 = tpu.memref_squeeze %dma_wait3A_104 : memref<1x128xi32, #tpu.memory_space<vmem>> -> memref<128xi32, #tpu.memory_space<vmem>>
    %dma_wait3A_106 = tpu.memref_slice %arg3[%dma_wait3A, %add3A_99] : memref<2x320000xi32, #tpu.memory_space<hbm>> -> memref<1x128xi32, #tpu.memory_space<hbm>>
    %dma_wait3A_107 = tpu.memref_squeeze %dma_wait3A_106 : memref<1x128xi32, #tpu.memory_space<hbm>> -> memref<128xi32, #tpu.memory_space<hbm>>
    %dma_wait3A_108 = arith.constant 0 : i32
    %dma_wait3A_109 = tpu.memref_slice %arg5[%rem3A_102, %dma_wait3A_108] : memref<4x128xi32, #tpu.memory_space<vmem>> -> memref<1x128xi32, #tpu.memory_space<vmem>>
    %dma_wait3A_110 = tpu.memref_squeeze %dma_wait3A_109 : memref<1x128xi32, #tpu.memory_space<vmem>> -> memref<128xi32, #tpu.memory_space<vmem>>
    %dma_wait3A_111 = tpu.memref_slice %arg3[%dma_wait3A, %add3A_99] : memref<2x320000xi32, #tpu.memory_space<hbm>> -> memref<1x128xi32, #tpu.memory_space<hbm>>
    %dma_wait3A_112 = tpu.memref_squeeze %dma_wait3A_111 : memref<1x128xi32, #tpu.memory_space<hbm>> -> memref<128xi32, #tpu.memory_space<hbm>>
    tpu.wait_dma2 semaphore(%arg9 : memref<!tpu.dma_semaphore, #tpu.memory_space<semaphore_mem>>) src(%dma_wait3A_112 : memref<128xi32, #tpu.memory_space<hbm>>) dst(%dma_wait3A_110 : memref<128xi32, #tpu.memory_space<vmem>>)
    %add3A_113 = arith.constant 0 : i32
    %add3A_114 = arith.addi %mul3A_2, %add3A_113 : i32
    %rem3A_115 = arith.constant 0 : i32
    %rem3A_116 = arith.constant 4 : i32
    %rem3A_117 = arith.remsi %rem3A_115, %rem3A_116 : i32
    %dma_wait3A_118 = arith.constant 1 : i32
    %dma_wait3A_119 = arith.constant 0 : i32
    %dma_wait3A_120 = tpu.memref_slice %arg6[%rem3A_117, %dma_wait3A_119] : memref<4x128xi32, #tpu.memory_space<vmem>> -> memref<1x128xi32, #tpu.memory_space<vmem>>
    %dma_wait3A_121 = tpu.memref_squeeze %dma_wait3A_120 : memref<1x128xi32, #tpu.memory_space<vmem>> -> memref<128xi32, #tpu.memory_space<vmem>>
    %dma_wait3A_122 = tpu.memref_slice %arg3[%dma_wait3A_118, %add3A_114] : memref<2x320000xi32, #tpu.memory_space<hbm>> -> memref<1x128xi32, #tpu.memory_space<hbm>>
    %dma_wait3A_123 = tpu.memref_squeeze %dma_wait3A_122 : memref<1x128xi32, #tpu.memory_space<hbm>> -> memref<128xi32, #tpu.memory_space<hbm>>
    %dma_wait3A_124 = arith.constant 0 : i32
    %dma_wait3A_125 = tpu.memref_slice %arg6[%rem3A_117, %dma_wait3A_124] : memref<4x128xi32, #tpu.memory_space<vmem>> -> memref<1x128xi32, #tpu.memory_space<vmem>>
    %dma_wait3A_126 = tpu.memref_squeeze %dma_wait3A_125 : memref<1x128xi32, #tpu.memory_space<vmem>> -> memref<128xi32, #tpu.memory_space<vmem>>
    %dma_wait3A_127 = tpu.memref_slice %arg3[%dma_wait3A_118, %add3A_114] : memref<2x320000xi32, #tpu.memory_space<hbm>> -> memref<1x128xi32, #tpu.memory_space<hbm>>
    %dma_wait3A_128 = tpu.memref_squeeze %dma_wait3A_127 : memref<1x128xi32, #tpu.memory_space<hbm>> -> memref<128xi32, #tpu.memory_space<hbm>>
    tpu.wait_dma2 semaphore(%arg9 : memref<!tpu.dma_semaphore, #tpu.memory_space<semaphore_mem>>) src(%dma_wait3A_128 : memref<128xi32, #tpu.memory_space<hbm>>) dst(%dma_wait3A_126 : memref<128xi32, #tpu.memory_space<vmem>>)
    %add3A_129 = arith.constant 256 : i32
    %add3A_130 = arith.addi %mul3A_2, %add3A_129 : i32
    %rem3A_131 = arith.constant 2 : i32
    %rem3A_132 = arith.constant 4 : i32
    %rem3A_133 = arith.remsi %rem3A_131, %rem3A_132 : i32
    %dma_start3A_134 = arith.constant 0 : i32
    %dma_start3A_135 = arith.constant 0 : i32
    %dma_start3A_136 = tpu.memref_slice %arg5[%rem3A_133, %dma_start3A_135] : memref<4x128xi32, #tpu.memory_space<vmem>> -> memref<1x128xi32, #tpu.memory_space<vmem>>
    %dma_start3A_137 = tpu.memref_squeeze %dma_start3A_136 : memref<1x128xi32, #tpu.memory_space<vmem>> -> memref<128xi32, #tpu.memory_space<vmem>>
    %dma_start3A_138 = tpu.memref_slice %arg3[%dma_start3A_134, %add3A_130] : memref<2x320000xi32, #tpu.memory_space<hbm>> -> memref<1x128xi32, #tpu.memory_space<hbm>>
    %dma_start3A_139 = tpu.memref_squeeze %dma_start3A_138 : memref<1x128xi32, #tpu.memory_space<hbm>> -> memref<128xi32, #tpu.memory_space<hbm>>
    %dma_start3A_140 = arith.constant 0 : i32
    %dma_start3A_141 = tpu.memref_slice %arg5[%rem3A_133, %dma_start3A_140] : memref<4x128xi32, #tpu.memory_space<vmem>> -> memref<1x128xi32, #tpu.memory_space<vmem>>
    %dma_start3A_142 = tpu.memref_squeeze %dma_start3A_141 : memref<1x128xi32, #tpu.memory_space<vmem>> -> memref<128xi32, #tpu.memory_space<vmem>>
    %dma_start3A_143 = tpu.memref_slice %arg3[%dma_start3A_134, %add3A_130] : memref<2x320000xi32, #tpu.memory_space<hbm>> -> memref<1x128xi32, #tpu.memory_space<hbm>>
    %dma_start3A_144 = tpu.memref_squeeze %dma_start3A_143 : memref<1x128xi32, #tpu.memory_space<hbm>> -> memref<128xi32, #tpu.memory_space<hbm>>
    tpu.enqueue_dma source(%dma_start3A_144 : memref<128xi32, #tpu.memory_space<hbm>>) target(%dma_start3A_142 : memref<128xi32, #tpu.memory_space<vmem>>) target_semaphore(%arg9 : memref<!tpu.dma_semaphore, #tpu.memory_space<semaphore_mem>>)
    %add3A_145 = arith.constant 256 : i32
    %add3A_146 = arith.addi %mul3A_2, %add3A_145 : i32
    %rem3A_147 = arith.constant 2 : i32
    %rem3A_148 = arith.constant 4 : i32
    %rem3A_149 = arith.remsi %rem3A_147, %rem3A_148 : i32
    %dma_start3A_150 = arith.constant 1 : i32
    %dma_start3A_151 = arith.constant 0 : i32
    %dma_start3A_152 = tpu.memref_slice %arg6[%rem3A_149, %dma_start3A_151] : memref<4x128xi32, #tpu.memory_space<vmem>> -> memref<1x128xi32, #tpu.memory_space<vmem>>
    %dma_start3A_153 = tpu.memref_squeeze %dma_start3A_152 : memref<1x128xi32, #tpu.memory_space<vmem>> -> memref<128xi32, #tpu.memory_space<vmem>>
    %dma_start3A_154 = tpu.memref_slice %arg3[%dma_start3A_150, %add3A_146] : memref<2x320000xi32, #tpu.memory_space<hbm>> -> memref<1x128xi32, #tpu.memory_space<hbm>>
    %dma_start3A_155 = tpu.memref_squeeze %dma_start3A_154 : memref<1x128xi32, #tpu.memory_space<hbm>> -> memref<128xi32, #tpu.memory_space<hbm>>
    %dma_start3A_156 = arith.constant 0 : i32
    %dma_start3A_157 = tpu.memref_slice %arg6[%rem3A_149, %dma_start3A_156] : memref<4x128xi32, #tpu.memory_space<vmem>> -> memref<1x128xi32, #tpu.memory_space<vmem>>
    %dma_start3A_158 = tpu.memref_squeeze %dma_start3A_157 : memref<1x128xi32, #tpu.memory_space<vmem>> -> memref<128xi32, #tpu.memory_space<vmem>>
    %dma_start3A_159 = tpu.memref_slice %arg3[%dma_start3A_150, %add3A_146] : memref<2x320000xi32, #tpu.memory_space<hbm>> -> memref<1x128xi32, #tpu.memory_space<hbm>>
    %dma_start3A_160 = tpu.memref_squeeze %dma_start3A_159 : memref<1x128xi32, #tpu.memory_space<hbm>> -> memref<128xi32, #tpu.memory_space<hbm>>
    tpu.enqueue_dma source(%dma_start3A_160 : memref<128xi32, #tpu.memory_space<hbm>>) target(%dma_start3A_158 : memref<128xi32, #tpu.memory_space<vmem>>) target_semaphore(%arg9 : memref<!tpu.dma_semaphore, #tpu.memory_space<semaphore_mem>>)
    %rem3A_161 = arith.constant 0 : i32
    %rem3A_162 = arith.constant 4 : i32
    %rem3A_163 = arith.remsi %rem3A_161, %rem3A_162 : i32
    %dma_start3A_164 = arith.constant 0 : i32
    %dma_start3A_165 = arith.constant 0 : i32
    %dma_start3A_166 = arith.constant 0 : i32
    %dma_start3A_167 = tpu.memref_slice %arg7[%dma_start3A_164, %dma_start3A_165, %dma_start3A_166] : memref<2x128x144xf32, #tpu.memory_space<vmem>> -> memref<1x128x144xf32, #tpu.memory_space<vmem>>
    %dma_start3A_168 = tpu.memref_squeeze %dma_start3A_167 : memref<1x128x144xf32, #tpu.memory_space<vmem>> -> memref<128x144xf32, #tpu.memory_space<vmem>>
    %dma_start3A_169 = arith.constant 0 : i32
    %dma_start3A_170 = tpu.memref_slice %arg5[%rem3A_163, %dma_start3A_169] : memref<4x128xi32, #tpu.memory_space<vmem>> -> memref<1x128xi32, #tpu.memory_space<vmem>>
    %dma_start3A_171 = tpu.memref_squeeze %dma_start3A_170 : memref<1x128xi32, #tpu.memory_space<vmem>> -> memref<128xi32, #tpu.memory_space<vmem>>
    %dma_start3A_172 = arith.constant 0 : i32
    %dma_start3A_173 = arith.constant 0 : i32
    %dma_start3A_174 = tpu.memref_slice %arg2[%dma_start3A_172, %dma_start3A_173] : memref<10000x144xf32, #tpu.memory_space<hbm>> -> memref<10000x144xf32, #tpu.memory_space<hbm>>
    tpu.enqueue_indirect_dma source(%dma_start3A_174 : memref<10000x144xf32, #tpu.memory_space<hbm>>) target(%dma_start3A_168 : memref<128x144xf32, #tpu.memory_space<vmem>>) offsets(%dma_start3A_171 : memref<128xi32, #tpu.memory_space<vmem>>) semaphore(%arg11 : memref<!tpu.dma_semaphore, #tpu.memory_space<semaphore_mem>>)
    %scan3A_175 = arith.constant 0 : i32
    %scan3A_176 = arith.constant 0 : i32
    %scan3A_177 = arith.constant 39 : i32
    %scan3A_178 = arith.addi %scan3A_176, %scan3A_177 : i32
    %scan3A_179 = arith.constant 1 : i32
    %scan3A_180 = scf.for %scan3A_304 = %scan3A_176 to %scan3A_178 step %scan3A_179 iter_args(%scan3A_305 = %scan3A_175) -> (i32)  : i32 {
      %mul3A_306 = arith.constant 2 : i32
      %mul3A_307 = arith.muli %mul3A_306, %scan3A_304 : i32
      %mul3A_308 = arith.constant 2 : i32
      %mul3A_309 = arith.muli %mul3A_308, %scan3A_304 : i32
      %add3A_310 = arith.constant 1 : i32
      %add3A_311 = arith.addi %mul3A_309, %add3A_310 : i32
      %rem3A_312 = arith.constant 4 : i32
      %rem3A_313 = arith.remsi %mul3A_307, %rem3A_312 : i32
      %dma_wait3A_314 = arith.constant 0 : i32
      %dma_wait3A_315 = arith.constant 0 : i32
      %dma_wait3A_316 = arith.constant 0 : i32
      %dma_wait3A_317 = tpu.memref_slice %arg7[%dma_wait3A_314, %dma_wait3A_315, %dma_wait3A_316] : memref<2x128x144xf32, #tpu.memory_space<vmem>> -> memref<1x128x144xf32, #tpu.memory_space<vmem>>
      %dma_wait3A_318 = tpu.memref_squeeze %dma_wait3A_317 : memref<1x128x144xf32, #tpu.memory_space<vmem>> -> memref<128x144xf32, #tpu.memory_space<vmem>>
      %dma_wait3A_319 = arith.constant 0 : i32
      %dma_wait3A_320 = tpu.memref_slice %arg5[%rem3A_313, %dma_wait3A_319] : memref<4x128xi32, #tpu.memory_space<vmem>> -> memref<1x128xi32, #tpu.memory_space<vmem>>
      %dma_wait3A_321 = tpu.memref_squeeze %dma_wait3A_320 : memref<1x128xi32, #tpu.memory_space<vmem>> -> memref<128xi32, #tpu.memory_space<vmem>>
      %dma_wait3A_322 = arith.constant 0 : i32
      %dma_wait3A_323 = arith.constant 0 : i32
      %dma_wait3A_324 = tpu.memref_slice %arg2[%dma_wait3A_322, %dma_wait3A_323] : memref<10000x144xf32, #tpu.memory_space<hbm>> -> memref<10000x144xf32, #tpu.memory_space<hbm>>
      tpu.wait_indirect_dma semaphore(%arg11 : memref<!tpu.dma_semaphore, #tpu.memory_space<semaphore_mem>>) src(%dma_wait3A_324 : memref<10000x144xf32, #tpu.memory_space<hbm>>) dst(%dma_wait3A_318 : memref<128x144xf32, #tpu.memory_space<vmem>>)
      %rem3A_325 = arith.constant 4 : i32
      %rem3A_326 = arith.remsi %mul3A_307, %rem3A_325 : i32
      %dma_start3A_327 = arith.constant 0 : i32
      %dma_start3A_328 = arith.constant 0 : i32
      %dma_start3A_329 = arith.constant 0 : i32
      %dma_start3A_330 = tpu.memref_slice %arg7[%dma_start3A_327, %dma_start3A_328, %dma_start3A_329] : memref<2x128x144xf32, #tpu.memory_space<vmem>> -> memref<1x128x144xf32, #tpu.memory_space<vmem>>
      %dma_start3A_331 = tpu.memref_squeeze %dma_start3A_330 : memref<1x128x144xf32, #tpu.memory_space<vmem>> -> memref<128x144xf32, #tpu.memory_space<vmem>>
      %dma_start3A_332 = arith.constant 0 : i32
      %dma_start3A_333 = tpu.memref_slice %arg6[%rem3A_326, %dma_start3A_332] : memref<4x128xi32, #tpu.memory_space<vmem>> -> memref<1x128xi32, #tpu.memory_space<vmem>>
      %dma_start3A_334 = tpu.memref_squeeze %dma_start3A_333 : memref<1x128xi32, #tpu.memory_space<vmem>> -> memref<128xi32, #tpu.memory_space<vmem>>
      %dma_start3A_335 = arith.constant 0 : i32
      %dma_start3A_336 = arith.constant 0 : i32
      %dma_start3A_337 = tpu.memref_slice %arg8[%dma_start3A_335, %dma_start3A_336] : memref<10000x144xf32, #tpu.memory_space<vmem_shared>> -> memref<10000x144xf32, #tpu.memory_space<vmem_shared>>
      tpu.enqueue_indirect_dma source(%dma_start3A_331 : memref<128x144xf32, #tpu.memory_space<vmem>>) target(%dma_start3A_337 : memref<10000x144xf32, #tpu.memory_space<vmem_shared>>) offsets(%dma_start3A_334 : memref<128xi32, #tpu.memory_space<vmem>>) semaphore(%arg13 : memref<!tpu.dma_semaphore, #tpu.memory_space<semaphore_mem>>) {add = true}
      %gt3A = arith.constant 0 : i32
      %gt3A_338 = arith.cmpi sgt, %scan3A_304, %gt3A : i32
      %convert_element_type3A_339 = arith.extui %gt3A_338 : i1 to i32
      %cond3A_340 = arith.constant 0 : i32
      %cond3A_341 = arith.cmpi ne, %convert_element_type3A_339, %cond3A_340 : i32
      scf.if %cond3A_341 {
        %sub3A_459 = arith.constant 1 : i32
        %sub3A_460 = arith.subi %mul3A_307, %sub3A_459 : i32
        %rem3A_461 = arith.constant 4 : i32
        %rem3A_462 = arith.remsi %sub3A_460, %rem3A_461 : i32
        %dma_wait3A_463 = arith.constant 1 : i32
        %dma_wait3A_464 = arith.constant 0 : i32
        %dma_wait3A_465 = arith.constant 0 : i32
        %dma_wait3A_466 = tpu.memref_slice %arg7[%dma_wait3A_463, %dma_wait3A_464, %dma_wait3A_465] : memref<2x128x144xf32, #tpu.memory_space<vmem>> -> memref<1x128x144xf32, #tpu.memory_space<vmem>>
        %dma_wait3A_467 = tpu.memref_squeeze %dma_wait3A_466 : memref<1x128x144xf32, #tpu.memory_space<vmem>> -> memref<128x144xf32, #tpu.memory_space<vmem>>
        %dma_wait3A_468 = arith.constant 0 : i32
        %dma_wait3A_469 = tpu.memref_slice %arg6[%rem3A_462, %dma_wait3A_468] : memref<4x128xi32, #tpu.memory_space<vmem>> -> memref<1x128xi32, #tpu.memory_space<vmem>>
        %dma_wait3A_470 = tpu.memref_squeeze %dma_wait3A_469 : memref<1x128xi32, #tpu.memory_space<vmem>> -> memref<128xi32, #tpu.memory_space<vmem>>
        %dma_wait3A_471 = arith.constant 0 : i32
        %dma_wait3A_472 = arith.constant 0 : i32
        %dma_wait3A_473 = tpu.memref_slice %arg8[%dma_wait3A_471, %dma_wait3A_472] : memref<10000x144xf32, #tpu.memory_space<vmem_shared>> -> memref<10000x144xf32, #tpu.memory_space<vmem_shared>>
        tpu.wait_indirect_dma semaphore(%arg14 : memref<!tpu.dma_semaphore, #tpu.memory_space<semaphore_mem>>) src(%dma_wait3A_467 : memref<128x144xf32, #tpu.memory_space<vmem>>) dst(%dma_wait3A_473 : memref<10000x144xf32, #tpu.memory_space<vmem_shared>>)
      } else {
      }
      %add3A_342 = arith.constant 1 : i32
      %add3A_343 = arith.addi %mul3A_307, %add3A_342 : i32
      %mul3A_344 = arith.constant 128 : i32
      %mul3A_345 = arith.muli %add3A_343, %mul3A_344 : i32
      %add3A_346 = arith.addi %mul3A_2, %mul3A_345 : i32
      %rem3A_347 = arith.constant 4 : i32
      %rem3A_348 = arith.remsi %add3A_343, %rem3A_347 : i32
      %dma_wait3A_349 = arith.constant 0 : i32
      %dma_wait3A_350 = arith.constant 0 : i32
      %dma_wait3A_351 = tpu.memref_slice %arg5[%rem3A_348, %dma_wait3A_350] : memref<4x128xi32, #tpu.memory_space<vmem>> -> memref<1x128xi32, #tpu.memory_space<vmem>>
      %dma_wait3A_352 = tpu.memref_squeeze %dma_wait3A_351 : memref<1x128xi32, #tpu.memory_space<vmem>> -> memref<128xi32, #tpu.memory_space<vmem>>
      %dma_wait3A_353 = tpu.memref_slice %arg3[%dma_wait3A_349, %add3A_346] : memref<2x320000xi32, #tpu.memory_space<hbm>> -> memref<1x128xi32, #tpu.memory_space<hbm>>
      %dma_wait3A_354 = tpu.memref_squeeze %dma_wait3A_353 : memref<1x128xi32, #tpu.memory_space<hbm>> -> memref<128xi32, #tpu.memory_space<hbm>>
      %dma_wait3A_355 = arith.constant 0 : i32
      %dma_wait3A_356 = tpu.memref_slice %arg5[%rem3A_348, %dma_wait3A_355] : memref<4x128xi32, #tpu.memory_space<vmem>> -> memref<1x128xi32, #tpu.memory_space<vmem>>
      %dma_wait3A_357 = tpu.memref_squeeze %dma_wait3A_356 : memref<1x128xi32, #tpu.memory_space<vmem>> -> memref<128xi32, #tpu.memory_space<vmem>>
      %dma_wait3A_358 = tpu.memref_slice %arg3[%dma_wait3A_349, %add3A_346] : memref<2x320000xi32, #tpu.memory_space<hbm>> -> memref<1x128xi32, #tpu.memory_space<hbm>>
      %dma_wait3A_359 = tpu.memref_squeeze %dma_wait3A_358 : memref<1x128xi32, #tpu.memory_space<hbm>> -> memref<128xi32, #tpu.memory_space<hbm>>
      tpu.wait_dma2 semaphore(%arg10 : memref<!tpu.dma_semaphore, #tpu.memory_space<semaphore_mem>>) src(%dma_wait3A_359 : memref<128xi32, #tpu.memory_space<hbm>>) dst(%dma_wait3A_357 : memref<128xi32, #tpu.memory_space<vmem>>)
      %mul3A_360 = arith.constant 128 : i32
      %mul3A_361 = arith.muli %add3A_343, %mul3A_360 : i32
      %add3A_362 = arith.addi %mul3A_2, %mul3A_361 : i32
      %rem3A_363 = arith.constant 4 : i32
      %rem3A_364 = arith.remsi %add3A_343, %rem3A_363 : i32
      %dma_wait3A_365 = arith.constant 1 : i32
      %dma_wait3A_366 = arith.constant 0 : i32
      %dma_wait3A_367 = tpu.memref_slice %arg6[%rem3A_364, %dma_wait3A_366] : memref<4x128xi32, #tpu.memory_space<vmem>> -> memref<1x128xi32, #tpu.memory_space<vmem>>
      %dma_wait3A_368 = tpu.memref_squeeze %dma_wait3A_367 : memref<1x128xi32, #tpu.memory_space<vmem>> -> memref<128xi32, #tpu.memory_space<vmem>>
      %dma_wait3A_369 = tpu.memref_slice %arg3[%dma_wait3A_365, %add3A_362] : memref<2x320000xi32, #tpu.memory_space<hbm>> -> memref<1x128xi32, #tpu.memory_space<hbm>>
      %dma_wait3A_370 = tpu.memref_squeeze %dma_wait3A_369 : memref<1x128xi32, #tpu.memory_space<hbm>> -> memref<128xi32, #tpu.memory_space<hbm>>
      %dma_wait3A_371 = arith.constant 0 : i32
      %dma_wait3A_372 = tpu.memref_slice %arg6[%rem3A_364, %dma_wait3A_371] : memref<4x128xi32, #tpu.memory_space<vmem>> -> memref<1x128xi32, #tpu.memory_space<vmem>>
      %dma_wait3A_373 = tpu.memref_squeeze %dma_wait3A_372 : memref<1x128xi32, #tpu.memory_space<vmem>> -> memref<128xi32, #tpu.memory_space<vmem>>
      %dma_wait3A_374 = tpu.memref_slice %arg3[%dma_wait3A_365, %add3A_362] : memref<2x320000xi32, #tpu.memory_space<hbm>> -> memref<1x128xi32, #tpu.memory_space<hbm>>
      %dma_wait3A_375 = tpu.memref_squeeze %dma_wait3A_374 : memref<1x128xi32, #tpu.memory_space<hbm>> -> memref<128xi32, #tpu.memory_space<hbm>>
      tpu.wait_dma2 semaphore(%arg10 : memref<!tpu.dma_semaphore, #tpu.memory_space<semaphore_mem>>) src(%dma_wait3A_375 : memref<128xi32, #tpu.memory_space<hbm>>) dst(%dma_wait3A_373 : memref<128xi32, #tpu.memory_space<vmem>>)
      %add3A_376 = arith.constant 3 : i32
      %add3A_377 = arith.addi %mul3A_307, %add3A_376 : i32
      %lt3A = arith.constant 78 : i32
      %lt3A_378 = arith.cmpi slt, %add3A_377, %lt3A : i32
      %convert_element_type3A_379 = arith.extui %lt3A_378 : i1 to i32
      %cond3A_380 = arith.constant 0 : i32
      %cond3A_381 = arith.cmpi ne, %convert_element_type3A_379, %cond3A_380 : i32
      scf.if %cond3A_381 {
        %add3A_459 = arith.constant 3 : i32
        %add3A_460 = arith.addi %mul3A_307, %add3A_459 : i32
        %mul3A_461 = arith.constant 128 : i32
        %mul3A_462 = arith.muli %add3A_460, %mul3A_461 : i32
        %add3A_463 = arith.addi %mul3A_2, %mul3A_462 : i32
        %rem3A_464 = arith.constant 4 : i32
        %rem3A_465 = arith.remsi %add3A_460, %rem3A_464 : i32
        %dma_start3A_466 = arith.constant 0 : i32
        %dma_start3A_467 = arith.constant 0 : i32
        %dma_start3A_468 = tpu.memref_slice %arg5[%rem3A_465, %dma_start3A_467] : memref<4x128xi32, #tpu.memory_space<vmem>> -> memref<1x128xi32, #tpu.memory_space<vmem>>
        %dma_start3A_469 = tpu.memref_squeeze %dma_start3A_468 : memref<1x128xi32, #tpu.memory_space<vmem>> -> memref<128xi32, #tpu.memory_space<vmem>>
        %dma_start3A_470 = tpu.memref_slice %arg3[%dma_start3A_466, %add3A_463] : memref<2x320000xi32, #tpu.memory_space<hbm>> -> memref<1x128xi32, #tpu.memory_space<hbm>>
        %dma_start3A_471 = tpu.memref_squeeze %dma_start3A_470 : memref<1x128xi32, #tpu.memory_space<hbm>> -> memref<128xi32, #tpu.memory_space<hbm>>
        %dma_start3A_472 = arith.constant 0 : i32
        %dma_start3A_473 = tpu.memref_slice %arg5[%rem3A_465, %dma_start3A_472] : memref<4x128xi32, #tpu.memory_space<vmem>> -> memref<1x128xi32, #tpu.memory_space<vmem>>
        %dma_start3A_474 = tpu.memref_squeeze %dma_start3A_473 : memref<1x128xi32, #tpu.memory_space<vmem>> -> memref<128xi32, #tpu.memory_space<vmem>>
        %dma_start3A_475 = tpu.memref_slice %arg3[%dma_start3A_466, %add3A_463] : memref<2x320000xi32, #tpu.memory_space<hbm>> -> memref<1x128xi32, #tpu.memory_space<hbm>>
        %dma_start3A_476 = tpu.memref_squeeze %dma_start3A_475 : memref<1x128xi32, #tpu.memory_space<hbm>> -> memref<128xi32, #tpu.memory_space<hbm>>
        tpu.enqueue_dma source(%dma_start3A_476 : memref<128xi32, #tpu.memory_space<hbm>>) target(%dma_start3A_474 : memref<128xi32, #tpu.memory_space<vmem>>) target_semaphore(%arg10 : memref<!tpu.dma_semaphore, #tpu.memory_space<semaphore_mem>>)
        %mul3A_477 = arith.constant 128 : i32
        %mul3A_478 = arith.muli %add3A_460, %mul3A_477 : i32
        %add3A_479 = arith.addi %mul3A_2, %mul3A_478 : i32
        %rem3A_480 = arith.constant 4 : i32
        %rem3A_481 = arith.remsi %add3A_460, %rem3A_480 : i32
        %dma_start3A_482 = arith.constant 1 : i32
        %dma_start3A_483 = arith.constant 0 : i32
        %dma_start3A_484 = tpu.memref_slice %arg6[%rem3A_481, %dma_start3A_483] : memref<4x128xi32, #tpu.memory_space<vmem>> -> memref<1x128xi32, #tpu.memory_space<vmem>>
        %dma_start3A_485 = tpu.memref_squeeze %dma_start3A_484 : memref<1x128xi32, #tpu.memory_space<vmem>> -> memref<128xi32, #tpu.memory_space<vmem>>
        %dma_start3A_486 = tpu.memref_slice %arg3[%dma_start3A_482, %add3A_479] : memref<2x320000xi32, #tpu.memory_space<hbm>> -> memref<1x128xi32, #tpu.memory_space<hbm>>
        %dma_start3A_487 = tpu.memref_squeeze %dma_start3A_486 : memref<1x128xi32, #tpu.memory_space<hbm>> -> memref<128xi32, #tpu.memory_space<hbm>>
        %dma_start3A_488 = arith.constant 0 : i32
        %dma_start3A_489 = tpu.memref_slice %arg6[%rem3A_481, %dma_start3A_488] : memref<4x128xi32, #tpu.memory_space<vmem>> -> memref<1x128xi32, #tpu.memory_space<vmem>>
        %dma_start3A_490 = tpu.memref_squeeze %dma_start3A_489 : memref<1x128xi32, #tpu.memory_space<vmem>> -> memref<128xi32, #tpu.memory_space<vmem>>
        %dma_start3A_491 = tpu.memref_slice %arg3[%dma_start3A_482, %add3A_479] : memref<2x320000xi32, #tpu.memory_space<hbm>> -> memref<1x128xi32, #tpu.memory_space<hbm>>
        %dma_start3A_492 = tpu.memref_squeeze %dma_start3A_491 : memref<1x128xi32, #tpu.memory_space<hbm>> -> memref<128xi32, #tpu.memory_space<hbm>>
        tpu.enqueue_dma source(%dma_start3A_492 : memref<128xi32, #tpu.memory_space<hbm>>) target(%dma_start3A_490 : memref<128xi32, #tpu.memory_space<vmem>>) target_semaphore(%arg10 : memref<!tpu.dma_semaphore, #tpu.memory_space<semaphore_mem>>)
      } else {
      }
      %add3A_382 = arith.constant 1 : i32
      %add3A_383 = arith.addi %mul3A_307, %add3A_382 : i32
      %rem3A_384 = arith.constant 4 : i32
      %rem3A_385 = arith.remsi %add3A_383, %rem3A_384 : i32
      %dma_start3A_386 = arith.constant 1 : i32
      %dma_start3A_387 = arith.constant 0 : i32
      %dma_start3A_388 = arith.constant 0 : i32
      %dma_start3A_389 = tpu.memref_slice %arg7[%dma_start3A_386, %dma_start3A_387, %dma_start3A_388] : memref<2x128x144xf32, #tpu.memory_space<vmem>> -> memref<1x128x144xf32, #tpu.memory_space<vmem>>
      %dma_start3A_390 = tpu.memref_squeeze %dma_start3A_389 : memref<1x128x144xf32, #tpu.memory_space<vmem>> -> memref<128x144xf32, #tpu.memory_space<vmem>>
      %dma_start3A_391 = arith.constant 0 : i32
      %dma_start3A_392 = tpu.memref_slice %arg5[%rem3A_385, %dma_start3A_391] : memref<4x128xi32, #tpu.memory_space<vmem>> -> memref<1x128xi32, #tpu.memory_space<vmem>>
      %dma_start3A_393 = tpu.memref_squeeze %dma_start3A_392 : memref<1x128xi32, #tpu.memory_space<vmem>> -> memref<128xi32, #tpu.memory_space<vmem>>
      %dma_start3A_394 = arith.constant 0 : i32
      %dma_start3A_395 = arith.constant 0 : i32
      %dma_start3A_396 = tpu.memref_slice %arg2[%dma_start3A_394, %dma_start3A_395] : memref<10000x144xf32, #tpu.memory_space<hbm>> -> memref<10000x144xf32, #tpu.memory_space<hbm>>
      tpu.enqueue_indirect_dma source(%dma_start3A_396 : memref<10000x144xf32, #tpu.memory_space<hbm>>) target(%dma_start3A_390 : memref<128x144xf32, #tpu.memory_space<vmem>>) offsets(%dma_start3A_393 : memref<128xi32, #tpu.memory_space<vmem>>) semaphore(%arg12 : memref<!tpu.dma_semaphore, #tpu.memory_space<semaphore_mem>>)
      %rem3A_397 = arith.constant 4 : i32
      %rem3A_398 = arith.remsi %add3A_311, %rem3A_397 : i32
      %dma_wait3A_399 = arith.constant 1 : i32
      %dma_wait3A_400 = arith.constant 0 : i32
      %dma_wait3A_401 = arith.constant 0 : i32
      %dma_wait3A_402 = tpu.memref_slice %arg7[%dma_wait3A_399, %dma_wait3A_400, %dma_wait3A_401] : memref<2x128x144xf32, #tpu.memory_space<vmem>> -> memref<1x128x144xf32, #tpu.memory_space<vmem>>
      %dma_wait3A_403 = tpu.memref_squeeze %dma_wait3A_402 : memref<1x128x144xf32, #tpu.memory_space<vmem>> -> memref<128x144xf32, #tpu.memory_space<vmem>>
      %dma_wait3A_404 = arith.constant 0 : i32
      %dma_wait3A_405 = tpu.memref_slice %arg5[%rem3A_398, %dma_wait3A_404] : memref<4x128xi32, #tpu.memory_space<vmem>> -> memref<1x128xi32, #tpu.memory_space<vmem>>
      %dma_wait3A_406 = tpu.memref_squeeze %dma_wait3A_405 : memref<1x128xi32, #tpu.memory_space<vmem>> -> memref<128xi32, #tpu.memory_space<vmem>>
      %dma_wait3A_407 = arith.constant 0 : i32
      %dma_wait3A_408 = arith.constant 0 : i32
      %dma_wait3A_409 = tpu.memref_slice %arg2[%dma_wait3A_407, %dma_wait3A_408] : memref<10000x144xf32, #tpu.memory_space<hbm>> -> memref<10000x144xf32, #tpu.memory_space<hbm>>
      tpu.wait_indirect_dma semaphore(%arg12 : memref<!tpu.dma_semaphore, #tpu.memory_space<semaphore_mem>>) src(%dma_wait3A_409 : memref<10000x144xf32, #tpu.memory_space<hbm>>) dst(%dma_wait3A_403 : memref<128x144xf32, #tpu.memory_space<vmem>>)
      %rem3A_410 = arith.constant 4 : i32
      %rem3A_411 = arith.remsi %add3A_311, %rem3A_410 : i32
      %dma_start3A_412 = arith.constant 1 : i32
      %dma_start3A_413 = arith.constant 0 : i32
      %dma_start3A_414 = arith.constant 0 : i32
      %dma_start3A_415 = tpu.memref_slice %arg7[%dma_start3A_412, %dma_start3A_413, %dma_start3A_414] : memref<2x128x144xf32, #tpu.memory_space<vmem>> -> memref<1x128x144xf32, #tpu.memory_space<vmem>>
      %dma_start3A_416 = tpu.memref_squeeze %dma_start3A_415 : memref<1x128x144xf32, #tpu.memory_space<vmem>> -> memref<128x144xf32, #tpu.memory_space<vmem>>
      %dma_start3A_417 = arith.constant 0 : i32
      %dma_start3A_418 = tpu.memref_slice %arg6[%rem3A_411, %dma_start3A_417] : memref<4x128xi32, #tpu.memory_space<vmem>> -> memref<1x128xi32, #tpu.memory_space<vmem>>
      %dma_start3A_419 = tpu.memref_squeeze %dma_start3A_418 : memref<1x128xi32, #tpu.memory_space<vmem>> -> memref<128xi32, #tpu.memory_space<vmem>>
      %dma_start3A_420 = arith.constant 0 : i32
      %dma_start3A_421 = arith.constant 0 : i32
      %dma_start3A_422 = tpu.memref_slice %arg8[%dma_start3A_420, %dma_start3A_421] : memref<10000x144xf32, #tpu.memory_space<vmem_shared>> -> memref<10000x144xf32, #tpu.memory_space<vmem_shared>>
      tpu.enqueue_indirect_dma source(%dma_start3A_416 : memref<128x144xf32, #tpu.memory_space<vmem>>) target(%dma_start3A_422 : memref<10000x144xf32, #tpu.memory_space<vmem_shared>>) offsets(%dma_start3A_419 : memref<128xi32, #tpu.memory_space<vmem>>) semaphore(%arg14 : memref<!tpu.dma_semaphore, #tpu.memory_space<semaphore_mem>>) {add = true}
      %sub3A = arith.constant 1 : i32
      %sub3A_423 = arith.subi %add3A_311, %sub3A : i32
      %rem3A_424 = arith.constant 4 : i32
      %rem3A_425 = arith.remsi %sub3A_423, %rem3A_424 : i32
      %dma_wait3A_426 = arith.constant 0 : i32
      %dma_wait3A_427 = arith.constant 0 : i32
      %dma_wait3A_428 = arith.constant 0 : i32
      %dma_wait3A_429 = tpu.memref_slice %arg7[%dma_wait3A_426, %dma_wait3A_427, %dma_wait3A_428] : memref<2x128x144xf32, #tpu.memory_space<vmem>> -> memref<1x128x144xf32, #tpu.memory_space<vmem>>
      %dma_wait3A_430 = tpu.memref_squeeze %dma_wait3A_429 : memref<1x128x144xf32, #tpu.memory_space<vmem>> -> memref<128x144xf32, #tpu.memory_space<vmem>>
      %dma_wait3A_431 = arith.constant 0 : i32
      %dma_wait3A_432 = tpu.memref_slice %arg6[%rem3A_425, %dma_wait3A_431] : memref<4x128xi32, #tpu.memory_space<vmem>> -> memref<1x128xi32, #tpu.memory_space<vmem>>
      %dma_wait3A_433 = tpu.memref_squeeze %dma_wait3A_432 : memref<1x128xi32, #tpu.memory_space<vmem>> -> memref<128xi32, #tpu.memory_space<vmem>>
      %dma_wait3A_434 = arith.constant 0 : i32
      %dma_wait3A_435 = arith.constant 0 : i32
      %dma_wait3A_436 = tpu.memref_slice %arg8[%dma_wait3A_434, %dma_wait3A_435] : memref<10000x144xf32, #tpu.memory_space<vmem_shared>> -> memref<10000x144xf32, #tpu.memory_space<vmem_shared>>
      tpu.wait_indirect_dma semaphore(%arg13 : memref<!tpu.dma_semaphore, #tpu.memory_space<semaphore_mem>>) src(%dma_wait3A_430 : memref<128x144xf32, #tpu.memory_space<vmem>>) dst(%dma_wait3A_436 : memref<10000x144xf32, #tpu.memory_space<vmem_shared>>)
      %add3A_437 = arith.constant 1 : i32
      %add3A_438 = arith.addi %add3A_311, %add3A_437 : i32
      %lt3A_439 = arith.constant 78 : i32
      %lt3A_440 = arith.cmpi slt, %add3A_438, %lt3A_439 : i32
      %convert_element_type3A_441 = arith.extui %lt3A_440 : i1 to i32
      %cond3A_442 = arith.constant 0 : i32
      %cond3A_443 = arith.cmpi ne, %convert_element_type3A_441, %cond3A_442 : i32
      scf.if %cond3A_443 {
        %add3A_459 = arith.constant 1 : i32
        %add3A_460 = arith.addi %add3A_311, %add3A_459 : i32
        %mul3A_461 = arith.constant 128 : i32
        %mul3A_462 = arith.muli %add3A_460, %mul3A_461 : i32
        %add3A_463 = arith.addi %mul3A_2, %mul3A_462 : i32
        %rem3A_464 = arith.constant 4 : i32
        %rem3A_465 = arith.remsi %add3A_460, %rem3A_464 : i32
        %dma_wait3A_466 = arith.constant 0 : i32
        %dma_wait3A_467 = arith.constant 0 : i32
        %dma_wait3A_468 = tpu.memref_slice %arg5[%rem3A_465, %dma_wait3A_467] : memref<4x128xi32, #tpu.memory_space<vmem>> -> memref<1x128xi32, #tpu.memory_space<vmem>>
        %dma_wait3A_469 = tpu.memref_squeeze %dma_wait3A_468 : memref<1x128xi32, #tpu.memory_space<vmem>> -> memref<128xi32, #tpu.memory_space<vmem>>
        %dma_wait3A_470 = tpu.memref_slice %arg3[%dma_wait3A_466, %add3A_463] : memref<2x320000xi32, #tpu.memory_space<hbm>> -> memref<1x128xi32, #tpu.memory_space<hbm>>
        %dma_wait3A_471 = tpu.memref_squeeze %dma_wait3A_470 : memref<1x128xi32, #tpu.memory_space<hbm>> -> memref<128xi32, #tpu.memory_space<hbm>>
        %dma_wait3A_472 = arith.constant 0 : i32
        %dma_wait3A_473 = tpu.memref_slice %arg5[%rem3A_465, %dma_wait3A_472] : memref<4x128xi32, #tpu.memory_space<vmem>> -> memref<1x128xi32, #tpu.memory_space<vmem>>
        %dma_wait3A_474 = tpu.memref_squeeze %dma_wait3A_473 : memref<1x128xi32, #tpu.memory_space<vmem>> -> memref<128xi32, #tpu.memory_space<vmem>>
        %dma_wait3A_475 = tpu.memref_slice %arg3[%dma_wait3A_466, %add3A_463] : memref<2x320000xi32, #tpu.memory_space<hbm>> -> memref<1x128xi32, #tpu.memory_space<hbm>>
        %dma_wait3A_476 = tpu.memref_squeeze %dma_wait3A_475 : memref<1x128xi32, #tpu.memory_space<hbm>> -> memref<128xi32, #tpu.memory_space<hbm>>
        tpu.wait_dma2 semaphore(%arg9 : memref<!tpu.dma_semaphore, #tpu.memory_space<semaphore_mem>>) src(%dma_wait3A_476 : memref<128xi32, #tpu.memory_space<hbm>>) dst(%dma_wait3A_474 : memref<128xi32, #tpu.memory_space<vmem>>)
        %mul3A_477 = arith.constant 128 : i32
        %mul3A_478 = arith.muli %add3A_460, %mul3A_477 : i32
        %add3A_479 = arith.addi %mul3A_2, %mul3A_478 : i32
        %rem3A_480 = arith.constant 4 : i32
        %rem3A_481 = arith.remsi %add3A_460, %rem3A_480 : i32
        %dma_wait3A_482 = arith.constant 1 : i32
        %dma_wait3A_483 = arith.constant 0 : i32
        %dma_wait3A_484 = tpu.memref_slice %arg6[%rem3A_481, %dma_wait3A_483] : memref<4x128xi32, #tpu.memory_space<vmem>> -> memref<1x128xi32, #tpu.memory_space<vmem>>
        %dma_wait3A_485 = tpu.memref_squeeze %dma_wait3A_484 : memref<1x128xi32, #tpu.memory_space<vmem>> -> memref<128xi32, #tpu.memory_space<vmem>>
        %dma_wait3A_486 = tpu.memref_slice %arg3[%dma_wait3A_482, %add3A_479] : memref<2x320000xi32, #tpu.memory_space<hbm>> -> memref<1x128xi32, #tpu.memory_space<hbm>>
        %dma_wait3A_487 = tpu.memref_squeeze %dma_wait3A_486 : memref<1x128xi32, #tpu.memory_space<hbm>> -> memref<128xi32, #tpu.memory_space<hbm>>
        %dma_wait3A_488 = arith.constant 0 : i32
        %dma_wait3A_489 = tpu.memref_slice %arg6[%rem3A_481, %dma_wait3A_488] : memref<4x128xi32, #tpu.memory_space<vmem>> -> memref<1x128xi32, #tpu.memory_space<vmem>>
        %dma_wait3A_490 = tpu.memref_squeeze %dma_wait3A_489 : memref<1x128xi32, #tpu.memory_space<vmem>> -> memref<128xi32, #tpu.memory_space<vmem>>
        %dma_wait3A_491 = tpu.memref_slice %arg3[%dma_wait3A_482, %add3A_479] : memref<2x320000xi32, #tpu.memory_space<hbm>> -> memref<1x128xi32, #tpu.memory_space<hbm>>
        %dma_wait3A_492 = tpu.memref_squeeze %dma_wait3A_491 : memref<1x128xi32, #tpu.memory_space<hbm>> -> memref<128xi32, #tpu.memory_space<hbm>>
        tpu.wait_dma2 semaphore(%arg9 : memref<!tpu.dma_semaphore, #tpu.memory_space<semaphore_mem>>) src(%dma_wait3A_492 : memref<128xi32, #tpu.memory_space<hbm>>) dst(%dma_wait3A_490 : memref<128xi32, #tpu.memory_space<vmem>>)
      } else {
      }
      %add3A_444 = arith.constant 3 : i32
      %add3A_445 = arith.addi %add3A_311, %add3A_444 : i32
      %lt3A_446 = arith.constant 78 : i32
      %lt3A_447 = arith.cmpi slt, %add3A_445, %lt3A_446 : i32
      %convert_element_type3A_448 = arith.extui %lt3A_447 : i1 to i32
      %cond3A_449 = arith.constant 0 : i32
      %cond3A_450 = arith.cmpi ne, %convert_element_type3A_448, %cond3A_449 : i32
      scf.if %cond3A_450 {
        %add3A_459 = arith.constant 3 : i32
        %add3A_460 = arith.addi %add3A_311, %add3A_459 : i32
        %mul3A_461 = arith.constant 128 : i32
        %mul3A_462 = arith.muli %add3A_460, %mul3A_461 : i32
        %add3A_463 = arith.addi %mul3A_2, %mul3A_462 : i32
        %rem3A_464 = arith.constant 4 : i32
        %rem3A_465 = arith.remsi %add3A_460, %rem3A_464 : i32
        %dma_start3A_466 = arith.constant 0 : i32
        %dma_start3A_467 = arith.constant 0 : i32
        %dma_start3A_468 = tpu.memref_slice %arg5[%rem3A_465, %dma_start3A_467] : memref<4x128xi32, #tpu.memory_space<vmem>> -> memref<1x128xi32, #tpu.memory_space<vmem>>
        %dma_start3A_469 = tpu.memref_squeeze %dma_start3A_468 : memref<1x128xi32, #tpu.memory_space<vmem>> -> memref<128xi32, #tpu.memory_space<vmem>>
        %dma_start3A_470 = tpu.memref_slice %arg3[%dma_start3A_466, %add3A_463] : memref<2x320000xi32, #tpu.memory_space<hbm>> -> memref<1x128xi32, #tpu.memory_space<hbm>>
        %dma_start3A_471 = tpu.memref_squeeze %dma_start3A_470 : memref<1x128xi32, #tpu.memory_space<hbm>> -> memref<128xi32, #tpu.memory_space<hbm>>
        %dma_start3A_472 = arith.constant 0 : i32
        %dma_start3A_473 = tpu.memref_slice %arg5[%rem3A_465, %dma_start3A_472] : memref<4x128xi32, #tpu.memory_space<vmem>> -> memref<1x128xi32, #tpu.memory_space<vmem>>
        %dma_start3A_474 = tpu.memref_squeeze %dma_start3A_473 : memref<1x128xi32, #tpu.memory_space<vmem>> -> memref<128xi32, #tpu.memory_space<vmem>>
        %dma_start3A_475 = tpu.memref_slice %arg3[%dma_start3A_466, %add3A_463] : memref<2x320000xi32, #tpu.memory_space<hbm>> -> memref<1x128xi32, #tpu.memory_space<hbm>>
        %dma_start3A_476 = tpu.memref_squeeze %dma_start3A_475 : memref<1x128xi32, #tpu.memory_space<hbm>> -> memref<128xi32, #tpu.memory_space<hbm>>
        tpu.enqueue_dma source(%dma_start3A_476 : memref<128xi32, #tpu.memory_space<hbm>>) target(%dma_start3A_474 : memref<128xi32, #tpu.memory_space<vmem>>) target_semaphore(%arg9 : memref<!tpu.dma_semaphore, #tpu.memory_space<semaphore_mem>>)
        %mul3A_477 = arith.constant 128 : i32
        %mul3A_478 = arith.muli %add3A_460, %mul3A_477 : i32
        %add3A_479 = arith.addi %mul3A_2, %mul3A_478 : i32
        %rem3A_480 = arith.constant 4 : i32
        %rem3A_481 = arith.remsi %add3A_460, %rem3A_480 : i32
        %dma_start3A_482 = arith.constant 1 : i32
        %dma_start3A_483 = arith.constant 0 : i32
        %dma_start3A_484 = tpu.memref_slice %arg6[%rem3A_481, %dma_start3A_483] : memref<4x128xi32, #tpu.memory_space<vmem>> -> memref<1x128xi32, #tpu.memory_space<vmem>>
        %dma_start3A_485 = tpu.memref_squeeze %dma_start3A_484 : memref<1x128xi32, #tpu.memory_space<vmem>> -> memref<128xi32, #tpu.memory_space<vmem>>
        %dma_start3A_486 = tpu.memref_slice %arg3[%dma_start3A_482, %add3A_479] : memref<2x320000xi32, #tpu.memory_space<hbm>> -> memref<1x128xi32, #tpu.memory_space<hbm>>
        %dma_start3A_487 = tpu.memref_squeeze %dma_start3A_486 : memref<1x128xi32, #tpu.memory_space<hbm>> -> memref<128xi32, #tpu.memory_space<hbm>>
        %dma_start3A_488 = arith.constant 0 : i32
        %dma_start3A_489 = tpu.memref_slice %arg6[%rem3A_481, %dma_start3A_488] : memref<4x128xi32, #tpu.memory_space<vmem>> -> memref<1x128xi32, #tpu.memory_space<vmem>>
        %dma_start3A_490 = tpu.memref_squeeze %dma_start3A_489 : memref<1x128xi32, #tpu.memory_space<vmem>> -> memref<128xi32, #tpu.memory_space<vmem>>
        %dma_start3A_491 = tpu.memref_slice %arg3[%dma_start3A_482, %add3A_479] : memref<2x320000xi32, #tpu.memory_space<hbm>> -> memref<1x128xi32, #tpu.memory_space<hbm>>
        %dma_start3A_492 = tpu.memref_squeeze %dma_start3A_491 : memref<1x128xi32, #tpu.memory_space<hbm>> -> memref<128xi32, #tpu.memory_space<hbm>>
        tpu.enqueue_dma source(%dma_start3A_492 : memref<128xi32, #tpu.memory_space<hbm>>) target(%dma_start3A_490 : memref<128xi32, #tpu.memory_space<vmem>>) target_semaphore(%arg9 : memref<!tpu.dma_semaphore, #tpu.memory_space<semaphore_mem>>)
      } else {
      }
      %add3A_451 = arith.constant 1 : i32
      %add3A_452 = arith.addi %add3A_311, %add3A_451 : i32
      %lt3A_453 = arith.constant 78 : i32
      %lt3A_454 = arith.cmpi slt, %add3A_452, %lt3A_453 : i32
      %convert_element_type3A_455 = arith.extui %lt3A_454 : i1 to i32
      %cond3A_456 = arith.constant 0 : i32
      %cond3A_457 = arith.cmpi ne, %convert_element_type3A_455, %cond3A_456 : i32
      scf.if %cond3A_457 {
        %add3A_459 = arith.constant 1 : i32
        %add3A_460 = arith.addi %add3A_311, %add3A_459 : i32
        %rem3A_461 = arith.constant 4 : i32
        %rem3A_462 = arith.remsi %add3A_460, %rem3A_461 : i32
        %dma_start3A_463 = arith.constant 0 : i32
        %dma_start3A_464 = arith.constant 0 : i32
        %dma_start3A_465 = arith.constant 0 : i32
        %dma_start3A_466 = tpu.memref_slice %arg7[%dma_start3A_463, %dma_start3A_464, %dma_start3A_465] : memref<2x128x144xf32, #tpu.memory_space<vmem>> -> memref<1x128x144xf32, #tpu.memory_space<vmem>>
        %dma_start3A_467 = tpu.memref_squeeze %dma_start3A_466 : memref<1x128x144xf32, #tpu.memory_space<vmem>> -> memref<128x144xf32, #tpu.memory_space<vmem>>
        %dma_start3A_468 = arith.constant 0 : i32
        %dma_start3A_469 = tpu.memref_slice %arg5[%rem3A_462, %dma_start3A_468] : memref<4x128xi32, #tpu.memory_space<vmem>> -> memref<1x128xi32, #tpu.memory_space<vmem>>
        %dma_start3A_470 = tpu.memref_squeeze %dma_start3A_469 : memref<1x128xi32, #tpu.memory_space<vmem>> -> memref<128xi32, #tpu.memory_space<vmem>>
        %dma_start3A_471 = arith.constant 0 : i32
        %dma_start3A_472 = arith.constant 0 : i32
        %dma_start3A_473 = tpu.memref_slice %arg2[%dma_start3A_471, %dma_start3A_472] : memref<10000x144xf32, #tpu.memory_space<hbm>> -> memref<10000x144xf32, #tpu.memory_space<hbm>>
        tpu.enqueue_indirect_dma source(%dma_start3A_473 : memref<10000x144xf32, #tpu.memory_space<hbm>>) target(%dma_start3A_467 : memref<128x144xf32, #tpu.memory_space<vmem>>) offsets(%dma_start3A_470 : memref<128xi32, #tpu.memory_space<vmem>>) semaphore(%arg11 : memref<!tpu.dma_semaphore, #tpu.memory_space<semaphore_mem>>)
      } else {
      }
      %scan3A_458 = arith.constant 0 : i32
      scf.yield %scan3A_458 : i32
    }
    %scan3A_181 = arith.constant 39 : i32
    %add3A_182 = arith.constant 9984 : i32
    %add3A_183 = arith.addi %mul3A_2, %add3A_182 : i32
    %dma_start3A_184 = arith.constant 0 : i32
    %dma_start3A_185 = arith.constant 0 : i32
    %dma_start3A_186 = arith.constant 0 : i32
    %dma_start3A_187 = tpu.memref_slice %arg5[%dma_start3A_185, %dma_start3A_186] : memref<4x128xi32, #tpu.memory_space<vmem>> -> memref<1x16xi32, #tpu.memory_space<vmem>>
    %dma_start3A_188 = tpu.memref_squeeze %dma_start3A_187 : memref<1x16xi32, #tpu.memory_space<vmem>> -> memref<16xi32, #tpu.memory_space<vmem>>
    %dma_start3A_189 = tpu.memref_slice %arg3[%dma_start3A_184, %add3A_183] : memref<2x320000xi32, #tpu.memory_space<hbm>> -> memref<1x16xi32, #tpu.memory_space<hbm>>
    %dma_start3A_190 = tpu.memref_squeeze %dma_start3A_189 : memref<1x16xi32, #tpu.memory_space<hbm>> -> memref<16xi32, #tpu.memory_space<hbm>>
    %dma_start3A_191 = arith.constant 0 : i32
    %dma_start3A_192 = tpu.memref_slice %arg5[%dma_start3A_185, %dma_start3A_191] : memref<4x128xi32, #tpu.memory_space<vmem>> -> memref<1x16xi32, #tpu.memory_space<vmem>>
    %dma_start3A_193 = tpu.memref_squeeze %dma_start3A_192 : memref<1x16xi32, #tpu.memory_space<vmem>> -> memref<16xi32, #tpu.memory_space<vmem>>
    %dma_start3A_194 = tpu.memref_slice %arg3[%dma_start3A_184, %add3A_183] : memref<2x320000xi32, #tpu.memory_space<hbm>> -> memref<1x16xi32, #tpu.memory_space<hbm>>
    %dma_start3A_195 = tpu.memref_squeeze %dma_start3A_194 : memref<1x16xi32, #tpu.memory_space<hbm>> -> memref<16xi32, #tpu.memory_space<hbm>>
    tpu.enqueue_dma source(%dma_start3A_195 : memref<16xi32, #tpu.memory_space<hbm>>) target(%dma_start3A_193 : memref<16xi32, #tpu.memory_space<vmem>>) target_semaphore(%arg9 : memref<!tpu.dma_semaphore, #tpu.memory_space<semaphore_mem>>)
    %dma_start3A_196 = arith.constant 1 : i32
    %dma_start3A_197 = arith.constant 0 : i32
    %dma_start3A_198 = arith.constant 0 : i32
    %dma_start3A_199 = tpu.memref_slice %arg6[%dma_start3A_197, %dma_start3A_198] : memref<4x128xi32, #tpu.memory_space<vmem>> -> memref<1x16xi32, #tpu.memory_space<vmem>>
    %dma_start3A_200 = tpu.memref_squeeze %dma_start3A_199 : memref<1x16xi32, #tpu.memory_space<vmem>> -> memref<16xi32, #tpu.memory_space<vmem>>
    %dma_start3A_201 = tpu.memref_slice %arg3[%dma_start3A_196, %add3A_183] : memref<2x320000xi32, #tpu.memory_space<hbm>> -> memref<1x16xi32, #tpu.memory_space<hbm>>
    %dma_start3A_202 = tpu.memref_squeeze %dma_start3A_201 : memref<1x16xi32, #tpu.memory_space<hbm>> -> memref<16xi32, #tpu.memory_space<hbm>>
    %dma_start3A_203 = arith.constant 0 : i32
    %dma_start3A_204 = tpu.memref_slice %arg6[%dma_start3A_197, %dma_start3A_203] : memref<4x128xi32, #tpu.memory_space<vmem>> -> memref<1x16xi32, #tpu.memory_space<vmem>>
    %dma_start3A_205 = tpu.memref_squeeze %dma_start3A_204 : memref<1x16xi32, #tpu.memory_space<vmem>> -> memref<16xi32, #tpu.memory_space<vmem>>
    %dma_start3A_206 = tpu.memref_slice %arg3[%dma_start3A_196, %add3A_183] : memref<2x320000xi32, #tpu.memory_space<hbm>> -> memref<1x16xi32, #tpu.memory_space<hbm>>
    %dma_start3A_207 = tpu.memref_squeeze %dma_start3A_206 : memref<1x16xi32, #tpu.memory_space<hbm>> -> memref<16xi32, #tpu.memory_space<hbm>>
    tpu.enqueue_dma source(%dma_start3A_207 : memref<16xi32, #tpu.memory_space<hbm>>) target(%dma_start3A_205 : memref<16xi32, #tpu.memory_space<vmem>>) target_semaphore(%arg9 : memref<!tpu.dma_semaphore, #tpu.memory_space<semaphore_mem>>)
    %rem3A_208 = arith.constant 77 : i32
    %rem3A_209 = arith.constant 4 : i32
    %rem3A_210 = arith.remsi %rem3A_208, %rem3A_209 : i32
    %dma_wait3A_211 = arith.constant 1 : i32
    %dma_wait3A_212 = arith.constant 0 : i32
    %dma_wait3A_213 = arith.constant 0 : i32
    %dma_wait3A_214 = tpu.memref_slice %arg7[%dma_wait3A_211, %dma_wait3A_212, %dma_wait3A_213] : memref<2x128x144xf32, #tpu.memory_space<vmem>> -> memref<1x128x144xf32, #tpu.memory_space<vmem>>
    %dma_wait3A_215 = tpu.memref_squeeze %dma_wait3A_214 : memref<1x128x144xf32, #tpu.memory_space<vmem>> -> memref<128x144xf32, #tpu.memory_space<vmem>>
    %dma_wait3A_216 = arith.constant 0 : i32
    %dma_wait3A_217 = tpu.memref_slice %arg6[%rem3A_210, %dma_wait3A_216] : memref<4x128xi32, #tpu.memory_space<vmem>> -> memref<1x128xi32, #tpu.memory_space<vmem>>
    %dma_wait3A_218 = tpu.memref_squeeze %dma_wait3A_217 : memref<1x128xi32, #tpu.memory_space<vmem>> -> memref<128xi32, #tpu.memory_space<vmem>>
    %dma_wait3A_219 = arith.constant 0 : i32
    %dma_wait3A_220 = arith.constant 0 : i32
    %dma_wait3A_221 = tpu.memref_slice %arg8[%dma_wait3A_219, %dma_wait3A_220] : memref<10000x144xf32, #tpu.memory_space<vmem_shared>> -> memref<10000x144xf32, #tpu.memory_space<vmem_shared>>
    tpu.wait_indirect_dma semaphore(%arg14 : memref<!tpu.dma_semaphore, #tpu.memory_space<semaphore_mem>>) src(%dma_wait3A_215 : memref<128x144xf32, #tpu.memory_space<vmem>>) dst(%dma_wait3A_221 : memref<10000x144xf32, #tpu.memory_space<vmem_shared>>)
    %dma_wait3A_222 = arith.constant 0 : i32
    %dma_wait3A_223 = arith.constant 0 : i32
    %dma_wait3A_224 = arith.constant 0 : i32
    %dma_wait3A_225 = tpu.memref_slice %arg5[%dma_wait3A_223, %dma_wait3A_224] : memref<4x128xi32, #tpu.memory_space<vmem>> -> memref<1x16xi32, #tpu.memory_space<vmem>>
    %dma_wait3A_226 = tpu.memref_squeeze %dma_wait3A_225 : memref<1x16xi32, #tpu.memory_space<vmem>> -> memref<16xi32, #tpu.memory_space<vmem>>
    %dma_wait3A_227 = tpu.memref_slice %arg3[%dma_wait3A_222, %add3A_183] : memref<2x320000xi32, #tpu.memory_space<hbm>> -> memref<1x16xi32, #tpu.memory_space<hbm>>
    %dma_wait3A_228 = tpu.memref_squeeze %dma_wait3A_227 : memref<1x16xi32, #tpu.memory_space<hbm>> -> memref<16xi32, #tpu.memory_space<hbm>>
    %dma_wait3A_229 = arith.constant 0 : i32
    %dma_wait3A_230 = tpu.memref_slice %arg5[%dma_wait3A_223, %dma_wait3A_229] : memref<4x128xi32, #tpu.memory_space<vmem>> -> memref<1x16xi32, #tpu.memory_space<vmem>>
    %dma_wait3A_231 = tpu.memref_squeeze %dma_wait3A_230 : memref<1x16xi32, #tpu.memory_space<vmem>> -> memref<16xi32, #tpu.memory_space<vmem>>
    %dma_wait3A_232 = tpu.memref_slice %arg3[%dma_wait3A_222, %add3A_183] : memref<2x320000xi32, #tpu.memory_space<hbm>> -> memref<1x16xi32, #tpu.memory_space<hbm>>
    %dma_wait3A_233 = tpu.memref_squeeze %dma_wait3A_232 : memref<1x16xi32, #tpu.memory_space<hbm>> -> memref<16xi32, #tpu.memory_space<hbm>>
    tpu.wait_dma2 semaphore(%arg9 : memref<!tpu.dma_semaphore, #tpu.memory_space<semaphore_mem>>) src(%dma_wait3A_233 : memref<16xi32, #tpu.memory_space<hbm>>) dst(%dma_wait3A_231 : memref<16xi32, #tpu.memory_space<vmem>>)
    %dma_wait3A_234 = arith.constant 1 : i32
    %dma_wait3A_235 = arith.constant 0 : i32
    %dma_wait3A_236 = arith.constant 0 : i32
    %dma_wait3A_237 = tpu.memref_slice %arg6[%dma_wait3A_235, %dma_wait3A_236] : memref<4x128xi32, #tpu.memory_space<vmem>> -> memref<1x16xi32, #tpu.memory_space<vmem>>
    %dma_wait3A_238 = tpu.memref_squeeze %dma_wait3A_237 : memref<1x16xi32, #tpu.memory_space<vmem>> -> memref<16xi32, #tpu.memory_space<vmem>>
    %dma_wait3A_239 = tpu.memref_slice %arg3[%dma_wait3A_234, %add3A_183] : memref<2x320000xi32, #tpu.memory_space<hbm>> -> memref<1x16xi32, #tpu.memory_space<hbm>>
    %dma_wait3A_240 = tpu.memref_squeeze %dma_wait3A_239 : memref<1x16xi32, #tpu.memory_space<hbm>> -> memref<16xi32, #tpu.memory_space<hbm>>
    %dma_wait3A_241 = arith.constant 0 : i32
    %dma_wait3A_242 = tpu.memref_slice %arg6[%dma_wait3A_235, %dma_wait3A_241] : memref<4x128xi32, #tpu.memory_space<vmem>> -> memref<1x16xi32, #tpu.memory_space<vmem>>
    %dma_wait3A_243 = tpu.memref_squeeze %dma_wait3A_242 : memref<1x16xi32, #tpu.memory_space<vmem>> -> memref<16xi32, #tpu.memory_space<vmem>>
    %dma_wait3A_244 = tpu.memref_slice %arg3[%dma_wait3A_234, %add3A_183] : memref<2x320000xi32, #tpu.memory_space<hbm>> -> memref<1x16xi32, #tpu.memory_space<hbm>>
    %dma_wait3A_245 = tpu.memref_squeeze %dma_wait3A_244 : memref<1x16xi32, #tpu.memory_space<hbm>> -> memref<16xi32, #tpu.memory_space<hbm>>
    tpu.wait_dma2 semaphore(%arg9 : memref<!tpu.dma_semaphore, #tpu.memory_space<semaphore_mem>>) src(%dma_wait3A_245 : memref<16xi32, #tpu.memory_space<hbm>>) dst(%dma_wait3A_243 : memref<16xi32, #tpu.memory_space<vmem>>)
    %dma_start3A_246 = arith.constant 0 : i32
    %dma_start3A_247 = arith.constant 0 : i32
    %dma_start3A_248 = arith.constant 0 : i32
    %dma_start3A_249 = arith.constant 0 : i32
    %dma_start3A_250 = tpu.memref_slice %arg7[%dma_start3A_247, %dma_start3A_248, %dma_start3A_249] : memref<2x128x144xf32, #tpu.memory_space<vmem>> -> memref<1x16x144xf32, #tpu.memory_space<vmem>>
    %dma_start3A_251 = tpu.memref_squeeze %dma_start3A_250 : memref<1x16x144xf32, #tpu.memory_space<vmem>> -> memref<16x144xf32, #tpu.memory_space<vmem>>
    %dma_start3A_252 = arith.constant 0 : i32
    %dma_start3A_253 = tpu.memref_slice %arg5[%dma_start3A_246, %dma_start3A_252] : memref<4x128xi32, #tpu.memory_space<vmem>> -> memref<1x16xi32, #tpu.memory_space<vmem>>
    %dma_start3A_254 = tpu.memref_squeeze %dma_start3A_253 : memref<1x16xi32, #tpu.memory_space<vmem>> -> memref<16xi32, #tpu.memory_space<vmem>>
    %dma_start3A_255 = arith.constant 0 : i32
    %dma_start3A_256 = arith.constant 0 : i32
    %dma_start3A_257 = tpu.memref_slice %arg2[%dma_start3A_255, %dma_start3A_256] : memref<10000x144xf32, #tpu.memory_space<hbm>> -> memref<10000x144xf32, #tpu.memory_space<hbm>>
    tpu.enqueue_indirect_dma source(%dma_start3A_257 : memref<10000x144xf32, #tpu.memory_space<hbm>>) target(%dma_start3A_251 : memref<16x144xf32, #tpu.memory_space<vmem>>) offsets(%dma_start3A_254 : memref<16xi32, #tpu.memory_space<vmem>>) semaphore(%arg11 : memref<!tpu.dma_semaphore, #tpu.memory_space<semaphore_mem>>)
    %dma_wait3A_258 = arith.constant 0 : i32
    %dma_wait3A_259 = arith.constant 0 : i32
    %dma_wait3A_260 = arith.constant 0 : i32
    %dma_wait3A_261 = arith.constant 0 : i32
    %dma_wait3A_262 = tpu.memref_slice %arg7[%dma_wait3A_259, %dma_wait3A_260, %dma_wait3A_261] : memref<2x128x144xf32, #tpu.memory_space<vmem>> -> memref<1x16x144xf32, #tpu.memory_space<vmem>>
    %dma_wait3A_263 = tpu.memref_squeeze %dma_wait3A_262 : memref<1x16x144xf32, #tpu.memory_space<vmem>> -> memref<16x144xf32, #tpu.memory_space<vmem>>
    %dma_wait3A_264 = arith.constant 0 : i32
    %dma_wait3A_265 = tpu.memref_slice %arg5[%dma_wait3A_258, %dma_wait3A_264] : memref<4x128xi32, #tpu.memory_space<vmem>> -> memref<1x16xi32, #tpu.memory_space<vmem>>
    %dma_wait3A_266 = tpu.memref_squeeze %dma_wait3A_265 : memref<1x16xi32, #tpu.memory_space<vmem>> -> memref<16xi32, #tpu.memory_space<vmem>>
    %dma_wait3A_267 = arith.constant 0 : i32
    %dma_wait3A_268 = arith.constant 0 : i32
    %dma_wait3A_269 = tpu.memref_slice %arg2[%dma_wait3A_267, %dma_wait3A_268] : memref<10000x144xf32, #tpu.memory_space<hbm>> -> memref<10000x144xf32, #tpu.memory_space<hbm>>
    tpu.wait_indirect_dma semaphore(%arg11 : memref<!tpu.dma_semaphore, #tpu.memory_space<semaphore_mem>>) src(%dma_wait3A_269 : memref<10000x144xf32, #tpu.memory_space<hbm>>) dst(%dma_wait3A_263 : memref<16x144xf32, #tpu.memory_space<vmem>>)
    %dma_start3A_270 = arith.constant 0 : i32
    %dma_start3A_271 = arith.constant 0 : i32
    %dma_start3A_272 = arith.constant 0 : i32
    %dma_start3A_273 = arith.constant 0 : i32
    %dma_start3A_274 = tpu.memref_slice %arg7[%dma_start3A_270, %dma_start3A_272, %dma_start3A_273] : memref<2x128x144xf32, #tpu.memory_space<vmem>> -> memref<1x16x144xf32, #tpu.memory_space<vmem>>
    %dma_start3A_275 = tpu.memref_squeeze %dma_start3A_274 : memref<1x16x144xf32, #tpu.memory_space<vmem>> -> memref<16x144xf32, #tpu.memory_space<vmem>>
    %dma_start3A_276 = arith.constant 0 : i32
    %dma_start3A_277 = tpu.memref_slice %arg6[%dma_start3A_271, %dma_start3A_276] : memref<4x128xi32, #tpu.memory_space<vmem>> -> memref<1x16xi32, #tpu.memory_space<vmem>>
    %dma_start3A_278 = tpu.memref_squeeze %dma_start3A_277 : memref<1x16xi32, #tpu.memory_space<vmem>> -> memref<16xi32, #tpu.memory_space<vmem>>
    %dma_start3A_279 = arith.constant 0 : i32
    %dma_start3A_280 = arith.constant 0 : i32
    %dma_start3A_281 = tpu.memref_slice %arg8[%dma_start3A_279, %dma_start3A_280] : memref<10000x144xf32, #tpu.memory_space<vmem_shared>> -> memref<10000x144xf32, #tpu.memory_space<vmem_shared>>
    tpu.enqueue_indirect_dma source(%dma_start3A_275 : memref<16x144xf32, #tpu.memory_space<vmem>>) target(%dma_start3A_281 : memref<10000x144xf32, #tpu.memory_space<vmem_shared>>) offsets(%dma_start3A_278 : memref<16xi32, #tpu.memory_space<vmem>>) semaphore(%arg13 : memref<!tpu.dma_semaphore, #tpu.memory_space<semaphore_mem>>) {add = true}
    %dma_wait3A_282 = arith.constant 0 : i32
    %dma_wait3A_283 = arith.constant 0 : i32
    %dma_wait3A_284 = arith.constant 0 : i32
    %dma_wait3A_285 = arith.constant 0 : i32
    %dma_wait3A_286 = tpu.memref_slice %arg7[%dma_wait3A_282, %dma_wait3A_284, %dma_wait3A_285] : memref<2x128x144xf32, #tpu.memory_space<vmem>> -> memref<1x16x144xf32, #tpu.memory_space<vmem>>
    %dma_wait3A_287 = tpu.memref_squeeze %dma_wait3A_286 : memref<1x16x144xf32, #tpu.memory_space<vmem>> -> memref<16x144xf32, #tpu.memory_space<vmem>>
    %dma_wait3A_288 = arith.constant 0 : i32
    %dma_wait3A_289 = tpu.memref_slice %arg6[%dma_wait3A_283, %dma_wait3A_288] : memref<4x128xi32, #tpu.memory_space<vmem>> -> memref<1x16xi32, #tpu.memory_space<vmem>>
    %dma_wait3A_290 = tpu.memref_squeeze %dma_wait3A_289 : memref<1x16xi32, #tpu.memory_space<vmem>> -> memref<16xi32, #tpu.memory_space<vmem>>
    %dma_wait3A_291 = arith.constant 0 : i32
    %dma_wait3A_292 = arith.constant 0 : i32
    %dma_wait3A_293 = tpu.memref_slice %arg8[%dma_wait3A_291, %dma_wait3A_292] : memref<10000x144xf32, #tpu.memory_space<vmem_shared>> -> memref<10000x144xf32, #tpu.memory_space<vmem_shared>>
    tpu.wait_indirect_dma semaphore(%arg13 : memref<!tpu.dma_semaphore, #tpu.memory_space<semaphore_mem>>) src(%dma_wait3A_287 : memref<16x144xf32, #tpu.memory_space<vmem>>) dst(%dma_wait3A_293 : memref<10000x144xf32, #tpu.memory_space<vmem_shared>>)
    %barrier3A_294 = arith.constant 0 : index
    tpu.barrier barrier_id(%barrier3A_294)
    %mul3A_295 = arith.constant 624 : i32
    %mul3A_296 = arith.muli %arg1, %mul3A_295 : i32
    %mul3A_297 = arith.constant 624 : i32
    %mul3A_298 = arith.muli %arg1, %mul3A_297 : i32
    "tpu.region"() ({
      %run_scoped3A_304 = tpu.sem_alloc : memref<!tpu.dma_semaphore, #tpu.memory_space<semaphore_mem>>
      %dma_start3A_305 = arith.constant 0 : i32
      %dma_start3A_306 = tpu.memref_slice %arg4[%arg0, %mul3A_298, %dma_start3A_305] : memref<2x10000x144xf32, #tpu.memory_space<hbm>> -> memref<1x624x144xf32, #tpu.memory_space<hbm>>
      %dma_start3A_307 = tpu.memref_squeeze %dma_start3A_306 : memref<1x624x144xf32, #tpu.memory_space<hbm>> -> memref<624x144xf32, #tpu.memory_space<hbm>>
      %dma_start3A_308 = arith.constant 0 : i32
      %dma_start3A_309 = tpu.memref_slice %arg8[%mul3A_296, %dma_start3A_308] : memref<10000x144xf32, #tpu.memory_space<vmem_shared>> -> memref<624x144xf32, #tpu.memory_space<vmem_shared>>
      tpu.enqueue_dma source(%dma_start3A_309 : memref<624x144xf32, #tpu.memory_space<vmem_shared>>) target(%dma_start3A_307 : memref<624x144xf32, #tpu.memory_space<hbm>>) target_semaphore(%run_scoped3A_304 : memref<!tpu.dma_semaphore, #tpu.memory_space<semaphore_mem>>)
      %dma_wait3A_310 = arith.constant 0 : i32
      %dma_wait3A_311 = tpu.memref_slice %arg4[%arg0, %mul3A_298, %dma_wait3A_310] : memref<2x10000x144xf32, #tpu.memory_space<hbm>> -> memref<1x624x144xf32, #tpu.memory_space<hbm>>
      %dma_wait3A_312 = tpu.memref_squeeze %dma_wait3A_311 : memref<1x624x144xf32, #tpu.memory_space<hbm>> -> memref<624x144xf32, #tpu.memory_space<hbm>>
      %dma_wait3A_313 = arith.constant 0 : i32
      %dma_wait3A_314 = tpu.memref_slice %arg8[%mul3A_296, %dma_wait3A_313] : memref<10000x144xf32, #tpu.memory_space<vmem_shared>> -> memref<624x144xf32, #tpu.memory_space<vmem_shared>>
      tpu.wait_dma2 semaphore(%run_scoped3A_304 : memref<!tpu.dma_semaphore, #tpu.memory_space<semaphore_mem>>) src(%dma_wait3A_314 : memref<624x144xf32, #tpu.memory_space<vmem_shared>>) dst(%dma_wait3A_312 : memref<624x144xf32, #tpu.memory_space<hbm>>)
      tpu.yield
    }) : () -> ()
    %eq3A_299 = arith.constant 15 : i32
    %eq3A_300 = arith.cmpi eq, %arg1, %eq3A_299 : i32
    %convert_element_type3A_301 = arith.extui %eq3A_300 : i1 to i32
    %cond3A_302 = arith.constant 0 : i32
    %cond3A_303 = arith.cmpi ne, %convert_element_type3A_301, %cond3A_302 : i32
    scf.if %cond3A_303 {
      "tpu.region"() ({
        %run_scoped3A_304 = tpu.sem_alloc : memref<!tpu.dma_semaphore, #tpu.memory_space<semaphore_mem>>
        %dma_start3A_305 = arith.constant 9984 : i32
        %dma_start3A_306 = arith.constant 0 : i32
        %dma_start3A_307 = tpu.memref_slice %arg4[%arg0, %dma_start3A_305, %dma_start3A_306] : memref<2x10000x144xf32, #tpu.memory_space<hbm>> -> memref<1x16x144xf32, #tpu.memory_space<hbm>>
        %dma_start3A_308 = tpu.memref_squeeze %dma_start3A_307 : memref<1x16x144xf32, #tpu.memory_space<hbm>> -> memref<16x144xf32, #tpu.memory_space<hbm>>
        %dma_start3A_309 = arith.constant 9984 : i32
        %dma_start3A_310 = arith.constant 0 : i32
        %dma_start3A_311 = tpu.memref_slice %arg8[%dma_start3A_309, %dma_start3A_310] : memref<10000x144xf32, #tpu.memory_space<vmem_shared>> -> memref<16x144xf32, #tpu.memory_space<vmem_shared>>
        tpu.enqueue_dma source(%dma_start3A_311 : memref<16x144xf32, #tpu.memory_space<vmem_shared>>) target(%dma_start3A_308 : memref<16x144xf32, #tpu.memory_space<hbm>>) target_semaphore(%run_scoped3A_304 : memref<!tpu.dma_semaphore, #tpu.memory_space<semaphore_mem>>)
        %dma_wait3A_312 = arith.constant 9984 : i32
        %dma_wait3A_313 = arith.constant 0 : i32
        %dma_wait3A_314 = tpu.memref_slice %arg4[%arg0, %dma_wait3A_312, %dma_wait3A_313] : memref<2x10000x144xf32, #tpu.memory_space<hbm>> -> memref<1x16x144xf32, #tpu.memory_space<hbm>>
        %dma_wait3A_315 = tpu.memref_squeeze %dma_wait3A_314 : memref<1x16x144xf32, #tpu.memory_space<hbm>> -> memref<16x144xf32, #tpu.memory_space<hbm>>
        %dma_wait3A_316 = arith.constant 9984 : i32
        %dma_wait3A_317 = arith.constant 0 : i32
        %dma_wait3A_318 = tpu.memref_slice %arg8[%dma_wait3A_316, %dma_wait3A_317] : memref<10000x144xf32, #tpu.memory_space<vmem_shared>> -> memref<16x144xf32, #tpu.memory_space<vmem_shared>>
        tpu.wait_dma2 semaphore(%run_scoped3A_304 : memref<!tpu.dma_semaphore, #tpu.memory_space<semaphore_mem>>) src(%dma_wait3A_318 : memref<16x144xf32, #tpu.memory_space<vmem_shared>>) dst(%dma_wait3A_315 : memref<16x144xf32, #tpu.memory_space<hbm>>)
        tpu.yield
      }) : () -> ()
    } else {
    }
    return
  }
}

#map = affine_map<(d0, d1) -> (0, 0)>
#map1 = affine_map<(d0, d1) -> (0, 0, 0)>
module attributes {stable_mosaic.version = 14 : i64} {
  func.func @body(%arg0: i32, %arg1: i32, %arg2: memref<10000x64xf32, #tpu.memory_space<hbm>>, %arg3: memref<2x320000xi32, #tpu.memory_space<hbm>>, %arg4: memref<2x10000x64xf32, #tpu.memory_space<hbm>>, %arg5: memref<4x128xi32, #tpu.memory_space<vmem>>, %arg6: memref<4x128xi32, #tpu.memory_space<vmem>>, %arg7: memref<2x128x64xf32, #tpu.memory_space<vmem>>, %arg8: memref<10000x64xf32, #tpu.memory_space<vmem_shared>>, %arg9: memref<!tpu.dma_semaphore, #tpu.memory_space<semaphore_mem>>, %arg10: memref<!tpu.dma_semaphore, #tpu.memory_space<semaphore_mem>>, %arg11: memref<!tpu.dma_semaphore, #tpu.memory_space<semaphore_mem>>, %arg12: memref<!tpu.dma_semaphore, #tpu.memory_space<semaphore_mem>>, %arg13: memref<!tpu.dma_semaphore, #tpu.memory_space<semaphore_mem>>, %arg14: memref<!tpu.dma_semaphore, #tpu.memory_space<semaphore_mem>>) attributes {dimension_semantics = [#tpu.dimension_semantics<core_parallel>, #tpu.dimension_semantics<subcore_parallel>], iteration_bounds = array<i64: 2, 16>, scalar_prefetch = 0 : i64, scratch_operands = 10 : i64, tpu.core_type = #tpu.core_type<sc_vector_subcore>, window_params = [{transform_indices = #map}, {transform_indices = #map}, {transform_indices = #map1}]} {
    %mul3A = arith.constant 2 : i32
    %mul3A_0 = arith.muli %arg1, %mul3A : i32
    %add3A = arith.addi %mul3A_0, %arg0 : i32
    %mul3A_1 = arith.constant 10000 : i32
    %mul3A_2 = arith.muli %add3A, %mul3A_1 : i32
    %add3A_3 = arith.constant 0 : i32
    %add3A_4 = arith.addi %mul3A_2, %add3A_3 : i32
    %rem3A = arith.constant 0 : i32
    %rem3A_5 = arith.constant 4 : i32
    %rem3A_6 = arith.remsi %rem3A, %rem3A_5 : i32
    %dma_start3A = arith.constant 0 : i32
    %dma_start3A_7 = arith.constant 0 : i32
    %dma_start3A_8 = tpu.memref_slice %arg5[%rem3A_6, %dma_start3A_7] : memref<4x128xi32, #tpu.memory_space<vmem>> -> memref<1x128xi32, #tpu.memory_space<vmem>>
    %dma_start3A_9 = tpu.memref_squeeze %dma_start3A_8 : memref<1x128xi32, #tpu.memory_space<vmem>> -> memref<128xi32, #tpu.memory_space<vmem>>
    %dma_start3A_10 = tpu.memref_slice %arg3[%dma_start3A, %add3A_4] : memref<2x320000xi32, #tpu.memory_space<hbm>> -> memref<1x128xi32, #tpu.memory_space<hbm>>
    %dma_start3A_11 = tpu.memref_squeeze %dma_start3A_10 : memref<1x128xi32, #tpu.memory_space<hbm>> -> memref<128xi32, #tpu.memory_space<hbm>>
    %dma_start3A_12 = arith.constant 0 : i32
    %dma_start3A_13 = tpu.memref_slice %arg5[%rem3A_6, %dma_start3A_12] : memref<4x128xi32, #tpu.memory_space<vmem>> -> memref<1x128xi32, #tpu.memory_space<vmem>>
    %dma_start3A_14 = tpu.memref_squeeze %dma_start3A_13 : memref<1x128xi32, #tpu.memory_space<vmem>> -> memref<128xi32, #tpu.memory_space<vmem>>
    %dma_start3A_15 = tpu.memref_slice %arg3[%dma_start3A, %add3A_4] : memref<2x320000xi32, #tpu.memory_space<hbm>> -> memref<1x128xi32, #tpu.memory_space<hbm>>
    %dma_start3A_16 = tpu.memref_squeeze %dma_start3A_15 : memref<1x128xi32, #tpu.memory_space<hbm>> -> memref<128xi32, #tpu.memory_space<hbm>>
    tpu.enqueue_dma source(%dma_start3A_16 : memref<128xi32, #tpu.memory_space<hbm>>) target(%dma_start3A_14 : memref<128xi32, #tpu.memory_space<vmem>>) target_semaphore(%arg9 : memref<!tpu.dma_semaphore, #tpu.memory_space<semaphore_mem>>)
    %add3A_17 = arith.constant 0 : i32
    %add3A_18 = arith.addi %mul3A_2, %add3A_17 : i32
    %rem3A_19 = arith.constant 0 : i32
    %rem3A_20 = arith.constant 4 : i32
    %rem3A_21 = arith.remsi %rem3A_19, %rem3A_20 : i32
    %dma_start3A_22 = arith.constant 1 : i32
    %dma_start3A_23 = arith.constant 0 : i32
    %dma_start3A_24 = tpu.memref_slice %arg6[%rem3A_21, %dma_start3A_23] : memref<4x128xi32, #tpu.memory_space<vmem>> -> memref<1x128xi32, #tpu.memory_space<vmem>>
    %dma_start3A_25 = tpu.memref_squeeze %dma_start3A_24 : memref<1x128xi32, #tpu.memory_space<vmem>> -> memref<128xi32, #tpu.memory_space<vmem>>
    %dma_start3A_26 = tpu.memref_slice %arg3[%dma_start3A_22, %add3A_18] : memref<2x320000xi32, #tpu.memory_space<hbm>> -> memref<1x128xi32, #tpu.memory_space<hbm>>
    %dma_start3A_27 = tpu.memref_squeeze %dma_start3A_26 : memref<1x128xi32, #tpu.memory_space<hbm>> -> memref<128xi32, #tpu.memory_space<hbm>>
    %dma_start3A_28 = arith.constant 0 : i32
    %dma_start3A_29 = tpu.memref_slice %arg6[%rem3A_21, %dma_start3A_28] : memref<4x128xi32, #tpu.memory_space<vmem>> -> memref<1x128xi32, #tpu.memory_space<vmem>>
    %dma_start3A_30 = tpu.memref_squeeze %dma_start3A_29 : memref<1x128xi32, #tpu.memory_space<vmem>> -> memref<128xi32, #tpu.memory_space<vmem>>
    %dma_start3A_31 = tpu.memref_slice %arg3[%dma_start3A_22, %add3A_18] : memref<2x320000xi32, #tpu.memory_space<hbm>> -> memref<1x128xi32, #tpu.memory_space<hbm>>
    %dma_start3A_32 = tpu.memref_squeeze %dma_start3A_31 : memref<1x128xi32, #tpu.memory_space<hbm>> -> memref<128xi32, #tpu.memory_space<hbm>>
    tpu.enqueue_dma source(%dma_start3A_32 : memref<128xi32, #tpu.memory_space<hbm>>) target(%dma_start3A_30 : memref<128xi32, #tpu.memory_space<vmem>>) target_semaphore(%arg9 : memref<!tpu.dma_semaphore, #tpu.memory_space<semaphore_mem>>)
    %add3A_33 = arith.constant 128 : i32
    %add3A_34 = arith.addi %mul3A_2, %add3A_33 : i32
    %rem3A_35 = arith.constant 1 : i32
    %rem3A_36 = arith.constant 4 : i32
    %rem3A_37 = arith.remsi %rem3A_35, %rem3A_36 : i32
    %dma_start3A_38 = arith.constant 0 : i32
    %dma_start3A_39 = arith.constant 0 : i32
    %dma_start3A_40 = tpu.memref_slice %arg5[%rem3A_37, %dma_start3A_39] : memref<4x128xi32, #tpu.memory_space<vmem>> -> memref<1x128xi32, #tpu.memory_space<vmem>>
    %dma_start3A_41 = tpu.memref_squeeze %dma_start3A_40 : memref<1x128xi32, #tpu.memory_space<vmem>> -> memref<128xi32, #tpu.memory_space<vmem>>
    %dma_start3A_42 = tpu.memref_slice %arg3[%dma_start3A_38, %add3A_34] : memref<2x320000xi32, #tpu.memory_space<hbm>> -> memref<1x128xi32, #tpu.memory_space<hbm>>
    %dma_start3A_43 = tpu.memref_squeeze %dma_start3A_42 : memref<1x128xi32, #tpu.memory_space<hbm>> -> memref<128xi32, #tpu.memory_space<hbm>>
    %dma_start3A_44 = arith.constant 0 : i32
    %dma_start3A_45 = tpu.memref_slice %arg5[%rem3A_37, %dma_start3A_44] : memref<4x128xi32, #tpu.memory_space<vmem>> -> memref<1x128xi32, #tpu.memory_space<vmem>>
    %dma_start3A_46 = tpu.memref_squeeze %dma_start3A_45 : memref<1x128xi32, #tpu.memory_space<vmem>> -> memref<128xi32, #tpu.memory_space<vmem>>
    %dma_start3A_47 = tpu.memref_slice %arg3[%dma_start3A_38, %add3A_34] : memref<2x320000xi32, #tpu.memory_space<hbm>> -> memref<1x128xi32, #tpu.memory_space<hbm>>
    %dma_start3A_48 = tpu.memref_squeeze %dma_start3A_47 : memref<1x128xi32, #tpu.memory_space<hbm>> -> memref<128xi32, #tpu.memory_space<hbm>>
    tpu.enqueue_dma source(%dma_start3A_48 : memref<128xi32, #tpu.memory_space<hbm>>) target(%dma_start3A_46 : memref<128xi32, #tpu.memory_space<vmem>>) target_semaphore(%arg10 : memref<!tpu.dma_semaphore, #tpu.memory_space<semaphore_mem>>)
    %add3A_49 = arith.constant 128 : i32
    %add3A_50 = arith.addi %mul3A_2, %add3A_49 : i32
    %rem3A_51 = arith.constant 1 : i32
    %rem3A_52 = arith.constant 4 : i32
    %rem3A_53 = arith.remsi %rem3A_51, %rem3A_52 : i32
    %dma_start3A_54 = arith.constant 1 : i32
    %dma_start3A_55 = arith.constant 0 : i32
    %dma_start3A_56 = tpu.memref_slice %arg6[%rem3A_53, %dma_start3A_55] : memref<4x128xi32, #tpu.memory_space<vmem>> -> memref<1x128xi32, #tpu.memory_space<vmem>>
    %dma_start3A_57 = tpu.memref_squeeze %dma_start3A_56 : memref<1x128xi32, #tpu.memory_space<vmem>> -> memref<128xi32, #tpu.memory_space<vmem>>
    %dma_start3A_58 = tpu.memref_slice %arg3[%dma_start3A_54, %add3A_50] : memref<2x320000xi32, #tpu.memory_space<hbm>> -> memref<1x128xi32, #tpu.memory_space<hbm>>
    %dma_start3A_59 = tpu.memref_squeeze %dma_start3A_58 : memref<1x128xi32, #tpu.memory_space<hbm>> -> memref<128xi32, #tpu.memory_space<hbm>>
    %dma_start3A_60 = arith.constant 0 : i32
    %dma_start3A_61 = tpu.memref_slice %arg6[%rem3A_53, %dma_start3A_60] : memref<4x128xi32, #tpu.memory_space<vmem>> -> memref<1x128xi32, #tpu.memory_space<vmem>>
    %dma_start3A_62 = tpu.memref_squeeze %dma_start3A_61 : memref<1x128xi32, #tpu.memory_space<vmem>> -> memref<128xi32, #tpu.memory_space<vmem>>
    %dma_start3A_63 = tpu.memref_slice %arg3[%dma_start3A_54, %add3A_50] : memref<2x320000xi32, #tpu.memory_space<hbm>> -> memref<1x128xi32, #tpu.memory_space<hbm>>
    %dma_start3A_64 = tpu.memref_squeeze %dma_start3A_63 : memref<1x128xi32, #tpu.memory_space<hbm>> -> memref<128xi32, #tpu.memory_space<hbm>>
    tpu.enqueue_dma source(%dma_start3A_64 : memref<128xi32, #tpu.memory_space<hbm>>) target(%dma_start3A_62 : memref<128xi32, #tpu.memory_space<vmem>>) target_semaphore(%arg10 : memref<!tpu.dma_semaphore, #tpu.memory_space<semaphore_mem>>)
    %broadcast_in_dim3A = arith.constant 0.000000e+00 : f32
    %broadcast_in_dim3A_65 = vector.broadcast %broadcast_in_dim3A : f32 to vector<16xf32>
    %scan3A = arith.constant 0 : i32
    %scan3A_66 = arith.constant 0 : i32
    %scan3A_67 = arith.constant 128 : i32
    %scan3A_68 = arith.addi %scan3A_66, %scan3A_67 : i32
    %scan3A_69 = arith.constant 1 : i32
    %scan3A_70 = scf.for %scan3A_304 = %scan3A_66 to %scan3A_68 step %scan3A_69 iter_args(%scan3A_305 = %scan3A) -> (i32)  : i32 {
      %swap3A = arith.constant 0 : i32
      %swap3A_306 = arith.index_cast %swap3A : i32 to index
      %swap3A_307 = arith.index_cast %scan3A_304 : i32 to index
      %swap3A_308 = arith.constant 0 : index
      %swap3A_309 = tpu.vector_load %arg7[%swap3A_306, %swap3A_307, %swap3A_308] {strides = array<i32>} : memref<2x128x64xf32, #tpu.memory_space<vmem>>, vector<1x1x16xf32>,
      %swap3A_310 = vector.shape_cast %swap3A_309 : vector<1x1x16xf32> to vector<16xf32>
      %swap3A_311 = vector.shape_cast %broadcast_in_dim3A_65 : vector<16xf32> to vector<1x1x16xf32>
      tpu.vector_store %arg7[%swap3A_306, %swap3A_307, %swap3A_308], %swap3A_311 {strides = array<i32>} : memref<2x128x64xf32, #tpu.memory_space<vmem>>, vector<1x1x16xf32>,
      %swap3A_312 = arith.constant 0 : i32
      %swap3A_313 = arith.index_cast %swap3A_312 : i32 to index
      %swap3A_314 = arith.index_cast %scan3A_304 : i32 to index
      %swap3A_315 = arith.constant 16 : index
      %swap3A_316 = tpu.vector_load %arg7[%swap3A_313, %swap3A_314, %swap3A_315] {strides = array<i32>} : memref<2x128x64xf32, #tpu.memory_space<vmem>>, vector<1x1x16xf32>,
      %swap3A_317 = vector.shape_cast %swap3A_316 : vector<1x1x16xf32> to vector<16xf32>
      %swap3A_318 = vector.shape_cast %broadcast_in_dim3A_65 : vector<16xf32> to vector<1x1x16xf32>
      tpu.vector_store %arg7[%swap3A_313, %swap3A_314, %swap3A_315], %swap3A_318 {strides = array<i32>} : memref<2x128x64xf32, #tpu.memory_space<vmem>>, vector<1x1x16xf32>,
      %swap3A_319 = arith.constant 0 : i32
      %swap3A_320 = arith.index_cast %swap3A_319 : i32 to index
      %swap3A_321 = arith.index_cast %scan3A_304 : i32 to index
      %swap3A_322 = arith.constant 32 : index
      %swap3A_323 = tpu.vector_load %arg7[%swap3A_320, %swap3A_321, %swap3A_322] {strides = array<i32>} : memref<2x128x64xf32, #tpu.memory_space<vmem>>, vector<1x1x16xf32>,
      %swap3A_324 = vector.shape_cast %swap3A_323 : vector<1x1x16xf32> to vector<16xf32>
      %swap3A_325 = vector.shape_cast %broadcast_in_dim3A_65 : vector<16xf32> to vector<1x1x16xf32>
      tpu.vector_store %arg7[%swap3A_320, %swap3A_321, %swap3A_322], %swap3A_325 {strides = array<i32>} : memref<2x128x64xf32, #tpu.memory_space<vmem>>, vector<1x1x16xf32>,
      %swap3A_326 = arith.constant 0 : i32
      %swap3A_327 = arith.index_cast %swap3A_326 : i32 to index
      %swap3A_328 = arith.index_cast %scan3A_304 : i32 to index
      %swap3A_329 = arith.constant 48 : index
      %swap3A_330 = tpu.vector_load %arg7[%swap3A_327, %swap3A_328, %swap3A_329] {strides = array<i32>} : memref<2x128x64xf32, #tpu.memory_space<vmem>>, vector<1x1x16xf32>,
      %swap3A_331 = vector.shape_cast %swap3A_330 : vector<1x1x16xf32> to vector<16xf32>
      %swap3A_332 = vector.shape_cast %broadcast_in_dim3A_65 : vector<16xf32> to vector<1x1x16xf32>
      tpu.vector_store %arg7[%swap3A_327, %swap3A_328, %swap3A_329], %swap3A_332 {strides = array<i32>} : memref<2x128x64xf32, #tpu.memory_space<vmem>>, vector<1x1x16xf32>,
      %scan3A_333 = arith.constant 0 : i32
      scf.yield %scan3A_333 : i32
    }
    %scan3A_71 = arith.constant 128 : i32
    %mul3A_72 = arith.constant 624 : i32
    %mul3A_73 = arith.muli %arg1, %mul3A_72 : i32
    %add3A_74 = arith.constant 0 : i32
    %add3A_75 = arith.addi %mul3A_73, %add3A_74 : i32
    %run_scoped3A = arith.constant 0 : i32
    "tpu.region"() ({
      %run_scoped3A_304 = tpu.sem_alloc : memref<!tpu.dma_semaphore, #tpu.memory_space<semaphore_mem>>
      %dma_start3A_305 = arith.constant 0 : i32
      %dma_start3A_306 = arith.constant 0 : i32
      %dma_start3A_307 = tpu.memref_slice %arg7[%run_scoped3A, %dma_start3A_305, %dma_start3A_306] : memref<2x128x64xf32, #tpu.memory_space<vmem>> -> memref<1x128x64xf32, #tpu.memory_space<vmem>>
      %dma_start3A_308 = tpu.memref_squeeze %dma_start3A_307 : memref<1x128x64xf32, #tpu.memory_space<vmem>> -> memref<128x64xf32, #tpu.memory_space<vmem>>
      %dma_start3A_309 = arith.constant 0 : i32
      %dma_start3A_310 = tpu.memref_slice %arg8[%add3A_75, %dma_start3A_309] : memref<10000x64xf32, #tpu.memory_space<vmem_shared>> -> memref<128x64xf32, #tpu.memory_space<vmem_shared>>
      %dma_start3A_311 = arith.constant 0 : i32
      %dma_start3A_312 = tpu.memref_slice %arg8[%add3A_75, %dma_start3A_311] : memref<10000x64xf32, #tpu.memory_space<vmem_shared>> -> memref<128x64xf32, #tpu.memory_space<vmem_shared>>
      %dma_start3A_313 = arith.constant 0 : i32
      %dma_start3A_314 = arith.constant 0 : i32
      %dma_start3A_315 = tpu.memref_slice %arg7[%run_scoped3A, %dma_start3A_313, %dma_start3A_314] : memref<2x128x64xf32, #tpu.memory_space<vmem>> -> memref<1x128x64xf32, #tpu.memory_space<vmem>>
      %dma_start3A_316 = tpu.memref_squeeze %dma_start3A_315 : memref<1x128x64xf32, #tpu.memory_space<vmem>> -> memref<128x64xf32, #tpu.memory_space<vmem>>
      tpu.enqueue_dma source(%dma_start3A_316 : memref<128x64xf32, #tpu.memory_space<vmem>>) target(%dma_start3A_312 : memref<128x64xf32, #tpu.memory_space<vmem_shared>>) target_semaphore(%run_scoped3A_304 : memref<!tpu.dma_semaphore, #tpu.memory_space<semaphore_mem>>)
      %dma_wait3A_317 = arith.constant 0 : i32
      %dma_wait3A_318 = arith.constant 0 : i32
      %dma_wait3A_319 = tpu.memref_slice %arg7[%run_scoped3A, %dma_wait3A_317, %dma_wait3A_318] : memref<2x128x64xf32, #tpu.memory_space<vmem>> -> memref<1x128x64xf32, #tpu.memory_space<vmem>>
      %dma_wait3A_320 = tpu.memref_squeeze %dma_wait3A_319 : memref<1x128x64xf32, #tpu.memory_space<vmem>> -> memref<128x64xf32, #tpu.memory_space<vmem>>
      %dma_wait3A_321 = arith.constant 0 : i32
      %dma_wait3A_322 = tpu.memref_slice %arg8[%add3A_75, %dma_wait3A_321] : memref<10000x64xf32, #tpu.memory_space<vmem_shared>> -> memref<128x64xf32, #tpu.memory_space<vmem_shared>>
      %dma_wait3A_323 = arith.constant 0 : i32
      %dma_wait3A_324 = tpu.memref_slice %arg8[%add3A_75, %dma_wait3A_323] : memref<10000x64xf32, #tpu.memory_space<vmem_shared>> -> memref<128x64xf32, #tpu.memory_space<vmem_shared>>
      %dma_wait3A_325 = arith.constant 0 : i32
      %dma_wait3A_326 = arith.constant 0 : i32
      %dma_wait3A_327 = tpu.memref_slice %arg7[%run_scoped3A, %dma_wait3A_325, %dma_wait3A_326] : memref<2x128x64xf32, #tpu.memory_space<vmem>> -> memref<1x128x64xf32, #tpu.memory_space<vmem>>
      %dma_wait3A_328 = tpu.memref_squeeze %dma_wait3A_327 : memref<1x128x64xf32, #tpu.memory_space<vmem>> -> memref<128x64xf32, #tpu.memory_space<vmem>>
      tpu.wait_dma2 semaphore(%run_scoped3A_304 : memref<!tpu.dma_semaphore, #tpu.memory_space<semaphore_mem>>) src(%dma_wait3A_328 : memref<128x64xf32, #tpu.memory_space<vmem>>) dst(%dma_wait3A_324 : memref<128x64xf32, #tpu.memory_space<vmem_shared>>)
      tpu.yield
    }) : () -> ()
    %mul3A_76 = arith.constant 624 : i32
    %mul3A_77 = arith.muli %arg1, %mul3A_76 : i32
    %add3A_78 = arith.constant 128 : i32
    %add3A_79 = arith.addi %mul3A_77, %add3A_78 : i32
    %run_scoped3A_80 = arith.constant 0 : i32
    "tpu.region"() ({
      %run_scoped3A_304 = tpu.sem_alloc : memref<!tpu.dma_semaphore, #tpu.memory_space<semaphore_mem>>
      %dma_start3A_305 = arith.constant 0 : i32
      %dma_start3A_306 = arith.constant 0 : i32
      %dma_start3A_307 = tpu.memref_slice %arg7[%run_scoped3A_80, %dma_start3A_305, %dma_start3A_306] : memref<2x128x64xf32, #tpu.memory_space<vmem>> -> memref<1x128x64xf32, #tpu.memory_space<vmem>>
      %dma_start3A_308 = tpu.memref_squeeze %dma_start3A_307 : memref<1x128x64xf32, #tpu.memory_space<vmem>> -> memref<128x64xf32, #tpu.memory_space<vmem>>
      %dma_start3A_309 = arith.constant 0 : i32
      %dma_start3A_310 = tpu.memref_slice %arg8[%add3A_79, %dma_start3A_309] : memref<10000x64xf32, #tpu.memory_space<vmem_shared>> -> memref<128x64xf32, #tpu.memory_space<vmem_shared>>
      %dma_start3A_311 = arith.constant 0 : i32
      %dma_start3A_312 = tpu.memref_slice %arg8[%add3A_79, %dma_start3A_311] : memref<10000x64xf32, #tpu.memory_space<vmem_shared>> -> memref<128x64xf32, #tpu.memory_space<vmem_shared>>
      %dma_start3A_313 = arith.constant 0 : i32
      %dma_start3A_314 = arith.constant 0 : i32
      %dma_start3A_315 = tpu.memref_slice %arg7[%run_scoped3A_80, %dma_start3A_313, %dma_start3A_314] : memref<2x128x64xf32, #tpu.memory_space<vmem>> -> memref<1x128x64xf32, #tpu.memory_space<vmem>>
      %dma_start3A_316 = tpu.memref_squeeze %dma_start3A_315 : memref<1x128x64xf32, #tpu.memory_space<vmem>> -> memref<128x64xf32, #tpu.memory_space<vmem>>
      tpu.enqueue_dma source(%dma_start3A_316 : memref<128x64xf32, #tpu.memory_space<vmem>>) target(%dma_start3A_312 : memref<128x64xf32, #tpu.memory_space<vmem_shared>>) target_semaphore(%run_scoped3A_304 : memref<!tpu.dma_semaphore, #tpu.memory_space<semaphore_mem>>)
      %dma_wait3A_317 = arith.constant 0 : i32
      %dma_wait3A_318 = arith.constant 0 : i32
      %dma_wait3A_319 = tpu.memref_slice %arg7[%run_scoped3A_80, %dma_wait3A_317, %dma_wait3A_318] : memref<2x128x64xf32, #tpu.memory_space<vmem>> -> memref<1x128x64xf32, #tpu.memory_space<vmem>>
      %dma_wait3A_320 = tpu.memref_squeeze %dma_wait3A_319 : memref<1x128x64xf32, #tpu.memory_space<vmem>> -> memref<128x64xf32, #tpu.memory_space<vmem>>
      %dma_wait3A_321 = arith.constant 0 : i32
      %dma_wait3A_322 = tpu.memref_slice %arg8[%add3A_79, %dma_wait3A_321] : memref<10000x64xf32, #tpu.memory_space<vmem_shared>> -> memref<128x64xf32, #tpu.memory_space<vmem_shared>>
      %dma_wait3A_323 = arith.constant 0 : i32
      %dma_wait3A_324 = tpu.memref_slice %arg8[%add3A_79, %dma_wait3A_323] : memref<10000x64xf32, #tpu.memory_space<vmem_shared>> -> memref<128x64xf32, #tpu.memory_space<vmem_shared>>
      %dma_wait3A_325 = arith.constant 0 : i32
      %dma_wait3A_326 = arith.constant 0 : i32
      %dma_wait3A_327 = tpu.memref_slice %arg7[%run_scoped3A_80, %dma_wait3A_325, %dma_wait3A_326] : memref<2x128x64xf32, #tpu.memory_space<vmem>> -> memref<1x128x64xf32, #tpu.memory_space<vmem>>
      %dma_wait3A_328 = tpu.memref_squeeze %dma_wait3A_327 : memref<1x128x64xf32, #tpu.memory_space<vmem>> -> memref<128x64xf32, #tpu.memory_space<vmem>>
      tpu.wait_dma2 semaphore(%run_scoped3A_304 : memref<!tpu.dma_semaphore, #tpu.memory_space<semaphore_mem>>) src(%dma_wait3A_328 : memref<128x64xf32, #tpu.memory_space<vmem>>) dst(%dma_wait3A_324 : memref<128x64xf32, #tpu.memory_space<vmem_shared>>)
      tpu.yield
    }) : () -> ()
    %mul3A_81 = arith.constant 624 : i32
    %mul3A_82 = arith.muli %arg1, %mul3A_81 : i32
    %add3A_83 = arith.constant 256 : i32
    %add3A_84 = arith.addi %mul3A_82, %add3A_83 : i32
    %run_scoped3A_85 = arith.constant 0 : i32
    "tpu.region"() ({
      %run_scoped3A_304 = tpu.sem_alloc : memref<!tpu.dma_semaphore, #tpu.memory_space<semaphore_mem>>
      %dma_start3A_305 = arith.constant 0 : i32
      %dma_start3A_306 = arith.constant 0 : i32
      %dma_start3A_307 = tpu.memref_slice %arg7[%run_scoped3A_85, %dma_start3A_305, %dma_start3A_306] : memref<2x128x64xf32, #tpu.memory_space<vmem>> -> memref<1x128x64xf32, #tpu.memory_space<vmem>>
      %dma_start3A_308 = tpu.memref_squeeze %dma_start3A_307 : memref<1x128x64xf32, #tpu.memory_space<vmem>> -> memref<128x64xf32, #tpu.memory_space<vmem>>
      %dma_start3A_309 = arith.constant 0 : i32
      %dma_start3A_310 = tpu.memref_slice %arg8[%add3A_84, %dma_start3A_309] : memref<10000x64xf32, #tpu.memory_space<vmem_shared>> -> memref<128x64xf32, #tpu.memory_space<vmem_shared>>
      %dma_start3A_311 = arith.constant 0 : i32
      %dma_start3A_312 = tpu.memref_slice %arg8[%add3A_84, %dma_start3A_311] : memref<10000x64xf32, #tpu.memory_space<vmem_shared>> -> memref<128x64xf32, #tpu.memory_space<vmem_shared>>
      %dma_start3A_313 = arith.constant 0 : i32
      %dma_start3A_314 = arith.constant 0 : i32
      %dma_start3A_315 = tpu.memref_slice %arg7[%run_scoped3A_85, %dma_start3A_313, %dma_start3A_314] : memref<2x128x64xf32, #tpu.memory_space<vmem>> -> memref<1x128x64xf32, #tpu.memory_space<vmem>>
      %dma_start3A_316 = tpu.memref_squeeze %dma_start3A_315 : memref<1x128x64xf32, #tpu.memory_space<vmem>> -> memref<128x64xf32, #tpu.memory_space<vmem>>
      tpu.enqueue_dma source(%dma_start3A_316 : memref<128x64xf32, #tpu.memory_space<vmem>>) target(%dma_start3A_312 : memref<128x64xf32, #tpu.memory_space<vmem_shared>>) target_semaphore(%run_scoped3A_304 : memref<!tpu.dma_semaphore, #tpu.memory_space<semaphore_mem>>)
      %dma_wait3A_317 = arith.constant 0 : i32
      %dma_wait3A_318 = arith.constant 0 : i32
      %dma_wait3A_319 = tpu.memref_slice %arg7[%run_scoped3A_85, %dma_wait3A_317, %dma_wait3A_318] : memref<2x128x64xf32, #tpu.memory_space<vmem>> -> memref<1x128x64xf32, #tpu.memory_space<vmem>>
      %dma_wait3A_320 = tpu.memref_squeeze %dma_wait3A_319 : memref<1x128x64xf32, #tpu.memory_space<vmem>> -> memref<128x64xf32, #tpu.memory_space<vmem>>
      %dma_wait3A_321 = arith.constant 0 : i32
      %dma_wait3A_322 = tpu.memref_slice %arg8[%add3A_84, %dma_wait3A_321] : memref<10000x64xf32, #tpu.memory_space<vmem_shared>> -> memref<128x64xf32, #tpu.memory_space<vmem_shared>>
      %dma_wait3A_323 = arith.constant 0 : i32
      %dma_wait3A_324 = tpu.memref_slice %arg8[%add3A_84, %dma_wait3A_323] : memref<10000x64xf32, #tpu.memory_space<vmem_shared>> -> memref<128x64xf32, #tpu.memory_space<vmem_shared>>
      %dma_wait3A_325 = arith.constant 0 : i32
      %dma_wait3A_326 = arith.constant 0 : i32
      %dma_wait3A_327 = tpu.memref_slice %arg7[%run_scoped3A_85, %dma_wait3A_325, %dma_wait3A_326] : memref<2x128x64xf32, #tpu.memory_space<vmem>> -> memref<1x128x64xf32, #tpu.memory_space<vmem>>
      %dma_wait3A_328 = tpu.memref_squeeze %dma_wait3A_327 : memref<1x128x64xf32, #tpu.memory_space<vmem>> -> memref<128x64xf32, #tpu.memory_space<vmem>>
      tpu.wait_dma2 semaphore(%run_scoped3A_304 : memref<!tpu.dma_semaphore, #tpu.memory_space<semaphore_mem>>) src(%dma_wait3A_328 : memref<128x64xf32, #tpu.memory_space<vmem>>) dst(%dma_wait3A_324 : memref<128x64xf32, #tpu.memory_space<vmem_shared>>)
      tpu.yield
    }) : () -> ()
    %mul3A_86 = arith.constant 624 : i32
    %mul3A_87 = arith.muli %arg1, %mul3A_86 : i32
    %add3A_88 = arith.constant 384 : i32
    %add3A_89 = arith.addi %mul3A_87, %add3A_88 : i32
    %run_scoped3A_90 = arith.constant 0 : i32
    "tpu.region"() ({
      %run_scoped3A_304 = tpu.sem_alloc : memref<!tpu.dma_semaphore, #tpu.memory_space<semaphore_mem>>
      %dma_start3A_305 = arith.constant 0 : i32
      %dma_start3A_306 = arith.constant 0 : i32
      %dma_start3A_307 = tpu.memref_slice %arg7[%run_scoped3A_90, %dma_start3A_305, %dma_start3A_306] : memref<2x128x64xf32, #tpu.memory_space<vmem>> -> memref<1x128x64xf32, #tpu.memory_space<vmem>>
      %dma_start3A_308 = tpu.memref_squeeze %dma_start3A_307 : memref<1x128x64xf32, #tpu.memory_space<vmem>> -> memref<128x64xf32, #tpu.memory_space<vmem>>
      %dma_start3A_309 = arith.constant 0 : i32
      %dma_start3A_310 = tpu.memref_slice %arg8[%add3A_89, %dma_start3A_309] : memref<10000x64xf32, #tpu.memory_space<vmem_shared>> -> memref<128x64xf32, #tpu.memory_space<vmem_shared>>
      %dma_start3A_311 = arith.constant 0 : i32
      %dma_start3A_312 = tpu.memref_slice %arg8[%add3A_89, %dma_start3A_311] : memref<10000x64xf32, #tpu.memory_space<vmem_shared>> -> memref<128x64xf32, #tpu.memory_space<vmem_shared>>
      %dma_start3A_313 = arith.constant 0 : i32
      %dma_start3A_314 = arith.constant 0 : i32
      %dma_start3A_315 = tpu.memref_slice %arg7[%run_scoped3A_90, %dma_start3A_313, %dma_start3A_314] : memref<2x128x64xf32, #tpu.memory_space<vmem>> -> memref<1x128x64xf32, #tpu.memory_space<vmem>>
      %dma_start3A_316 = tpu.memref_squeeze %dma_start3A_315 : memref<1x128x64xf32, #tpu.memory_space<vmem>> -> memref<128x64xf32, #tpu.memory_space<vmem>>
      tpu.enqueue_dma source(%dma_start3A_316 : memref<128x64xf32, #tpu.memory_space<vmem>>) target(%dma_start3A_312 : memref<128x64xf32, #tpu.memory_space<vmem_shared>>) target_semaphore(%run_scoped3A_304 : memref<!tpu.dma_semaphore, #tpu.memory_space<semaphore_mem>>)
      %dma_wait3A_317 = arith.constant 0 : i32
      %dma_wait3A_318 = arith.constant 0 : i32
      %dma_wait3A_319 = tpu.memref_slice %arg7[%run_scoped3A_90, %dma_wait3A_317, %dma_wait3A_318] : memref<2x128x64xf32, #tpu.memory_space<vmem>> -> memref<1x128x64xf32, #tpu.memory_space<vmem>>
      %dma_wait3A_320 = tpu.memref_squeeze %dma_wait3A_319 : memref<1x128x64xf32, #tpu.memory_space<vmem>> -> memref<128x64xf32, #tpu.memory_space<vmem>>
      %dma_wait3A_321 = arith.constant 0 : i32
      %dma_wait3A_322 = tpu.memref_slice %arg8[%add3A_89, %dma_wait3A_321] : memref<10000x64xf32, #tpu.memory_space<vmem_shared>> -> memref<128x64xf32, #tpu.memory_space<vmem_shared>>
      %dma_wait3A_323 = arith.constant 0 : i32
      %dma_wait3A_324 = tpu.memref_slice %arg8[%add3A_89, %dma_wait3A_323] : memref<10000x64xf32, #tpu.memory_space<vmem_shared>> -> memref<128x64xf32, #tpu.memory_space<vmem_shared>>
      %dma_wait3A_325 = arith.constant 0 : i32
      %dma_wait3A_326 = arith.constant 0 : i32
      %dma_wait3A_327 = tpu.memref_slice %arg7[%run_scoped3A_90, %dma_wait3A_325, %dma_wait3A_326] : memref<2x128x64xf32, #tpu.memory_space<vmem>> -> memref<1x128x64xf32, #tpu.memory_space<vmem>>
      %dma_wait3A_328 = tpu.memref_squeeze %dma_wait3A_327 : memref<1x128x64xf32, #tpu.memory_space<vmem>> -> memref<128x64xf32, #tpu.memory_space<vmem>>
      tpu.wait_dma2 semaphore(%run_scoped3A_304 : memref<!tpu.dma_semaphore, #tpu.memory_space<semaphore_mem>>) src(%dma_wait3A_328 : memref<128x64xf32, #tpu.memory_space<vmem>>) dst(%dma_wait3A_324 : memref<128x64xf32, #tpu.memory_space<vmem_shared>>)
      tpu.yield
    }) : () -> ()
    %mul3A_91 = arith.constant 624 : i32
    %mul3A_92 = arith.muli %arg1, %mul3A_91 : i32
    %add3A_93 = arith.constant 512 : i32
    %add3A_94 = arith.addi %mul3A_92, %add3A_93 : i32
    %run_scoped3A_95 = arith.constant 0 : i32
    "tpu.region"() ({
      %run_scoped3A_304 = tpu.sem_alloc : memref<!tpu.dma_semaphore, #tpu.memory_space<semaphore_mem>>
      %dma_start3A_305 = arith.constant 0 : i32
      %dma_start3A_306 = arith.constant 0 : i32
      %dma_start3A_307 = tpu.memref_slice %arg7[%run_scoped3A_95, %dma_start3A_305, %dma_start3A_306] : memref<2x128x64xf32, #tpu.memory_space<vmem>> -> memref<1x112x64xf32, #tpu.memory_space<vmem>>
      %dma_start3A_308 = tpu.memref_squeeze %dma_start3A_307 : memref<1x112x64xf32, #tpu.memory_space<vmem>> -> memref<112x64xf32, #tpu.memory_space<vmem>>
      %dma_start3A_309 = arith.constant 0 : i32
      %dma_start3A_310 = tpu.memref_slice %arg8[%add3A_94, %dma_start3A_309] : memref<10000x64xf32, #tpu.memory_space<vmem_shared>> -> memref<112x64xf32, #tpu.memory_space<vmem_shared>>
      %dma_start3A_311 = arith.constant 0 : i32
      %dma_start3A_312 = tpu.memref_slice %arg8[%add3A_94, %dma_start3A_311] : memref<10000x64xf32, #tpu.memory_space<vmem_shared>> -> memref<112x64xf32, #tpu.memory_space<vmem_shared>>
      %dma_start3A_313 = arith.constant 0 : i32
      %dma_start3A_314 = arith.constant 0 : i32
      %dma_start3A_315 = tpu.memref_slice %arg7[%run_scoped3A_95, %dma_start3A_313, %dma_start3A_314] : memref<2x128x64xf32, #tpu.memory_space<vmem>> -> memref<1x112x64xf32, #tpu.memory_space<vmem>>
      %dma_start3A_316 = tpu.memref_squeeze %dma_start3A_315 : memref<1x112x64xf32, #tpu.memory_space<vmem>> -> memref<112x64xf32, #tpu.memory_space<vmem>>
      tpu.enqueue_dma source(%dma_start3A_316 : memref<112x64xf32, #tpu.memory_space<vmem>>) target(%dma_start3A_312 : memref<112x64xf32, #tpu.memory_space<vmem_shared>>) target_semaphore(%run_scoped3A_304 : memref<!tpu.dma_semaphore, #tpu.memory_space<semaphore_mem>>)
      %dma_wait3A_317 = arith.constant 0 : i32
      %dma_wait3A_318 = arith.constant 0 : i32
      %dma_wait3A_319 = tpu.memref_slice %arg7[%run_scoped3A_95, %dma_wait3A_317, %dma_wait3A_318] : memref<2x128x64xf32, #tpu.memory_space<vmem>> -> memref<1x112x64xf32, #tpu.memory_space<vmem>>
      %dma_wait3A_320 = tpu.memref_squeeze %dma_wait3A_319 : memref<1x112x64xf32, #tpu.memory_space<vmem>> -> memref<112x64xf32, #tpu.memory_space<vmem>>
      %dma_wait3A_321 = arith.constant 0 : i32
      %dma_wait3A_322 = tpu.memref_slice %arg8[%add3A_94, %dma_wait3A_321] : memref<10000x64xf32, #tpu.memory_space<vmem_shared>> -> memref<112x64xf32, #tpu.memory_space<vmem_shared>>
      %dma_wait3A_323 = arith.constant 0 : i32
      %dma_wait3A_324 = tpu.memref_slice %arg8[%add3A_94, %dma_wait3A_323] : memref<10000x64xf32, #tpu.memory_space<vmem_shared>> -> memref<112x64xf32, #tpu.memory_space<vmem_shared>>
      %dma_wait3A_325 = arith.constant 0 : i32
      %dma_wait3A_326 = arith.constant 0 : i32
      %dma_wait3A_327 = tpu.memref_slice %arg7[%run_scoped3A_95, %dma_wait3A_325, %dma_wait3A_326] : memref<2x128x64xf32, #tpu.memory_space<vmem>> -> memref<1x112x64xf32, #tpu.memory_space<vmem>>
      %dma_wait3A_328 = tpu.memref_squeeze %dma_wait3A_327 : memref<1x112x64xf32, #tpu.memory_space<vmem>> -> memref<112x64xf32, #tpu.memory_space<vmem>>
      tpu.wait_dma2 semaphore(%run_scoped3A_304 : memref<!tpu.dma_semaphore, #tpu.memory_space<semaphore_mem>>) src(%dma_wait3A_328 : memref<112x64xf32, #tpu.memory_space<vmem>>) dst(%dma_wait3A_324 : memref<112x64xf32, #tpu.memory_space<vmem_shared>>)
      tpu.yield
    }) : () -> ()
    %eq3A = arith.constant 15 : i32
    %eq3A_96 = arith.cmpi eq, %arg1, %eq3A : i32
    %convert_element_type3A = arith.extui %eq3A_96 : i1 to i32
    %cond3A = arith.constant 0 : i32
    %cond3A_97 = arith.cmpi ne, %convert_element_type3A, %cond3A : i32
    scf.if %cond3A_97 {
      %run_scoped3A_304 = arith.constant 0 : i32
      "tpu.region"() ({
        %run_scoped3A_305 = tpu.sem_alloc : memref<!tpu.dma_semaphore, #tpu.memory_space<semaphore_mem>>
        %dma_start3A_306 = arith.constant 0 : i32
        %dma_start3A_307 = arith.constant 0 : i32
        %dma_start3A_308 = tpu.memref_slice %arg7[%run_scoped3A_304, %dma_start3A_306, %dma_start3A_307] : memref<2x128x64xf32, #tpu.memory_space<vmem>> -> memref<1x16x64xf32, #tpu.memory_space<vmem>>
        %dma_start3A_309 = tpu.memref_squeeze %dma_start3A_308 : memref<1x16x64xf32, #tpu.memory_space<vmem>> -> memref<16x64xf32, #tpu.memory_space<vmem>>
        %dma_start3A_310 = arith.constant 9984 : i32
        %dma_start3A_311 = arith.constant 0 : i32
        %dma_start3A_312 = tpu.memref_slice %arg8[%dma_start3A_310, %dma_start3A_311] : memref<10000x64xf32, #tpu.memory_space<vmem_shared>> -> memref<16x64xf32, #tpu.memory_space<vmem_shared>>
        %dma_start3A_313 = arith.constant 9984 : i32
        %dma_start3A_314 = arith.constant 0 : i32
        %dma_start3A_315 = tpu.memref_slice %arg8[%dma_start3A_313, %dma_start3A_314] : memref<10000x64xf32, #tpu.memory_space<vmem_shared>> -> memref<16x64xf32, #tpu.memory_space<vmem_shared>>
        %dma_start3A_316 = arith.constant 0 : i32
        %dma_start3A_317 = arith.constant 0 : i32
        %dma_start3A_318 = tpu.memref_slice %arg7[%run_scoped3A_304, %dma_start3A_316, %dma_start3A_317] : memref<2x128x64xf32, #tpu.memory_space<vmem>> -> memref<1x16x64xf32, #tpu.memory_space<vmem>>
        %dma_start3A_319 = tpu.memref_squeeze %dma_start3A_318 : memref<1x16x64xf32, #tpu.memory_space<vmem>> -> memref<16x64xf32, #tpu.memory_space<vmem>>
        tpu.enqueue_dma source(%dma_start3A_319 : memref<16x64xf32, #tpu.memory_space<vmem>>) target(%dma_start3A_315 : memref<16x64xf32, #tpu.memory_space<vmem_shared>>) target_semaphore(%run_scoped3A_305 : memref<!tpu.dma_semaphore, #tpu.memory_space<semaphore_mem>>)
        %dma_wait3A_320 = arith.constant 0 : i32
        %dma_wait3A_321 = arith.constant 0 : i32
        %dma_wait3A_322 = tpu.memref_slice %arg7[%run_scoped3A_304, %dma_wait3A_320, %dma_wait3A_321] : memref<2x128x64xf32, #tpu.memory_space<vmem>> -> memref<1x16x64xf32, #tpu.memory_space<vmem>>
        %dma_wait3A_323 = tpu.memref_squeeze %dma_wait3A_322 : memref<1x16x64xf32, #tpu.memory_space<vmem>> -> memref<16x64xf32, #tpu.memory_space<vmem>>
        %dma_wait3A_324 = arith.constant 9984 : i32
        %dma_wait3A_325 = arith.constant 0 : i32
        %dma_wait3A_326 = tpu.memref_slice %arg8[%dma_wait3A_324, %dma_wait3A_325] : memref<10000x64xf32, #tpu.memory_space<vmem_shared>> -> memref<16x64xf32, #tpu.memory_space<vmem_shared>>
        %dma_wait3A_327 = arith.constant 9984 : i32
        %dma_wait3A_328 = arith.constant 0 : i32
        %dma_wait3A_329 = tpu.memref_slice %arg8[%dma_wait3A_327, %dma_wait3A_328] : memref<10000x64xf32, #tpu.memory_space<vmem_shared>> -> memref<16x64xf32, #tpu.memory_space<vmem_shared>>
        %dma_wait3A_330 = arith.constant 0 : i32
        %dma_wait3A_331 = arith.constant 0 : i32
        %dma_wait3A_332 = tpu.memref_slice %arg7[%run_scoped3A_304, %dma_wait3A_330, %dma_wait3A_331] : memref<2x128x64xf32, #tpu.memory_space<vmem>> -> memref<1x16x64xf32, #tpu.memory_space<vmem>>
        %dma_wait3A_333 = tpu.memref_squeeze %dma_wait3A_332 : memref<1x16x64xf32, #tpu.memory_space<vmem>> -> memref<16x64xf32, #tpu.memory_space<vmem>>
        tpu.wait_dma2 semaphore(%run_scoped3A_305 : memref<!tpu.dma_semaphore, #tpu.memory_space<semaphore_mem>>) src(%dma_wait3A_333 : memref<16x64xf32, #tpu.memory_space<vmem>>) dst(%dma_wait3A_329 : memref<16x64xf32, #tpu.memory_space<vmem_shared>>)
        tpu.yield
      }) : () -> ()
    } else {
    }
    %barrier3A = arith.constant 0 : index
    tpu.barrier barrier_id(%barrier3A)
    %add3A_98 = arith.constant 0 : i32
    %add3A_99 = arith.addi %mul3A_2, %add3A_98 : i32
    %rem3A_100 = arith.constant 0 : i32
    %rem3A_101 = arith.constant 4 : i32
    %rem3A_102 = arith.remsi %rem3A_100, %rem3A_101 : i32
    %dma_wait3A = arith.constant 0 : i32
    %dma_wait3A_103 = arith.constant 0 : i32
    %dma_wait3A_104 = tpu.memref_slice %arg5[%rem3A_102, %dma_wait3A_103] : memref<4x128xi32, #tpu.memory_space<vmem>> -> memref<1x128xi32, #tpu.memory_space<vmem>>
    %dma_wait3A_105 = tpu.memref_squeeze %dma_wait3A_104 : memref<1x128xi32, #tpu.memory_space<vmem>> -> memref<128xi32, #tpu.memory_space<vmem>>
    %dma_wait3A_106 = tpu.memref_slice %arg3[%dma_wait3A, %add3A_99] : memref<2x320000xi32, #tpu.memory_space<hbm>> -> memref<1x128xi32, #tpu.memory_space<hbm>>
    %dma_wait3A_107 = tpu.memref_squeeze %dma_wait3A_106 : memref<1x128xi32, #tpu.memory_space<hbm>> -> memref<128xi32, #tpu.memory_space<hbm>>
    %dma_wait3A_108 = arith.constant 0 : i32
    %dma_wait3A_109 = tpu.memref_slice %arg5[%rem3A_102, %dma_wait3A_108] : memref<4x128xi32, #tpu.memory_space<vmem>> -> memref<1x128xi32, #tpu.memory_space<vmem>>
    %dma_wait3A_110 = tpu.memref_squeeze %dma_wait3A_109 : memref<1x128xi32, #tpu.memory_space<vmem>> -> memref<128xi32, #tpu.memory_space<vmem>>
    %dma_wait3A_111 = tpu.memref_slice %arg3[%dma_wait3A, %add3A_99] : memref<2x320000xi32, #tpu.memory_space<hbm>> -> memref<1x128xi32, #tpu.memory_space<hbm>>
    %dma_wait3A_112 = tpu.memref_squeeze %dma_wait3A_111 : memref<1x128xi32, #tpu.memory_space<hbm>> -> memref<128xi32, #tpu.memory_space<hbm>>
    tpu.wait_dma2 semaphore(%arg9 : memref<!tpu.dma_semaphore, #tpu.memory_space<semaphore_mem>>) src(%dma_wait3A_112 : memref<128xi32, #tpu.memory_space<hbm>>) dst(%dma_wait3A_110 : memref<128xi32, #tpu.memory_space<vmem>>)
    %add3A_113 = arith.constant 0 : i32
    %add3A_114 = arith.addi %mul3A_2, %add3A_113 : i32
    %rem3A_115 = arith.constant 0 : i32
    %rem3A_116 = arith.constant 4 : i32
    %rem3A_117 = arith.remsi %rem3A_115, %rem3A_116 : i32
    %dma_wait3A_118 = arith.constant 1 : i32
    %dma_wait3A_119 = arith.constant 0 : i32
    %dma_wait3A_120 = tpu.memref_slice %arg6[%rem3A_117, %dma_wait3A_119] : memref<4x128xi32, #tpu.memory_space<vmem>> -> memref<1x128xi32, #tpu.memory_space<vmem>>
    %dma_wait3A_121 = tpu.memref_squeeze %dma_wait3A_120 : memref<1x128xi32, #tpu.memory_space<vmem>> -> memref<128xi32, #tpu.memory_space<vmem>>
    %dma_wait3A_122 = tpu.memref_slice %arg3[%dma_wait3A_118, %add3A_114] : memref<2x320000xi32, #tpu.memory_space<hbm>> -> memref<1x128xi32, #tpu.memory_space<hbm>>
    %dma_wait3A_123 = tpu.memref_squeeze %dma_wait3A_122 : memref<1x128xi32, #tpu.memory_space<hbm>> -> memref<128xi32, #tpu.memory_space<hbm>>
    %dma_wait3A_124 = arith.constant 0 : i32
    %dma_wait3A_125 = tpu.memref_slice %arg6[%rem3A_117, %dma_wait3A_124] : memref<4x128xi32, #tpu.memory_space<vmem>> -> memref<1x128xi32, #tpu.memory_space<vmem>>
    %dma_wait3A_126 = tpu.memref_squeeze %dma_wait3A_125 : memref<1x128xi32, #tpu.memory_space<vmem>> -> memref<128xi32, #tpu.memory_space<vmem>>
    %dma_wait3A_127 = tpu.memref_slice %arg3[%dma_wait3A_118, %add3A_114] : memref<2x320000xi32, #tpu.memory_space<hbm>> -> memref<1x128xi32, #tpu.memory_space<hbm>>
    %dma_wait3A_128 = tpu.memref_squeeze %dma_wait3A_127 : memref<1x128xi32, #tpu.memory_space<hbm>> -> memref<128xi32, #tpu.memory_space<hbm>>
    tpu.wait_dma2 semaphore(%arg9 : memref<!tpu.dma_semaphore, #tpu.memory_space<semaphore_mem>>) src(%dma_wait3A_128 : memref<128xi32, #tpu.memory_space<hbm>>) dst(%dma_wait3A_126 : memref<128xi32, #tpu.memory_space<vmem>>)
    %add3A_129 = arith.constant 256 : i32
    %add3A_130 = arith.addi %mul3A_2, %add3A_129 : i32
    %rem3A_131 = arith.constant 2 : i32
    %rem3A_132 = arith.constant 4 : i32
    %rem3A_133 = arith.remsi %rem3A_131, %rem3A_132 : i32
    %dma_start3A_134 = arith.constant 0 : i32
    %dma_start3A_135 = arith.constant 0 : i32
    %dma_start3A_136 = tpu.memref_slice %arg5[%rem3A_133, %dma_start3A_135] : memref<4x128xi32, #tpu.memory_space<vmem>> -> memref<1x128xi32, #tpu.memory_space<vmem>>
    %dma_start3A_137 = tpu.memref_squeeze %dma_start3A_136 : memref<1x128xi32, #tpu.memory_space<vmem>> -> memref<128xi32, #tpu.memory_space<vmem>>
    %dma_start3A_138 = tpu.memref_slice %arg3[%dma_start3A_134, %add3A_130] : memref<2x320000xi32, #tpu.memory_space<hbm>> -> memref<1x128xi32, #tpu.memory_space<hbm>>
    %dma_start3A_139 = tpu.memref_squeeze %dma_start3A_138 : memref<1x128xi32, #tpu.memory_space<hbm>> -> memref<128xi32, #tpu.memory_space<hbm>>
    %dma_start3A_140 = arith.constant 0 : i32
    %dma_start3A_141 = tpu.memref_slice %arg5[%rem3A_133, %dma_start3A_140] : memref<4x128xi32, #tpu.memory_space<vmem>> -> memref<1x128xi32, #tpu.memory_space<vmem>>
    %dma_start3A_142 = tpu.memref_squeeze %dma_start3A_141 : memref<1x128xi32, #tpu.memory_space<vmem>> -> memref<128xi32, #tpu.memory_space<vmem>>
    %dma_start3A_143 = tpu.memref_slice %arg3[%dma_start3A_134, %add3A_130] : memref<2x320000xi32, #tpu.memory_space<hbm>> -> memref<1x128xi32, #tpu.memory_space<hbm>>
    %dma_start3A_144 = tpu.memref_squeeze %dma_start3A_143 : memref<1x128xi32, #tpu.memory_space<hbm>> -> memref<128xi32, #tpu.memory_space<hbm>>
    tpu.enqueue_dma source(%dma_start3A_144 : memref<128xi32, #tpu.memory_space<hbm>>) target(%dma_start3A_142 : memref<128xi32, #tpu.memory_space<vmem>>) target_semaphore(%arg9 : memref<!tpu.dma_semaphore, #tpu.memory_space<semaphore_mem>>)
    %add3A_145 = arith.constant 256 : i32
    %add3A_146 = arith.addi %mul3A_2, %add3A_145 : i32
    %rem3A_147 = arith.constant 2 : i32
    %rem3A_148 = arith.constant 4 : i32
    %rem3A_149 = arith.remsi %rem3A_147, %rem3A_148 : i32
    %dma_start3A_150 = arith.constant 1 : i32
    %dma_start3A_151 = arith.constant 0 : i32
    %dma_start3A_152 = tpu.memref_slice %arg6[%rem3A_149, %dma_start3A_151] : memref<4x128xi32, #tpu.memory_space<vmem>> -> memref<1x128xi32, #tpu.memory_space<vmem>>
    %dma_start3A_153 = tpu.memref_squeeze %dma_start3A_152 : memref<1x128xi32, #tpu.memory_space<vmem>> -> memref<128xi32, #tpu.memory_space<vmem>>
    %dma_start3A_154 = tpu.memref_slice %arg3[%dma_start3A_150, %add3A_146] : memref<2x320000xi32, #tpu.memory_space<hbm>> -> memref<1x128xi32, #tpu.memory_space<hbm>>
    %dma_start3A_155 = tpu.memref_squeeze %dma_start3A_154 : memref<1x128xi32, #tpu.memory_space<hbm>> -> memref<128xi32, #tpu.memory_space<hbm>>
    %dma_start3A_156 = arith.constant 0 : i32
    %dma_start3A_157 = tpu.memref_slice %arg6[%rem3A_149, %dma_start3A_156] : memref<4x128xi32, #tpu.memory_space<vmem>> -> memref<1x128xi32, #tpu.memory_space<vmem>>
    %dma_start3A_158 = tpu.memref_squeeze %dma_start3A_157 : memref<1x128xi32, #tpu.memory_space<vmem>> -> memref<128xi32, #tpu.memory_space<vmem>>
    %dma_start3A_159 = tpu.memref_slice %arg3[%dma_start3A_150, %add3A_146] : memref<2x320000xi32, #tpu.memory_space<hbm>> -> memref<1x128xi32, #tpu.memory_space<hbm>>
    %dma_start3A_160 = tpu.memref_squeeze %dma_start3A_159 : memref<1x128xi32, #tpu.memory_space<hbm>> -> memref<128xi32, #tpu.memory_space<hbm>>
    tpu.enqueue_dma source(%dma_start3A_160 : memref<128xi32, #tpu.memory_space<hbm>>) target(%dma_start3A_158 : memref<128xi32, #tpu.memory_space<vmem>>) target_semaphore(%arg9 : memref<!tpu.dma_semaphore, #tpu.memory_space<semaphore_mem>>)
    %rem3A_161 = arith.constant 0 : i32
    %rem3A_162 = arith.constant 4 : i32
    %rem3A_163 = arith.remsi %rem3A_161, %rem3A_162 : i32
    %dma_start3A_164 = arith.constant 0 : i32
    %dma_start3A_165 = arith.constant 0 : i32
    %dma_start3A_166 = arith.constant 0 : i32
    %dma_start3A_167 = tpu.memref_slice %arg7[%dma_start3A_164, %dma_start3A_165, %dma_start3A_166] : memref<2x128x64xf32, #tpu.memory_space<vmem>> -> memref<1x128x64xf32, #tpu.memory_space<vmem>>
    %dma_start3A_168 = tpu.memref_squeeze %dma_start3A_167 : memref<1x128x64xf32, #tpu.memory_space<vmem>> -> memref<128x64xf32, #tpu.memory_space<vmem>>
    %dma_start3A_169 = arith.constant 0 : i32
    %dma_start3A_170 = tpu.memref_slice %arg5[%rem3A_163, %dma_start3A_169] : memref<4x128xi32, #tpu.memory_space<vmem>> -> memref<1x128xi32, #tpu.memory_space<vmem>>
    %dma_start3A_171 = tpu.memref_squeeze %dma_start3A_170 : memref<1x128xi32, #tpu.memory_space<vmem>> -> memref<128xi32, #tpu.memory_space<vmem>>
    %dma_start3A_172 = arith.constant 0 : i32
    %dma_start3A_173 = arith.constant 0 : i32
    %dma_start3A_174 = tpu.memref_slice %arg2[%dma_start3A_172, %dma_start3A_173] : memref<10000x64xf32, #tpu.memory_space<hbm>> -> memref<10000x64xf32, #tpu.memory_space<hbm>>
    tpu.enqueue_indirect_dma source(%dma_start3A_174 : memref<10000x64xf32, #tpu.memory_space<hbm>>) target(%dma_start3A_168 : memref<128x64xf32, #tpu.memory_space<vmem>>) offsets(%dma_start3A_171 : memref<128xi32, #tpu.memory_space<vmem>>) semaphore(%arg11 : memref<!tpu.dma_semaphore, #tpu.memory_space<semaphore_mem>>)
    %scan3A_175 = arith.constant 0 : i32
    %scan3A_176 = arith.constant 0 : i32
    %scan3A_177 = arith.constant 39 : i32
    %scan3A_178 = arith.addi %scan3A_176, %scan3A_177 : i32
    %scan3A_179 = arith.constant 1 : i32
    %scan3A_180 = scf.for %scan3A_304 = %scan3A_176 to %scan3A_178 step %scan3A_179 iter_args(%scan3A_305 = %scan3A_175) -> (i32)  : i32 {
      %mul3A_306 = arith.constant 2 : i32
      %mul3A_307 = arith.muli %mul3A_306, %scan3A_304 : i32
      %mul3A_308 = arith.constant 2 : i32
      %mul3A_309 = arith.muli %mul3A_308, %scan3A_304 : i32
      %add3A_310 = arith.constant 1 : i32
      %add3A_311 = arith.addi %mul3A_309, %add3A_310 : i32
      %rem3A_312 = arith.constant 4 : i32
      %rem3A_313 = arith.remsi %mul3A_307, %rem3A_312 : i32
      %dma_wait3A_314 = arith.constant 0 : i32
      %dma_wait3A_315 = arith.constant 0 : i32
      %dma_wait3A_316 = arith.constant 0 : i32
      %dma_wait3A_317 = tpu.memref_slice %arg7[%dma_wait3A_314, %dma_wait3A_315, %dma_wait3A_316] : memref<2x128x64xf32, #tpu.memory_space<vmem>> -> memref<1x128x64xf32, #tpu.memory_space<vmem>>
      %dma_wait3A_318 = tpu.memref_squeeze %dma_wait3A_317 : memref<1x128x64xf32, #tpu.memory_space<vmem>> -> memref<128x64xf32, #tpu.memory_space<vmem>>
      %dma_wait3A_319 = arith.constant 0 : i32
      %dma_wait3A_320 = tpu.memref_slice %arg5[%rem3A_313, %dma_wait3A_319] : memref<4x128xi32, #tpu.memory_space<vmem>> -> memref<1x128xi32, #tpu.memory_space<vmem>>
      %dma_wait3A_321 = tpu.memref_squeeze %dma_wait3A_320 : memref<1x128xi32, #tpu.memory_space<vmem>> -> memref<128xi32, #tpu.memory_space<vmem>>
      %dma_wait3A_322 = arith.constant 0 : i32
      %dma_wait3A_323 = arith.constant 0 : i32
      %dma_wait3A_324 = tpu.memref_slice %arg2[%dma_wait3A_322, %dma_wait3A_323] : memref<10000x64xf32, #tpu.memory_space<hbm>> -> memref<10000x64xf32, #tpu.memory_space<hbm>>
      tpu.wait_indirect_dma semaphore(%arg11 : memref<!tpu.dma_semaphore, #tpu.memory_space<semaphore_mem>>) src(%dma_wait3A_324 : memref<10000x64xf32, #tpu.memory_space<hbm>>) dst(%dma_wait3A_318 : memref<128x64xf32, #tpu.memory_space<vmem>>)
      %rem3A_325 = arith.constant 4 : i32
      %rem3A_326 = arith.remsi %mul3A_307, %rem3A_325 : i32
      %dma_start3A_327 = arith.constant 0 : i32
      %dma_start3A_328 = arith.constant 0 : i32
      %dma_start3A_329 = arith.constant 0 : i32
      %dma_start3A_330 = tpu.memref_slice %arg7[%dma_start3A_327, %dma_start3A_328, %dma_start3A_329] : memref<2x128x64xf32, #tpu.memory_space<vmem>> -> memref<1x128x64xf32, #tpu.memory_space<vmem>>
      %dma_start3A_331 = tpu.memref_squeeze %dma_start3A_330 : memref<1x128x64xf32, #tpu.memory_space<vmem>> -> memref<128x64xf32, #tpu.memory_space<vmem>>
      %dma_start3A_332 = arith.constant 0 : i32
      %dma_start3A_333 = tpu.memref_slice %arg6[%rem3A_326, %dma_start3A_332] : memref<4x128xi32, #tpu.memory_space<vmem>> -> memref<1x128xi32, #tpu.memory_space<vmem>>
      %dma_start3A_334 = tpu.memref_squeeze %dma_start3A_333 : memref<1x128xi32, #tpu.memory_space<vmem>> -> memref<128xi32, #tpu.memory_space<vmem>>
      %dma_start3A_335 = arith.constant 0 : i32
      %dma_start3A_336 = arith.constant 0 : i32
      %dma_start3A_337 = tpu.memref_slice %arg8[%dma_start3A_335, %dma_start3A_336] : memref<10000x64xf32, #tpu.memory_space<vmem_shared>> -> memref<10000x64xf32, #tpu.memory_space<vmem_shared>>
      tpu.enqueue_indirect_dma source(%dma_start3A_331 : memref<128x64xf32, #tpu.memory_space<vmem>>) target(%dma_start3A_337 : memref<10000x64xf32, #tpu.memory_space<vmem_shared>>) offsets(%dma_start3A_334 : memref<128xi32, #tpu.memory_space<vmem>>) semaphore(%arg13 : memref<!tpu.dma_semaphore, #tpu.memory_space<semaphore_mem>>) {add = true}
      %gt3A = arith.constant 0 : i32
      %gt3A_338 = arith.cmpi sgt, %scan3A_304, %gt3A : i32
      %convert_element_type3A_339 = arith.extui %gt3A_338 : i1 to i32
      %cond3A_340 = arith.constant 0 : i32
      %cond3A_341 = arith.cmpi ne, %convert_element_type3A_339, %cond3A_340 : i32
      scf.if %cond3A_341 {
        %sub3A_459 = arith.constant 1 : i32
        %sub3A_460 = arith.subi %mul3A_307, %sub3A_459 : i32
        %rem3A_461 = arith.constant 4 : i32
        %rem3A_462 = arith.remsi %sub3A_460, %rem3A_461 : i32
        %dma_wait3A_463 = arith.constant 1 : i32
        %dma_wait3A_464 = arith.constant 0 : i32
        %dma_wait3A_465 = arith.constant 0 : i32
        %dma_wait3A_466 = tpu.memref_slice %arg7[%dma_wait3A_463, %dma_wait3A_464, %dma_wait3A_465] : memref<2x128x64xf32, #tpu.memory_space<vmem>> -> memref<1x128x64xf32, #tpu.memory_space<vmem>>
        %dma_wait3A_467 = tpu.memref_squeeze %dma_wait3A_466 : memref<1x128x64xf32, #tpu.memory_space<vmem>> -> memref<128x64xf32, #tpu.memory_space<vmem>>
        %dma_wait3A_468 = arith.constant 0 : i32
        %dma_wait3A_469 = tpu.memref_slice %arg6[%rem3A_462, %dma_wait3A_468] : memref<4x128xi32, #tpu.memory_space<vmem>> -> memref<1x128xi32, #tpu.memory_space<vmem>>
        %dma_wait3A_470 = tpu.memref_squeeze %dma_wait3A_469 : memref<1x128xi32, #tpu.memory_space<vmem>> -> memref<128xi32, #tpu.memory_space<vmem>>
        %dma_wait3A_471 = arith.constant 0 : i32
        %dma_wait3A_472 = arith.constant 0 : i32
        %dma_wait3A_473 = tpu.memref_slice %arg8[%dma_wait3A_471, %dma_wait3A_472] : memref<10000x64xf32, #tpu.memory_space<vmem_shared>> -> memref<10000x64xf32, #tpu.memory_space<vmem_shared>>
        tpu.wait_indirect_dma semaphore(%arg14 : memref<!tpu.dma_semaphore, #tpu.memory_space<semaphore_mem>>) src(%dma_wait3A_467 : memref<128x64xf32, #tpu.memory_space<vmem>>) dst(%dma_wait3A_473 : memref<10000x64xf32, #tpu.memory_space<vmem_shared>>)
      } else {
      }
      %add3A_342 = arith.constant 1 : i32
      %add3A_343 = arith.addi %mul3A_307, %add3A_342 : i32
      %mul3A_344 = arith.constant 128 : i32
      %mul3A_345 = arith.muli %add3A_343, %mul3A_344 : i32
      %add3A_346 = arith.addi %mul3A_2, %mul3A_345 : i32
      %rem3A_347 = arith.constant 4 : i32
      %rem3A_348 = arith.remsi %add3A_343, %rem3A_347 : i32
      %dma_wait3A_349 = arith.constant 0 : i32
      %dma_wait3A_350 = arith.constant 0 : i32
      %dma_wait3A_351 = tpu.memref_slice %arg5[%rem3A_348, %dma_wait3A_350] : memref<4x128xi32, #tpu.memory_space<vmem>> -> memref<1x128xi32, #tpu.memory_space<vmem>>
      %dma_wait3A_352 = tpu.memref_squeeze %dma_wait3A_351 : memref<1x128xi32, #tpu.memory_space<vmem>> -> memref<128xi32, #tpu.memory_space<vmem>>
      %dma_wait3A_353 = tpu.memref_slice %arg3[%dma_wait3A_349, %add3A_346] : memref<2x320000xi32, #tpu.memory_space<hbm>> -> memref<1x128xi32, #tpu.memory_space<hbm>>
      %dma_wait3A_354 = tpu.memref_squeeze %dma_wait3A_353 : memref<1x128xi32, #tpu.memory_space<hbm>> -> memref<128xi32, #tpu.memory_space<hbm>>
      %dma_wait3A_355 = arith.constant 0 : i32
      %dma_wait3A_356 = tpu.memref_slice %arg5[%rem3A_348, %dma_wait3A_355] : memref<4x128xi32, #tpu.memory_space<vmem>> -> memref<1x128xi32, #tpu.memory_space<vmem>>
      %dma_wait3A_357 = tpu.memref_squeeze %dma_wait3A_356 : memref<1x128xi32, #tpu.memory_space<vmem>> -> memref<128xi32, #tpu.memory_space<vmem>>
      %dma_wait3A_358 = tpu.memref_slice %arg3[%dma_wait3A_349, %add3A_346] : memref<2x320000xi32, #tpu.memory_space<hbm>> -> memref<1x128xi32, #tpu.memory_space<hbm>>
      %dma_wait3A_359 = tpu.memref_squeeze %dma_wait3A_358 : memref<1x128xi32, #tpu.memory_space<hbm>> -> memref<128xi32, #tpu.memory_space<hbm>>
      tpu.wait_dma2 semaphore(%arg10 : memref<!tpu.dma_semaphore, #tpu.memory_space<semaphore_mem>>) src(%dma_wait3A_359 : memref<128xi32, #tpu.memory_space<hbm>>) dst(%dma_wait3A_357 : memref<128xi32, #tpu.memory_space<vmem>>)
      %mul3A_360 = arith.constant 128 : i32
      %mul3A_361 = arith.muli %add3A_343, %mul3A_360 : i32
      %add3A_362 = arith.addi %mul3A_2, %mul3A_361 : i32
      %rem3A_363 = arith.constant 4 : i32
      %rem3A_364 = arith.remsi %add3A_343, %rem3A_363 : i32
      %dma_wait3A_365 = arith.constant 1 : i32
      %dma_wait3A_366 = arith.constant 0 : i32
      %dma_wait3A_367 = tpu.memref_slice %arg6[%rem3A_364, %dma_wait3A_366] : memref<4x128xi32, #tpu.memory_space<vmem>> -> memref<1x128xi32, #tpu.memory_space<vmem>>
      %dma_wait3A_368 = tpu.memref_squeeze %dma_wait3A_367 : memref<1x128xi32, #tpu.memory_space<vmem>> -> memref<128xi32, #tpu.memory_space<vmem>>
      %dma_wait3A_369 = tpu.memref_slice %arg3[%dma_wait3A_365, %add3A_362] : memref<2x320000xi32, #tpu.memory_space<hbm>> -> memref<1x128xi32, #tpu.memory_space<hbm>>
      %dma_wait3A_370 = tpu.memref_squeeze %dma_wait3A_369 : memref<1x128xi32, #tpu.memory_space<hbm>> -> memref<128xi32, #tpu.memory_space<hbm>>
      %dma_wait3A_371 = arith.constant 0 : i32
      %dma_wait3A_372 = tpu.memref_slice %arg6[%rem3A_364, %dma_wait3A_371] : memref<4x128xi32, #tpu.memory_space<vmem>> -> memref<1x128xi32, #tpu.memory_space<vmem>>
      %dma_wait3A_373 = tpu.memref_squeeze %dma_wait3A_372 : memref<1x128xi32, #tpu.memory_space<vmem>> -> memref<128xi32, #tpu.memory_space<vmem>>
      %dma_wait3A_374 = tpu.memref_slice %arg3[%dma_wait3A_365, %add3A_362] : memref<2x320000xi32, #tpu.memory_space<hbm>> -> memref<1x128xi32, #tpu.memory_space<hbm>>
      %dma_wait3A_375 = tpu.memref_squeeze %dma_wait3A_374 : memref<1x128xi32, #tpu.memory_space<hbm>> -> memref<128xi32, #tpu.memory_space<hbm>>
      tpu.wait_dma2 semaphore(%arg10 : memref<!tpu.dma_semaphore, #tpu.memory_space<semaphore_mem>>) src(%dma_wait3A_375 : memref<128xi32, #tpu.memory_space<hbm>>) dst(%dma_wait3A_373 : memref<128xi32, #tpu.memory_space<vmem>>)
      %add3A_376 = arith.constant 3 : i32
      %add3A_377 = arith.addi %mul3A_307, %add3A_376 : i32
      %lt3A = arith.constant 78 : i32
      %lt3A_378 = arith.cmpi slt, %add3A_377, %lt3A : i32
      %convert_element_type3A_379 = arith.extui %lt3A_378 : i1 to i32
      %cond3A_380 = arith.constant 0 : i32
      %cond3A_381 = arith.cmpi ne, %convert_element_type3A_379, %cond3A_380 : i32
      scf.if %cond3A_381 {
        %add3A_459 = arith.constant 3 : i32
        %add3A_460 = arith.addi %mul3A_307, %add3A_459 : i32
        %mul3A_461 = arith.constant 128 : i32
        %mul3A_462 = arith.muli %add3A_460, %mul3A_461 : i32
        %add3A_463 = arith.addi %mul3A_2, %mul3A_462 : i32
        %rem3A_464 = arith.constant 4 : i32
        %rem3A_465 = arith.remsi %add3A_460, %rem3A_464 : i32
        %dma_start3A_466 = arith.constant 0 : i32
        %dma_start3A_467 = arith.constant 0 : i32
        %dma_start3A_468 = tpu.memref_slice %arg5[%rem3A_465, %dma_start3A_467] : memref<4x128xi32, #tpu.memory_space<vmem>> -> memref<1x128xi32, #tpu.memory_space<vmem>>
        %dma_start3A_469 = tpu.memref_squeeze %dma_start3A_468 : memref<1x128xi32, #tpu.memory_space<vmem>> -> memref<128xi32, #tpu.memory_space<vmem>>
        %dma_start3A_470 = tpu.memref_slice %arg3[%dma_start3A_466, %add3A_463] : memref<2x320000xi32, #tpu.memory_space<hbm>> -> memref<1x128xi32, #tpu.memory_space<hbm>>
        %dma_start3A_471 = tpu.memref_squeeze %dma_start3A_470 : memref<1x128xi32, #tpu.memory_space<hbm>> -> memref<128xi32, #tpu.memory_space<hbm>>
        %dma_start3A_472 = arith.constant 0 : i32
        %dma_start3A_473 = tpu.memref_slice %arg5[%rem3A_465, %dma_start3A_472] : memref<4x128xi32, #tpu.memory_space<vmem>> -> memref<1x128xi32, #tpu.memory_space<vmem>>
        %dma_start3A_474 = tpu.memref_squeeze %dma_start3A_473 : memref<1x128xi32, #tpu.memory_space<vmem>> -> memref<128xi32, #tpu.memory_space<vmem>>
        %dma_start3A_475 = tpu.memref_slice %arg3[%dma_start3A_466, %add3A_463] : memref<2x320000xi32, #tpu.memory_space<hbm>> -> memref<1x128xi32, #tpu.memory_space<hbm>>
        %dma_start3A_476 = tpu.memref_squeeze %dma_start3A_475 : memref<1x128xi32, #tpu.memory_space<hbm>> -> memref<128xi32, #tpu.memory_space<hbm>>
        tpu.enqueue_dma source(%dma_start3A_476 : memref<128xi32, #tpu.memory_space<hbm>>) target(%dma_start3A_474 : memref<128xi32, #tpu.memory_space<vmem>>) target_semaphore(%arg10 : memref<!tpu.dma_semaphore, #tpu.memory_space<semaphore_mem>>)
        %mul3A_477 = arith.constant 128 : i32
        %mul3A_478 = arith.muli %add3A_460, %mul3A_477 : i32
        %add3A_479 = arith.addi %mul3A_2, %mul3A_478 : i32
        %rem3A_480 = arith.constant 4 : i32
        %rem3A_481 = arith.remsi %add3A_460, %rem3A_480 : i32
        %dma_start3A_482 = arith.constant 1 : i32
        %dma_start3A_483 = arith.constant 0 : i32
        %dma_start3A_484 = tpu.memref_slice %arg6[%rem3A_481, %dma_start3A_483] : memref<4x128xi32, #tpu.memory_space<vmem>> -> memref<1x128xi32, #tpu.memory_space<vmem>>
        %dma_start3A_485 = tpu.memref_squeeze %dma_start3A_484 : memref<1x128xi32, #tpu.memory_space<vmem>> -> memref<128xi32, #tpu.memory_space<vmem>>
        %dma_start3A_486 = tpu.memref_slice %arg3[%dma_start3A_482, %add3A_479] : memref<2x320000xi32, #tpu.memory_space<hbm>> -> memref<1x128xi32, #tpu.memory_space<hbm>>
        %dma_start3A_487 = tpu.memref_squeeze %dma_start3A_486 : memref<1x128xi32, #tpu.memory_space<hbm>> -> memref<128xi32, #tpu.memory_space<hbm>>
        %dma_start3A_488 = arith.constant 0 : i32
        %dma_start3A_489 = tpu.memref_slice %arg6[%rem3A_481, %dma_start3A_488] : memref<4x128xi32, #tpu.memory_space<vmem>> -> memref<1x128xi32, #tpu.memory_space<vmem>>
        %dma_start3A_490 = tpu.memref_squeeze %dma_start3A_489 : memref<1x128xi32, #tpu.memory_space<vmem>> -> memref<128xi32, #tpu.memory_space<vmem>>
        %dma_start3A_491 = tpu.memref_slice %arg3[%dma_start3A_482, %add3A_479] : memref<2x320000xi32, #tpu.memory_space<hbm>> -> memref<1x128xi32, #tpu.memory_space<hbm>>
        %dma_start3A_492 = tpu.memref_squeeze %dma_start3A_491 : memref<1x128xi32, #tpu.memory_space<hbm>> -> memref<128xi32, #tpu.memory_space<hbm>>
        tpu.enqueue_dma source(%dma_start3A_492 : memref<128xi32, #tpu.memory_space<hbm>>) target(%dma_start3A_490 : memref<128xi32, #tpu.memory_space<vmem>>) target_semaphore(%arg10 : memref<!tpu.dma_semaphore, #tpu.memory_space<semaphore_mem>>)
      } else {
      }
      %add3A_382 = arith.constant 1 : i32
      %add3A_383 = arith.addi %mul3A_307, %add3A_382 : i32
      %rem3A_384 = arith.constant 4 : i32
      %rem3A_385 = arith.remsi %add3A_383, %rem3A_384 : i32
      %dma_start3A_386 = arith.constant 1 : i32
      %dma_start3A_387 = arith.constant 0 : i32
      %dma_start3A_388 = arith.constant 0 : i32
      %dma_start3A_389 = tpu.memref_slice %arg7[%dma_start3A_386, %dma_start3A_387, %dma_start3A_388] : memref<2x128x64xf32, #tpu.memory_space<vmem>> -> memref<1x128x64xf32, #tpu.memory_space<vmem>>
      %dma_start3A_390 = tpu.memref_squeeze %dma_start3A_389 : memref<1x128x64xf32, #tpu.memory_space<vmem>> -> memref<128x64xf32, #tpu.memory_space<vmem>>
      %dma_start3A_391 = arith.constant 0 : i32
      %dma_start3A_392 = tpu.memref_slice %arg5[%rem3A_385, %dma_start3A_391] : memref<4x128xi32, #tpu.memory_space<vmem>> -> memref<1x128xi32, #tpu.memory_space<vmem>>
      %dma_start3A_393 = tpu.memref_squeeze %dma_start3A_392 : memref<1x128xi32, #tpu.memory_space<vmem>> -> memref<128xi32, #tpu.memory_space<vmem>>
      %dma_start3A_394 = arith.constant 0 : i32
      %dma_start3A_395 = arith.constant 0 : i32
      %dma_start3A_396 = tpu.memref_slice %arg2[%dma_start3A_394, %dma_start3A_395] : memref<10000x64xf32, #tpu.memory_space<hbm>> -> memref<10000x64xf32, #tpu.memory_space<hbm>>
      tpu.enqueue_indirect_dma source(%dma_start3A_396 : memref<10000x64xf32, #tpu.memory_space<hbm>>) target(%dma_start3A_390 : memref<128x64xf32, #tpu.memory_space<vmem>>) offsets(%dma_start3A_393 : memref<128xi32, #tpu.memory_space<vmem>>) semaphore(%arg12 : memref<!tpu.dma_semaphore, #tpu.memory_space<semaphore_mem>>)
      %rem3A_397 = arith.constant 4 : i32
      %rem3A_398 = arith.remsi %add3A_311, %rem3A_397 : i32
      %dma_wait3A_399 = arith.constant 1 : i32
      %dma_wait3A_400 = arith.constant 0 : i32
      %dma_wait3A_401 = arith.constant 0 : i32
      %dma_wait3A_402 = tpu.memref_slice %arg7[%dma_wait3A_399, %dma_wait3A_400, %dma_wait3A_401] : memref<2x128x64xf32, #tpu.memory_space<vmem>> -> memref<1x128x64xf32, #tpu.memory_space<vmem>>
      %dma_wait3A_403 = tpu.memref_squeeze %dma_wait3A_402 : memref<1x128x64xf32, #tpu.memory_space<vmem>> -> memref<128x64xf32, #tpu.memory_space<vmem>>
      %dma_wait3A_404 = arith.constant 0 : i32
      %dma_wait3A_405 = tpu.memref_slice %arg5[%rem3A_398, %dma_wait3A_404] : memref<4x128xi32, #tpu.memory_space<vmem>> -> memref<1x128xi32, #tpu.memory_space<vmem>>
      %dma_wait3A_406 = tpu.memref_squeeze %dma_wait3A_405 : memref<1x128xi32, #tpu.memory_space<vmem>> -> memref<128xi32, #tpu.memory_space<vmem>>
      %dma_wait3A_407 = arith.constant 0 : i32
      %dma_wait3A_408 = arith.constant 0 : i32
      %dma_wait3A_409 = tpu.memref_slice %arg2[%dma_wait3A_407, %dma_wait3A_408] : memref<10000x64xf32, #tpu.memory_space<hbm>> -> memref<10000x64xf32, #tpu.memory_space<hbm>>
      tpu.wait_indirect_dma semaphore(%arg12 : memref<!tpu.dma_semaphore, #tpu.memory_space<semaphore_mem>>) src(%dma_wait3A_409 : memref<10000x64xf32, #tpu.memory_space<hbm>>) dst(%dma_wait3A_403 : memref<128x64xf32, #tpu.memory_space<vmem>>)
      %rem3A_410 = arith.constant 4 : i32
      %rem3A_411 = arith.remsi %add3A_311, %rem3A_410 : i32
      %dma_start3A_412 = arith.constant 1 : i32
      %dma_start3A_413 = arith.constant 0 : i32
      %dma_start3A_414 = arith.constant 0 : i32
      %dma_start3A_415 = tpu.memref_slice %arg7[%dma_start3A_412, %dma_start3A_413, %dma_start3A_414] : memref<2x128x64xf32, #tpu.memory_space<vmem>> -> memref<1x128x64xf32, #tpu.memory_space<vmem>>
      %dma_start3A_416 = tpu.memref_squeeze %dma_start3A_415 : memref<1x128x64xf32, #tpu.memory_space<vmem>> -> memref<128x64xf32, #tpu.memory_space<vmem>>
      %dma_start3A_417 = arith.constant 0 : i32
      %dma_start3A_418 = tpu.memref_slice %arg6[%rem3A_411, %dma_start3A_417] : memref<4x128xi32, #tpu.memory_space<vmem>> -> memref<1x128xi32, #tpu.memory_space<vmem>>
      %dma_start3A_419 = tpu.memref_squeeze %dma_start3A_418 : memref<1x128xi32, #tpu.memory_space<vmem>> -> memref<128xi32, #tpu.memory_space<vmem>>
      %dma_start3A_420 = arith.constant 0 : i32
      %dma_start3A_421 = arith.constant 0 : i32
      %dma_start3A_422 = tpu.memref_slice %arg8[%dma_start3A_420, %dma_start3A_421] : memref<10000x64xf32, #tpu.memory_space<vmem_shared>> -> memref<10000x64xf32, #tpu.memory_space<vmem_shared>>
      tpu.enqueue_indirect_dma source(%dma_start3A_416 : memref<128x64xf32, #tpu.memory_space<vmem>>) target(%dma_start3A_422 : memref<10000x64xf32, #tpu.memory_space<vmem_shared>>) offsets(%dma_start3A_419 : memref<128xi32, #tpu.memory_space<vmem>>) semaphore(%arg14 : memref<!tpu.dma_semaphore, #tpu.memory_space<semaphore_mem>>) {add = true}
      %sub3A = arith.constant 1 : i32
      %sub3A_423 = arith.subi %add3A_311, %sub3A : i32
      %rem3A_424 = arith.constant 4 : i32
      %rem3A_425 = arith.remsi %sub3A_423, %rem3A_424 : i32
      %dma_wait3A_426 = arith.constant 0 : i32
      %dma_wait3A_427 = arith.constant 0 : i32
      %dma_wait3A_428 = arith.constant 0 : i32
      %dma_wait3A_429 = tpu.memref_slice %arg7[%dma_wait3A_426, %dma_wait3A_427, %dma_wait3A_428] : memref<2x128x64xf32, #tpu.memory_space<vmem>> -> memref<1x128x64xf32, #tpu.memory_space<vmem>>
      %dma_wait3A_430 = tpu.memref_squeeze %dma_wait3A_429 : memref<1x128x64xf32, #tpu.memory_space<vmem>> -> memref<128x64xf32, #tpu.memory_space<vmem>>
      %dma_wait3A_431 = arith.constant 0 : i32
      %dma_wait3A_432 = tpu.memref_slice %arg6[%rem3A_425, %dma_wait3A_431] : memref<4x128xi32, #tpu.memory_space<vmem>> -> memref<1x128xi32, #tpu.memory_space<vmem>>
      %dma_wait3A_433 = tpu.memref_squeeze %dma_wait3A_432 : memref<1x128xi32, #tpu.memory_space<vmem>> -> memref<128xi32, #tpu.memory_space<vmem>>
      %dma_wait3A_434 = arith.constant 0 : i32
      %dma_wait3A_435 = arith.constant 0 : i32
      %dma_wait3A_436 = tpu.memref_slice %arg8[%dma_wait3A_434, %dma_wait3A_435] : memref<10000x64xf32, #tpu.memory_space<vmem_shared>> -> memref<10000x64xf32, #tpu.memory_space<vmem_shared>>
      tpu.wait_indirect_dma semaphore(%arg13 : memref<!tpu.dma_semaphore, #tpu.memory_space<semaphore_mem>>) src(%dma_wait3A_430 : memref<128x64xf32, #tpu.memory_space<vmem>>) dst(%dma_wait3A_436 : memref<10000x64xf32, #tpu.memory_space<vmem_shared>>)
      %add3A_437 = arith.constant 1 : i32
      %add3A_438 = arith.addi %add3A_311, %add3A_437 : i32
      %lt3A_439 = arith.constant 78 : i32
      %lt3A_440 = arith.cmpi slt, %add3A_438, %lt3A_439 : i32
      %convert_element_type3A_441 = arith.extui %lt3A_440 : i1 to i32
      %cond3A_442 = arith.constant 0 : i32
      %cond3A_443 = arith.cmpi ne, %convert_element_type3A_441, %cond3A_442 : i32
      scf.if %cond3A_443 {
        %add3A_459 = arith.constant 1 : i32
        %add3A_460 = arith.addi %add3A_311, %add3A_459 : i32
        %mul3A_461 = arith.constant 128 : i32
        %mul3A_462 = arith.muli %add3A_460, %mul3A_461 : i32
        %add3A_463 = arith.addi %mul3A_2, %mul3A_462 : i32
        %rem3A_464 = arith.constant 4 : i32
        %rem3A_465 = arith.remsi %add3A_460, %rem3A_464 : i32
        %dma_wait3A_466 = arith.constant 0 : i32
        %dma_wait3A_467 = arith.constant 0 : i32
        %dma_wait3A_468 = tpu.memref_slice %arg5[%rem3A_465, %dma_wait3A_467] : memref<4x128xi32, #tpu.memory_space<vmem>> -> memref<1x128xi32, #tpu.memory_space<vmem>>
        %dma_wait3A_469 = tpu.memref_squeeze %dma_wait3A_468 : memref<1x128xi32, #tpu.memory_space<vmem>> -> memref<128xi32, #tpu.memory_space<vmem>>
        %dma_wait3A_470 = tpu.memref_slice %arg3[%dma_wait3A_466, %add3A_463] : memref<2x320000xi32, #tpu.memory_space<hbm>> -> memref<1x128xi32, #tpu.memory_space<hbm>>
        %dma_wait3A_471 = tpu.memref_squeeze %dma_wait3A_470 : memref<1x128xi32, #tpu.memory_space<hbm>> -> memref<128xi32, #tpu.memory_space<hbm>>
        %dma_wait3A_472 = arith.constant 0 : i32
        %dma_wait3A_473 = tpu.memref_slice %arg5[%rem3A_465, %dma_wait3A_472] : memref<4x128xi32, #tpu.memory_space<vmem>> -> memref<1x128xi32, #tpu.memory_space<vmem>>
        %dma_wait3A_474 = tpu.memref_squeeze %dma_wait3A_473 : memref<1x128xi32, #tpu.memory_space<vmem>> -> memref<128xi32, #tpu.memory_space<vmem>>
        %dma_wait3A_475 = tpu.memref_slice %arg3[%dma_wait3A_466, %add3A_463] : memref<2x320000xi32, #tpu.memory_space<hbm>> -> memref<1x128xi32, #tpu.memory_space<hbm>>
        %dma_wait3A_476 = tpu.memref_squeeze %dma_wait3A_475 : memref<1x128xi32, #tpu.memory_space<hbm>> -> memref<128xi32, #tpu.memory_space<hbm>>
        tpu.wait_dma2 semaphore(%arg9 : memref<!tpu.dma_semaphore, #tpu.memory_space<semaphore_mem>>) src(%dma_wait3A_476 : memref<128xi32, #tpu.memory_space<hbm>>) dst(%dma_wait3A_474 : memref<128xi32, #tpu.memory_space<vmem>>)
        %mul3A_477 = arith.constant 128 : i32
        %mul3A_478 = arith.muli %add3A_460, %mul3A_477 : i32
        %add3A_479 = arith.addi %mul3A_2, %mul3A_478 : i32
        %rem3A_480 = arith.constant 4 : i32
        %rem3A_481 = arith.remsi %add3A_460, %rem3A_480 : i32
        %dma_wait3A_482 = arith.constant 1 : i32
        %dma_wait3A_483 = arith.constant 0 : i32
        %dma_wait3A_484 = tpu.memref_slice %arg6[%rem3A_481, %dma_wait3A_483] : memref<4x128xi32, #tpu.memory_space<vmem>> -> memref<1x128xi32, #tpu.memory_space<vmem>>
        %dma_wait3A_485 = tpu.memref_squeeze %dma_wait3A_484 : memref<1x128xi32, #tpu.memory_space<vmem>> -> memref<128xi32, #tpu.memory_space<vmem>>
        %dma_wait3A_486 = tpu.memref_slice %arg3[%dma_wait3A_482, %add3A_479] : memref<2x320000xi32, #tpu.memory_space<hbm>> -> memref<1x128xi32, #tpu.memory_space<hbm>>
        %dma_wait3A_487 = tpu.memref_squeeze %dma_wait3A_486 : memref<1x128xi32, #tpu.memory_space<hbm>> -> memref<128xi32, #tpu.memory_space<hbm>>
        %dma_wait3A_488 = arith.constant 0 : i32
        %dma_wait3A_489 = tpu.memref_slice %arg6[%rem3A_481, %dma_wait3A_488] : memref<4x128xi32, #tpu.memory_space<vmem>> -> memref<1x128xi32, #tpu.memory_space<vmem>>
        %dma_wait3A_490 = tpu.memref_squeeze %dma_wait3A_489 : memref<1x128xi32, #tpu.memory_space<vmem>> -> memref<128xi32, #tpu.memory_space<vmem>>
        %dma_wait3A_491 = tpu.memref_slice %arg3[%dma_wait3A_482, %add3A_479] : memref<2x320000xi32, #tpu.memory_space<hbm>> -> memref<1x128xi32, #tpu.memory_space<hbm>>
        %dma_wait3A_492 = tpu.memref_squeeze %dma_wait3A_491 : memref<1x128xi32, #tpu.memory_space<hbm>> -> memref<128xi32, #tpu.memory_space<hbm>>
        tpu.wait_dma2 semaphore(%arg9 : memref<!tpu.dma_semaphore, #tpu.memory_space<semaphore_mem>>) src(%dma_wait3A_492 : memref<128xi32, #tpu.memory_space<hbm>>) dst(%dma_wait3A_490 : memref<128xi32, #tpu.memory_space<vmem>>)
      } else {
      }
      %add3A_444 = arith.constant 3 : i32
      %add3A_445 = arith.addi %add3A_311, %add3A_444 : i32
      %lt3A_446 = arith.constant 78 : i32
      %lt3A_447 = arith.cmpi slt, %add3A_445, %lt3A_446 : i32
      %convert_element_type3A_448 = arith.extui %lt3A_447 : i1 to i32
      %cond3A_449 = arith.constant 0 : i32
      %cond3A_450 = arith.cmpi ne, %convert_element_type3A_448, %cond3A_449 : i32
      scf.if %cond3A_450 {
        %add3A_459 = arith.constant 3 : i32
        %add3A_460 = arith.addi %add3A_311, %add3A_459 : i32
        %mul3A_461 = arith.constant 128 : i32
        %mul3A_462 = arith.muli %add3A_460, %mul3A_461 : i32
        %add3A_463 = arith.addi %mul3A_2, %mul3A_462 : i32
        %rem3A_464 = arith.constant 4 : i32
        %rem3A_465 = arith.remsi %add3A_460, %rem3A_464 : i32
        %dma_start3A_466 = arith.constant 0 : i32
        %dma_start3A_467 = arith.constant 0 : i32
        %dma_start3A_468 = tpu.memref_slice %arg5[%rem3A_465, %dma_start3A_467] : memref<4x128xi32, #tpu.memory_space<vmem>> -> memref<1x128xi32, #tpu.memory_space<vmem>>
        %dma_start3A_469 = tpu.memref_squeeze %dma_start3A_468 : memref<1x128xi32, #tpu.memory_space<vmem>> -> memref<128xi32, #tpu.memory_space<vmem>>
        %dma_start3A_470 = tpu.memref_slice %arg3[%dma_start3A_466, %add3A_463] : memref<2x320000xi32, #tpu.memory_space<hbm>> -> memref<1x128xi32, #tpu.memory_space<hbm>>
        %dma_start3A_471 = tpu.memref_squeeze %dma_start3A_470 : memref<1x128xi32, #tpu.memory_space<hbm>> -> memref<128xi32, #tpu.memory_space<hbm>>
        %dma_start3A_472 = arith.constant 0 : i32
        %dma_start3A_473 = tpu.memref_slice %arg5[%rem3A_465, %dma_start3A_472] : memref<4x128xi32, #tpu.memory_space<vmem>> -> memref<1x128xi32, #tpu.memory_space<vmem>>
        %dma_start3A_474 = tpu.memref_squeeze %dma_start3A_473 : memref<1x128xi32, #tpu.memory_space<vmem>> -> memref<128xi32, #tpu.memory_space<vmem>>
        %dma_start3A_475 = tpu.memref_slice %arg3[%dma_start3A_466, %add3A_463] : memref<2x320000xi32, #tpu.memory_space<hbm>> -> memref<1x128xi32, #tpu.memory_space<hbm>>
        %dma_start3A_476 = tpu.memref_squeeze %dma_start3A_475 : memref<1x128xi32, #tpu.memory_space<hbm>> -> memref<128xi32, #tpu.memory_space<hbm>>
        tpu.enqueue_dma source(%dma_start3A_476 : memref<128xi32, #tpu.memory_space<hbm>>) target(%dma_start3A_474 : memref<128xi32, #tpu.memory_space<vmem>>) target_semaphore(%arg9 : memref<!tpu.dma_semaphore, #tpu.memory_space<semaphore_mem>>)
        %mul3A_477 = arith.constant 128 : i32
        %mul3A_478 = arith.muli %add3A_460, %mul3A_477 : i32
        %add3A_479 = arith.addi %mul3A_2, %mul3A_478 : i32
        %rem3A_480 = arith.constant 4 : i32
        %rem3A_481 = arith.remsi %add3A_460, %rem3A_480 : i32
        %dma_start3A_482 = arith.constant 1 : i32
        %dma_start3A_483 = arith.constant 0 : i32
        %dma_start3A_484 = tpu.memref_slice %arg6[%rem3A_481, %dma_start3A_483] : memref<4x128xi32, #tpu.memory_space<vmem>> -> memref<1x128xi32, #tpu.memory_space<vmem>>
        %dma_start3A_485 = tpu.memref_squeeze %dma_start3A_484 : memref<1x128xi32, #tpu.memory_space<vmem>> -> memref<128xi32, #tpu.memory_space<vmem>>
        %dma_start3A_486 = tpu.memref_slice %arg3[%dma_start3A_482, %add3A_479] : memref<2x320000xi32, #tpu.memory_space<hbm>> -> memref<1x128xi32, #tpu.memory_space<hbm>>
        %dma_start3A_487 = tpu.memref_squeeze %dma_start3A_486 : memref<1x128xi32, #tpu.memory_space<hbm>> -> memref<128xi32, #tpu.memory_space<hbm>>
        %dma_start3A_488 = arith.constant 0 : i32
        %dma_start3A_489 = tpu.memref_slice %arg6[%rem3A_481, %dma_start3A_488] : memref<4x128xi32, #tpu.memory_space<vmem>> -> memref<1x128xi32, #tpu.memory_space<vmem>>
        %dma_start3A_490 = tpu.memref_squeeze %dma_start3A_489 : memref<1x128xi32, #tpu.memory_space<vmem>> -> memref<128xi32, #tpu.memory_space<vmem>>
        %dma_start3A_491 = tpu.memref_slice %arg3[%dma_start3A_482, %add3A_479] : memref<2x320000xi32, #tpu.memory_space<hbm>> -> memref<1x128xi32, #tpu.memory_space<hbm>>
        %dma_start3A_492 = tpu.memref_squeeze %dma_start3A_491 : memref<1x128xi32, #tpu.memory_space<hbm>> -> memref<128xi32, #tpu.memory_space<hbm>>
        tpu.enqueue_dma source(%dma_start3A_492 : memref<128xi32, #tpu.memory_space<hbm>>) target(%dma_start3A_490 : memref<128xi32, #tpu.memory_space<vmem>>) target_semaphore(%arg9 : memref<!tpu.dma_semaphore, #tpu.memory_space<semaphore_mem>>)
      } else {
      }
      %add3A_451 = arith.constant 1 : i32
      %add3A_452 = arith.addi %add3A_311, %add3A_451 : i32
      %lt3A_453 = arith.constant 78 : i32
      %lt3A_454 = arith.cmpi slt, %add3A_452, %lt3A_453 : i32
      %convert_element_type3A_455 = arith.extui %lt3A_454 : i1 to i32
      %cond3A_456 = arith.constant 0 : i32
      %cond3A_457 = arith.cmpi ne, %convert_element_type3A_455, %cond3A_456 : i32
      scf.if %cond3A_457 {
        %add3A_459 = arith.constant 1 : i32
        %add3A_460 = arith.addi %add3A_311, %add3A_459 : i32
        %rem3A_461 = arith.constant 4 : i32
        %rem3A_462 = arith.remsi %add3A_460, %rem3A_461 : i32
        %dma_start3A_463 = arith.constant 0 : i32
        %dma_start3A_464 = arith.constant 0 : i32
        %dma_start3A_465 = arith.constant 0 : i32
        %dma_start3A_466 = tpu.memref_slice %arg7[%dma_start3A_463, %dma_start3A_464, %dma_start3A_465] : memref<2x128x64xf32, #tpu.memory_space<vmem>> -> memref<1x128x64xf32, #tpu.memory_space<vmem>>
        %dma_start3A_467 = tpu.memref_squeeze %dma_start3A_466 : memref<1x128x64xf32, #tpu.memory_space<vmem>> -> memref<128x64xf32, #tpu.memory_space<vmem>>
        %dma_start3A_468 = arith.constant 0 : i32
        %dma_start3A_469 = tpu.memref_slice %arg5[%rem3A_462, %dma_start3A_468] : memref<4x128xi32, #tpu.memory_space<vmem>> -> memref<1x128xi32, #tpu.memory_space<vmem>>
        %dma_start3A_470 = tpu.memref_squeeze %dma_start3A_469 : memref<1x128xi32, #tpu.memory_space<vmem>> -> memref<128xi32, #tpu.memory_space<vmem>>
        %dma_start3A_471 = arith.constant 0 : i32
        %dma_start3A_472 = arith.constant 0 : i32
        %dma_start3A_473 = tpu.memref_slice %arg2[%dma_start3A_471, %dma_start3A_472] : memref<10000x64xf32, #tpu.memory_space<hbm>> -> memref<10000x64xf32, #tpu.memory_space<hbm>>
        tpu.enqueue_indirect_dma source(%dma_start3A_473 : memref<10000x64xf32, #tpu.memory_space<hbm>>) target(%dma_start3A_467 : memref<128x64xf32, #tpu.memory_space<vmem>>) offsets(%dma_start3A_470 : memref<128xi32, #tpu.memory_space<vmem>>) semaphore(%arg11 : memref<!tpu.dma_semaphore, #tpu.memory_space<semaphore_mem>>)
      } else {
      }
      %scan3A_458 = arith.constant 0 : i32
      scf.yield %scan3A_458 : i32
    }
    %scan3A_181 = arith.constant 39 : i32
    %add3A_182 = arith.constant 9984 : i32
    %add3A_183 = arith.addi %mul3A_2, %add3A_182 : i32
    %dma_start3A_184 = arith.constant 0 : i32
    %dma_start3A_185 = arith.constant 0 : i32
    %dma_start3A_186 = arith.constant 0 : i32
    %dma_start3A_187 = tpu.memref_slice %arg5[%dma_start3A_185, %dma_start3A_186] : memref<4x128xi32, #tpu.memory_space<vmem>> -> memref<1x16xi32, #tpu.memory_space<vmem>>
    %dma_start3A_188 = tpu.memref_squeeze %dma_start3A_187 : memref<1x16xi32, #tpu.memory_space<vmem>> -> memref<16xi32, #tpu.memory_space<vmem>>
    %dma_start3A_189 = tpu.memref_slice %arg3[%dma_start3A_184, %add3A_183] : memref<2x320000xi32, #tpu.memory_space<hbm>> -> memref<1x16xi32, #tpu.memory_space<hbm>>
    %dma_start3A_190 = tpu.memref_squeeze %dma_start3A_189 : memref<1x16xi32, #tpu.memory_space<hbm>> -> memref<16xi32, #tpu.memory_space<hbm>>
    %dma_start3A_191 = arith.constant 0 : i32
    %dma_start3A_192 = tpu.memref_slice %arg5[%dma_start3A_185, %dma_start3A_191] : memref<4x128xi32, #tpu.memory_space<vmem>> -> memref<1x16xi32, #tpu.memory_space<vmem>>
    %dma_start3A_193 = tpu.memref_squeeze %dma_start3A_192 : memref<1x16xi32, #tpu.memory_space<vmem>> -> memref<16xi32, #tpu.memory_space<vmem>>
    %dma_start3A_194 = tpu.memref_slice %arg3[%dma_start3A_184, %add3A_183] : memref<2x320000xi32, #tpu.memory_space<hbm>> -> memref<1x16xi32, #tpu.memory_space<hbm>>
    %dma_start3A_195 = tpu.memref_squeeze %dma_start3A_194 : memref<1x16xi32, #tpu.memory_space<hbm>> -> memref<16xi32, #tpu.memory_space<hbm>>
    tpu.enqueue_dma source(%dma_start3A_195 : memref<16xi32, #tpu.memory_space<hbm>>) target(%dma_start3A_193 : memref<16xi32, #tpu.memory_space<vmem>>) target_semaphore(%arg9 : memref<!tpu.dma_semaphore, #tpu.memory_space<semaphore_mem>>)
    %dma_start3A_196 = arith.constant 1 : i32
    %dma_start3A_197 = arith.constant 0 : i32
    %dma_start3A_198 = arith.constant 0 : i32
    %dma_start3A_199 = tpu.memref_slice %arg6[%dma_start3A_197, %dma_start3A_198] : memref<4x128xi32, #tpu.memory_space<vmem>> -> memref<1x16xi32, #tpu.memory_space<vmem>>
    %dma_start3A_200 = tpu.memref_squeeze %dma_start3A_199 : memref<1x16xi32, #tpu.memory_space<vmem>> -> memref<16xi32, #tpu.memory_space<vmem>>
    %dma_start3A_201 = tpu.memref_slice %arg3[%dma_start3A_196, %add3A_183] : memref<2x320000xi32, #tpu.memory_space<hbm>> -> memref<1x16xi32, #tpu.memory_space<hbm>>
    %dma_start3A_202 = tpu.memref_squeeze %dma_start3A_201 : memref<1x16xi32, #tpu.memory_space<hbm>> -> memref<16xi32, #tpu.memory_space<hbm>>
    %dma_start3A_203 = arith.constant 0 : i32
    %dma_start3A_204 = tpu.memref_slice %arg6[%dma_start3A_197, %dma_start3A_203] : memref<4x128xi32, #tpu.memory_space<vmem>> -> memref<1x16xi32, #tpu.memory_space<vmem>>
    %dma_start3A_205 = tpu.memref_squeeze %dma_start3A_204 : memref<1x16xi32, #tpu.memory_space<vmem>> -> memref<16xi32, #tpu.memory_space<vmem>>
    %dma_start3A_206 = tpu.memref_slice %arg3[%dma_start3A_196, %add3A_183] : memref<2x320000xi32, #tpu.memory_space<hbm>> -> memref<1x16xi32, #tpu.memory_space<hbm>>
    %dma_start3A_207 = tpu.memref_squeeze %dma_start3A_206 : memref<1x16xi32, #tpu.memory_space<hbm>> -> memref<16xi32, #tpu.memory_space<hbm>>
    tpu.enqueue_dma source(%dma_start3A_207 : memref<16xi32, #tpu.memory_space<hbm>>) target(%dma_start3A_205 : memref<16xi32, #tpu.memory_space<vmem>>) target_semaphore(%arg9 : memref<!tpu.dma_semaphore, #tpu.memory_space<semaphore_mem>>)
    %rem3A_208 = arith.constant 77 : i32
    %rem3A_209 = arith.constant 4 : i32
    %rem3A_210 = arith.remsi %rem3A_208, %rem3A_209 : i32
    %dma_wait3A_211 = arith.constant 1 : i32
    %dma_wait3A_212 = arith.constant 0 : i32
    %dma_wait3A_213 = arith.constant 0 : i32
    %dma_wait3A_214 = tpu.memref_slice %arg7[%dma_wait3A_211, %dma_wait3A_212, %dma_wait3A_213] : memref<2x128x64xf32, #tpu.memory_space<vmem>> -> memref<1x128x64xf32, #tpu.memory_space<vmem>>
    %dma_wait3A_215 = tpu.memref_squeeze %dma_wait3A_214 : memref<1x128x64xf32, #tpu.memory_space<vmem>> -> memref<128x64xf32, #tpu.memory_space<vmem>>
    %dma_wait3A_216 = arith.constant 0 : i32
    %dma_wait3A_217 = tpu.memref_slice %arg6[%rem3A_210, %dma_wait3A_216] : memref<4x128xi32, #tpu.memory_space<vmem>> -> memref<1x128xi32, #tpu.memory_space<vmem>>
    %dma_wait3A_218 = tpu.memref_squeeze %dma_wait3A_217 : memref<1x128xi32, #tpu.memory_space<vmem>> -> memref<128xi32, #tpu.memory_space<vmem>>
    %dma_wait3A_219 = arith.constant 0 : i32
    %dma_wait3A_220 = arith.constant 0 : i32
    %dma_wait3A_221 = tpu.memref_slice %arg8[%dma_wait3A_219, %dma_wait3A_220] : memref<10000x64xf32, #tpu.memory_space<vmem_shared>> -> memref<10000x64xf32, #tpu.memory_space<vmem_shared>>
    tpu.wait_indirect_dma semaphore(%arg14 : memref<!tpu.dma_semaphore, #tpu.memory_space<semaphore_mem>>) src(%dma_wait3A_215 : memref<128x64xf32, #tpu.memory_space<vmem>>) dst(%dma_wait3A_221 : memref<10000x64xf32, #tpu.memory_space<vmem_shared>>)
    %dma_wait3A_222 = arith.constant 0 : i32
    %dma_wait3A_223 = arith.constant 0 : i32
    %dma_wait3A_224 = arith.constant 0 : i32
    %dma_wait3A_225 = tpu.memref_slice %arg5[%dma_wait3A_223, %dma_wait3A_224] : memref<4x128xi32, #tpu.memory_space<vmem>> -> memref<1x16xi32, #tpu.memory_space<vmem>>
    %dma_wait3A_226 = tpu.memref_squeeze %dma_wait3A_225 : memref<1x16xi32, #tpu.memory_space<vmem>> -> memref<16xi32, #tpu.memory_space<vmem>>
    %dma_wait3A_227 = tpu.memref_slice %arg3[%dma_wait3A_222, %add3A_183] : memref<2x320000xi32, #tpu.memory_space<hbm>> -> memref<1x16xi32, #tpu.memory_space<hbm>>
    %dma_wait3A_228 = tpu.memref_squeeze %dma_wait3A_227 : memref<1x16xi32, #tpu.memory_space<hbm>> -> memref<16xi32, #tpu.memory_space<hbm>>
    %dma_wait3A_229 = arith.constant 0 : i32
    %dma_wait3A_230 = tpu.memref_slice %arg5[%dma_wait3A_223, %dma_wait3A_229] : memref<4x128xi32, #tpu.memory_space<vmem>> -> memref<1x16xi32, #tpu.memory_space<vmem>>
    %dma_wait3A_231 = tpu.memref_squeeze %dma_wait3A_230 : memref<1x16xi32, #tpu.memory_space<vmem>> -> memref<16xi32, #tpu.memory_space<vmem>>
    %dma_wait3A_232 = tpu.memref_slice %arg3[%dma_wait3A_222, %add3A_183] : memref<2x320000xi32, #tpu.memory_space<hbm>> -> memref<1x16xi32, #tpu.memory_space<hbm>>
    %dma_wait3A_233 = tpu.memref_squeeze %dma_wait3A_232 : memref<1x16xi32, #tpu.memory_space<hbm>> -> memref<16xi32, #tpu.memory_space<hbm>>
    tpu.wait_dma2 semaphore(%arg9 : memref<!tpu.dma_semaphore, #tpu.memory_space<semaphore_mem>>) src(%dma_wait3A_233 : memref<16xi32, #tpu.memory_space<hbm>>) dst(%dma_wait3A_231 : memref<16xi32, #tpu.memory_space<vmem>>)
    %dma_wait3A_234 = arith.constant 1 : i32
    %dma_wait3A_235 = arith.constant 0 : i32
    %dma_wait3A_236 = arith.constant 0 : i32
    %dma_wait3A_237 = tpu.memref_slice %arg6[%dma_wait3A_235, %dma_wait3A_236] : memref<4x128xi32, #tpu.memory_space<vmem>> -> memref<1x16xi32, #tpu.memory_space<vmem>>
    %dma_wait3A_238 = tpu.memref_squeeze %dma_wait3A_237 : memref<1x16xi32, #tpu.memory_space<vmem>> -> memref<16xi32, #tpu.memory_space<vmem>>
    %dma_wait3A_239 = tpu.memref_slice %arg3[%dma_wait3A_234, %add3A_183] : memref<2x320000xi32, #tpu.memory_space<hbm>> -> memref<1x16xi32, #tpu.memory_space<hbm>>
    %dma_wait3A_240 = tpu.memref_squeeze %dma_wait3A_239 : memref<1x16xi32, #tpu.memory_space<hbm>> -> memref<16xi32, #tpu.memory_space<hbm>>
    %dma_wait3A_241 = arith.constant 0 : i32
    %dma_wait3A_242 = tpu.memref_slice %arg6[%dma_wait3A_235, %dma_wait3A_241] : memref<4x128xi32, #tpu.memory_space<vmem>> -> memref<1x16xi32, #tpu.memory_space<vmem>>
    %dma_wait3A_243 = tpu.memref_squeeze %dma_wait3A_242 : memref<1x16xi32, #tpu.memory_space<vmem>> -> memref<16xi32, #tpu.memory_space<vmem>>
    %dma_wait3A_244 = tpu.memref_slice %arg3[%dma_wait3A_234, %add3A_183] : memref<2x320000xi32, #tpu.memory_space<hbm>> -> memref<1x16xi32, #tpu.memory_space<hbm>>
    %dma_wait3A_245 = tpu.memref_squeeze %dma_wait3A_244 : memref<1x16xi32, #tpu.memory_space<hbm>> -> memref<16xi32, #tpu.memory_space<hbm>>
    tpu.wait_dma2 semaphore(%arg9 : memref<!tpu.dma_semaphore, #tpu.memory_space<semaphore_mem>>) src(%dma_wait3A_245 : memref<16xi32, #tpu.memory_space<hbm>>) dst(%dma_wait3A_243 : memref<16xi32, #tpu.memory_space<vmem>>)
    %dma_start3A_246 = arith.constant 0 : i32
    %dma_start3A_247 = arith.constant 0 : i32
    %dma_start3A_248 = arith.constant 0 : i32
    %dma_start3A_249 = arith.constant 0 : i32
    %dma_start3A_250 = tpu.memref_slice %arg7[%dma_start3A_247, %dma_start3A_248, %dma_start3A_249] : memref<2x128x64xf32, #tpu.memory_space<vmem>> -> memref<1x16x64xf32, #tpu.memory_space<vmem>>
    %dma_start3A_251 = tpu.memref_squeeze %dma_start3A_250 : memref<1x16x64xf32, #tpu.memory_space<vmem>> -> memref<16x64xf32, #tpu.memory_space<vmem>>
    %dma_start3A_252 = arith.constant 0 : i32
    %dma_start3A_253 = tpu.memref_slice %arg5[%dma_start3A_246, %dma_start3A_252] : memref<4x128xi32, #tpu.memory_space<vmem>> -> memref<1x16xi32, #tpu.memory_space<vmem>>
    %dma_start3A_254 = tpu.memref_squeeze %dma_start3A_253 : memref<1x16xi32, #tpu.memory_space<vmem>> -> memref<16xi32, #tpu.memory_space<vmem>>
    %dma_start3A_255 = arith.constant 0 : i32
    %dma_start3A_256 = arith.constant 0 : i32
    %dma_start3A_257 = tpu.memref_slice %arg2[%dma_start3A_255, %dma_start3A_256] : memref<10000x64xf32, #tpu.memory_space<hbm>> -> memref<10000x64xf32, #tpu.memory_space<hbm>>
    tpu.enqueue_indirect_dma source(%dma_start3A_257 : memref<10000x64xf32, #tpu.memory_space<hbm>>) target(%dma_start3A_251 : memref<16x64xf32, #tpu.memory_space<vmem>>) offsets(%dma_start3A_254 : memref<16xi32, #tpu.memory_space<vmem>>) semaphore(%arg11 : memref<!tpu.dma_semaphore, #tpu.memory_space<semaphore_mem>>)
    %dma_wait3A_258 = arith.constant 0 : i32
    %dma_wait3A_259 = arith.constant 0 : i32
    %dma_wait3A_260 = arith.constant 0 : i32
    %dma_wait3A_261 = arith.constant 0 : i32
    %dma_wait3A_262 = tpu.memref_slice %arg7[%dma_wait3A_259, %dma_wait3A_260, %dma_wait3A_261] : memref<2x128x64xf32, #tpu.memory_space<vmem>> -> memref<1x16x64xf32, #tpu.memory_space<vmem>>
    %dma_wait3A_263 = tpu.memref_squeeze %dma_wait3A_262 : memref<1x16x64xf32, #tpu.memory_space<vmem>> -> memref<16x64xf32, #tpu.memory_space<vmem>>
    %dma_wait3A_264 = arith.constant 0 : i32
    %dma_wait3A_265 = tpu.memref_slice %arg5[%dma_wait3A_258, %dma_wait3A_264] : memref<4x128xi32, #tpu.memory_space<vmem>> -> memref<1x16xi32, #tpu.memory_space<vmem>>
    %dma_wait3A_266 = tpu.memref_squeeze %dma_wait3A_265 : memref<1x16xi32, #tpu.memory_space<vmem>> -> memref<16xi32, #tpu.memory_space<vmem>>
    %dma_wait3A_267 = arith.constant 0 : i32
    %dma_wait3A_268 = arith.constant 0 : i32
    %dma_wait3A_269 = tpu.memref_slice %arg2[%dma_wait3A_267, %dma_wait3A_268] : memref<10000x64xf32, #tpu.memory_space<hbm>> -> memref<10000x64xf32, #tpu.memory_space<hbm>>
    tpu.wait_indirect_dma semaphore(%arg11 : memref<!tpu.dma_semaphore, #tpu.memory_space<semaphore_mem>>) src(%dma_wait3A_269 : memref<10000x64xf32, #tpu.memory_space<hbm>>) dst(%dma_wait3A_263 : memref<16x64xf32, #tpu.memory_space<vmem>>)
    %dma_start3A_270 = arith.constant 0 : i32
    %dma_start3A_271 = arith.constant 0 : i32
    %dma_start3A_272 = arith.constant 0 : i32
    %dma_start3A_273 = arith.constant 0 : i32
    %dma_start3A_274 = tpu.memref_slice %arg7[%dma_start3A_270, %dma_start3A_272, %dma_start3A_273] : memref<2x128x64xf32, #tpu.memory_space<vmem>> -> memref<1x16x64xf32, #tpu.memory_space<vmem>>
    %dma_start3A_275 = tpu.memref_squeeze %dma_start3A_274 : memref<1x16x64xf32, #tpu.memory_space<vmem>> -> memref<16x64xf32, #tpu.memory_space<vmem>>
    %dma_start3A_276 = arith.constant 0 : i32
    %dma_start3A_277 = tpu.memref_slice %arg6[%dma_start3A_271, %dma_start3A_276] : memref<4x128xi32, #tpu.memory_space<vmem>> -> memref<1x16xi32, #tpu.memory_space<vmem>>
    %dma_start3A_278 = tpu.memref_squeeze %dma_start3A_277 : memref<1x16xi32, #tpu.memory_space<vmem>> -> memref<16xi32, #tpu.memory_space<vmem>>
    %dma_start3A_279 = arith.constant 0 : i32
    %dma_start3A_280 = arith.constant 0 : i32
    %dma_start3A_281 = tpu.memref_slice %arg8[%dma_start3A_279, %dma_start3A_280] : memref<10000x64xf32, #tpu.memory_space<vmem_shared>> -> memref<10000x64xf32, #tpu.memory_space<vmem_shared>>
    tpu.enqueue_indirect_dma source(%dma_start3A_275 : memref<16x64xf32, #tpu.memory_space<vmem>>) target(%dma_start3A_281 : memref<10000x64xf32, #tpu.memory_space<vmem_shared>>) offsets(%dma_start3A_278 : memref<16xi32, #tpu.memory_space<vmem>>) semaphore(%arg13 : memref<!tpu.dma_semaphore, #tpu.memory_space<semaphore_mem>>) {add = true}
    %dma_wait3A_282 = arith.constant 0 : i32
    %dma_wait3A_283 = arith.constant 0 : i32
    %dma_wait3A_284 = arith.constant 0 : i32
    %dma_wait3A_285 = arith.constant 0 : i32
    %dma_wait3A_286 = tpu.memref_slice %arg7[%dma_wait3A_282, %dma_wait3A_284, %dma_wait3A_285] : memref<2x128x64xf32, #tpu.memory_space<vmem>> -> memref<1x16x64xf32, #tpu.memory_space<vmem>>
    %dma_wait3A_287 = tpu.memref_squeeze %dma_wait3A_286 : memref<1x16x64xf32, #tpu.memory_space<vmem>> -> memref<16x64xf32, #tpu.memory_space<vmem>>
    %dma_wait3A_288 = arith.constant 0 : i32
    %dma_wait3A_289 = tpu.memref_slice %arg6[%dma_wait3A_283, %dma_wait3A_288] : memref<4x128xi32, #tpu.memory_space<vmem>> -> memref<1x16xi32, #tpu.memory_space<vmem>>
    %dma_wait3A_290 = tpu.memref_squeeze %dma_wait3A_289 : memref<1x16xi32, #tpu.memory_space<vmem>> -> memref<16xi32, #tpu.memory_space<vmem>>
    %dma_wait3A_291 = arith.constant 0 : i32
    %dma_wait3A_292 = arith.constant 0 : i32
    %dma_wait3A_293 = tpu.memref_slice %arg8[%dma_wait3A_291, %dma_wait3A_292] : memref<10000x64xf32, #tpu.memory_space<vmem_shared>> -> memref<10000x64xf32, #tpu.memory_space<vmem_shared>>
    tpu.wait_indirect_dma semaphore(%arg13 : memref<!tpu.dma_semaphore, #tpu.memory_space<semaphore_mem>>) src(%dma_wait3A_287 : memref<16x64xf32, #tpu.memory_space<vmem>>) dst(%dma_wait3A_293 : memref<10000x64xf32, #tpu.memory_space<vmem_shared>>)
    %barrier3A_294 = arith.constant 0 : index
    tpu.barrier barrier_id(%barrier3A_294)
    %mul3A_295 = arith.constant 624 : i32
    %mul3A_296 = arith.muli %arg1, %mul3A_295 : i32
    %mul3A_297 = arith.constant 624 : i32
    %mul3A_298 = arith.muli %arg1, %mul3A_297 : i32
    "tpu.region"() ({
      %run_scoped3A_304 = tpu.sem_alloc : memref<!tpu.dma_semaphore, #tpu.memory_space<semaphore_mem>>
      %dma_start3A_305 = arith.constant 0 : i32
      %dma_start3A_306 = tpu.memref_slice %arg4[%arg0, %mul3A_298, %dma_start3A_305] : memref<2x10000x64xf32, #tpu.memory_space<hbm>> -> memref<1x624x64xf32, #tpu.memory_space<hbm>>
      %dma_start3A_307 = tpu.memref_squeeze %dma_start3A_306 : memref<1x624x64xf32, #tpu.memory_space<hbm>> -> memref<624x64xf32, #tpu.memory_space<hbm>>
      %dma_start3A_308 = arith.constant 0 : i32
      %dma_start3A_309 = tpu.memref_slice %arg8[%mul3A_296, %dma_start3A_308] : memref<10000x64xf32, #tpu.memory_space<vmem_shared>> -> memref<624x64xf32, #tpu.memory_space<vmem_shared>>
      tpu.enqueue_dma source(%dma_start3A_309 : memref<624x64xf32, #tpu.memory_space<vmem_shared>>) target(%dma_start3A_307 : memref<624x64xf32, #tpu.memory_space<hbm>>) target_semaphore(%run_scoped3A_304 : memref<!tpu.dma_semaphore, #tpu.memory_space<semaphore_mem>>)
      %dma_wait3A_310 = arith.constant 0 : i32
      %dma_wait3A_311 = tpu.memref_slice %arg4[%arg0, %mul3A_298, %dma_wait3A_310] : memref<2x10000x64xf32, #tpu.memory_space<hbm>> -> memref<1x624x64xf32, #tpu.memory_space<hbm>>
      %dma_wait3A_312 = tpu.memref_squeeze %dma_wait3A_311 : memref<1x624x64xf32, #tpu.memory_space<hbm>> -> memref<624x64xf32, #tpu.memory_space<hbm>>
      %dma_wait3A_313 = arith.constant 0 : i32
      %dma_wait3A_314 = tpu.memref_slice %arg8[%mul3A_296, %dma_wait3A_313] : memref<10000x64xf32, #tpu.memory_space<vmem_shared>> -> memref<624x64xf32, #tpu.memory_space<vmem_shared>>
      tpu.wait_dma2 semaphore(%run_scoped3A_304 : memref<!tpu.dma_semaphore, #tpu.memory_space<semaphore_mem>>) src(%dma_wait3A_314 : memref<624x64xf32, #tpu.memory_space<vmem_shared>>) dst(%dma_wait3A_312 : memref<624x64xf32, #tpu.memory_space<hbm>>)
      tpu.yield
    }) : () -> ()
    %eq3A_299 = arith.constant 15 : i32
    %eq3A_300 = arith.cmpi eq, %arg1, %eq3A_299 : i32
    %convert_element_type3A_301 = arith.extui %eq3A_300 : i1 to i32
    %cond3A_302 = arith.constant 0 : i32
    %cond3A_303 = arith.cmpi ne, %convert_element_type3A_301, %cond3A_302 : i32
    scf.if %cond3A_303 {
      "tpu.region"() ({
        %run_scoped3A_304 = tpu.sem_alloc : memref<!tpu.dma_semaphore, #tpu.memory_space<semaphore_mem>>
        %dma_start3A_305 = arith.constant 9984 : i32
        %dma_start3A_306 = arith.constant 0 : i32
        %dma_start3A_307 = tpu.memref_slice %arg4[%arg0, %dma_start3A_305, %dma_start3A_306] : memref<2x10000x64xf32, #tpu.memory_space<hbm>> -> memref<1x16x64xf32, #tpu.memory_space<hbm>>
        %dma_start3A_308 = tpu.memref_squeeze %dma_start3A_307 : memref<1x16x64xf32, #tpu.memory_space<hbm>> -> memref<16x64xf32, #tpu.memory_space<hbm>>
        %dma_start3A_309 = arith.constant 9984 : i32
        %dma_start3A_310 = arith.constant 0 : i32
        %dma_start3A_311 = tpu.memref_slice %arg8[%dma_start3A_309, %dma_start3A_310] : memref<10000x64xf32, #tpu.memory_space<vmem_shared>> -> memref<16x64xf32, #tpu.memory_space<vmem_shared>>
        tpu.enqueue_dma source(%dma_start3A_311 : memref<16x64xf32, #tpu.memory_space<vmem_shared>>) target(%dma_start3A_308 : memref<16x64xf32, #tpu.memory_space<hbm>>) target_semaphore(%run_scoped3A_304 : memref<!tpu.dma_semaphore, #tpu.memory_space<semaphore_mem>>)
        %dma_wait3A_312 = arith.constant 9984 : i32
        %dma_wait3A_313 = arith.constant 0 : i32
        %dma_wait3A_314 = tpu.memref_slice %arg4[%arg0, %dma_wait3A_312, %dma_wait3A_313] : memref<2x10000x64xf32, #tpu.memory_space<hbm>> -> memref<1x16x64xf32, #tpu.memory_space<hbm>>
        %dma_wait3A_315 = tpu.memref_squeeze %dma_wait3A_314 : memref<1x16x64xf32, #tpu.memory_space<hbm>> -> memref<16x64xf32, #tpu.memory_space<hbm>>
        %dma_wait3A_316 = arith.constant 9984 : i32
        %dma_wait3A_317 = arith.constant 0 : i32
        %dma_wait3A_318 = tpu.memref_slice %arg8[%dma_wait3A_316, %dma_wait3A_317] : memref<10000x64xf32, #tpu.memory_space<vmem_shared>> -> memref<16x64xf32, #tpu.memory_space<vmem_shared>>
        tpu.wait_dma2 semaphore(%run_scoped3A_304 : memref<!tpu.dma_semaphore, #tpu.memory_space<semaphore_mem>>) src(%dma_wait3A_318 : memref<16x64xf32, #tpu.memory_space<vmem_shared>>) dst(%dma_wait3A_315 : memref<16x64xf32, #tpu.memory_space<hbm>>)
        tpu.yield
      }) : () -> ()
    } else {
    }
    return
  }
}

module attributes {stable_mosaic.version = 14 : i64} {
  func.func @_tc1_body(%arg0: i32, %arg1: memref<2000x128xf32, #tpu.memory_space<vmem>>, %arg2: memref<2x2000x144xf32, #tpu.memory_space<vmem>>, %arg3: memref<128x256xf32, #tpu.memory_space<vmem>>, %arg4: memref<128x256xf32, #tpu.memory_space<vmem>>, %arg5: memref<1x256xf32, #tpu.memory_space<vmem>>, %arg6: memref<256x64xf32, #tpu.memory_space<vmem>>, %arg7: memref<256x64xf32, #tpu.memory_space<vmem>>, %arg8: memref<2000x64xf32, #tpu.memory_space<vmem>>, %arg9: memref<2000x64xf32, #tpu.memory_space<vmem>>, %arg10: memref<2000x64xf32, #tpu.memory_space<vmem>>) attributes {dimension_semantics = [#tpu.dimension_semantics<arbitrary>], iteration_bounds = array<i64: 5>, scalar_prefetch = 0 : i64, scratch_operands = 0 : i64, tpu.core_type = #tpu.core_type<tc>, window_params = [{transform_indices = @transform_0, window_bounds = array<i64: 2000, 128>}, {transform_indices = @transform_1, window_bounds = array<i64: 2, 2000, 144>}, {pipeline_mode = #tpu.pipeline_mode<synchronous>, transform_indices = @transform_2, window_bounds = array<i64: 128, 256>}, {pipeline_mode = #tpu.pipeline_mode<synchronous>, transform_indices = @transform_3, window_bounds = array<i64: 128, 256>}, {pipeline_mode = #tpu.pipeline_mode<synchronous>, transform_indices = @transform_4, window_bounds = array<i64: 1, 256>}, {pipeline_mode = #tpu.pipeline_mode<synchronous>, transform_indices = @transform_5, window_bounds = array<i64: 256, 64>}, {pipeline_mode = #tpu.pipeline_mode<synchronous>, transform_indices = @transform_6, window_bounds = array<i64: 256, 64>}, {transform_indices = @transform_7, window_bounds = array<i64: 2000, 64>}, {transform_indices = @transform_8, window_bounds = array<i64: 2000, 64>}, {transform_indices = @transform_9, window_bounds = array<i64: 2000, 64>}]} {
    %get3A = arith.constant 0 : index
    %get3A_0 = arith.constant 0 : index
    %get3A_1 = arith.constant 0 : index
    %get3A_2 = vector.load %arg2[%get3A, %get3A_0, %get3A_1] : memref<2x2000x144xf32, #tpu.memory_space<vmem>>, vector<1x2000x144xf32>
    %get3A_3 = vector.shape_cast %get3A_2 : vector<1x2000x144xf32> to vector<2000x144xf32>
    %get3A_4 = arith.constant 1 : index
    %get3A_5 = arith.constant 0 : index
    %get3A_6 = arith.constant 0 : index
    %get3A_7 = vector.load %arg2[%get3A_4, %get3A_5, %get3A_6] : memref<2x2000x144xf32, #tpu.memory_space<vmem>>, vector<1x2000x144xf32>
    %get3A_8 = vector.shape_cast %get3A_7 : vector<1x2000x144xf32> to vector<2000x144xf32>
    %add3A = arith.addf %get3A_3, %get3A_8 : vector<2000x144xf32>
    %slice3A = vector.extract_strided_slice %add3A {offsets = [0, 0], sizes = [2000, 128], strides = [1, 1]} : vector<2000x144xf32> to vector<2000x128xf32>
    %slice3A_9 = vector.extract_strided_slice %add3A {offsets = [0, 128], sizes = [2000, 16], strides = [1, 1]} : vector<2000x144xf32> to vector<2000x16xf32>
    %reduce_max3A = arith.constant dense<0xFF800000> : vector<2000xf32>
    %reduce_max3A_10 = vector.multi_reduction <maximumf>, %slice3A_9, %reduce_max3A [1] : vector<2000x16xf32> to vector<2000xf32>
    %broadcast_in_dim3A = vector.shape_cast %reduce_max3A_10 : vector<2000xf32> to vector<2000x1xf32>
    %max3A = arith.constant 1.000000e+00 : f32
    %max3A_11 = vector.broadcast %max3A : f32 to vector<2000x1xf32>
    %max3A_12 = arith.maximumf %broadcast_in_dim3A, %max3A_11 : vector<2000x1xf32>
    %div3A = arith.constant 1.000000e+00 : f32
    %div3A_13 = vector.broadcast %div3A : f32 to vector<2000x1xf32>
    %div3A_14 = arith.divf %div3A_13, %max3A_12 : vector<2000x1xf32>
    %mul3A = vector.broadcast %div3A_14 : vector<2000x1xf32> to vector<2000x128xf32>
    %mul3A_15 = arith.mulf %slice3A, %mul3A : vector<2000x128xf32>
    %get3A_16 = arith.constant 0 : index
    %get3A_17 = arith.constant 0 : index
    %get3A_18 = vector.load %arg1[%get3A_16, %get3A_17] : memref<2000x128xf32, #tpu.memory_space<vmem>>, vector<2000x128xf32>
    %get3A_19 = arith.constant 0 : index
    %get3A_20 = arith.constant 0 : index
    %get3A_21 = vector.load %arg3[%get3A_19, %get3A_20] : memref<128x256xf32, #tpu.memory_space<vmem>>, vector<128x256xf32>
    %dot_general3A = arith.constant dense<0.000000e+00> : vector<2000x256xf32>
    %dot_general3A_22 = tpu.matmul %get3A_18, %get3A_21, %dot_general3A {dimension_numbers = #tpu.dot_dimension_numbers<[1], [0], [0], [1], [0, 0, 1, 1], [], []>, transpose_lhs_hint = false} : vector<2000x128xf32>, vector<128x256xf32>, vector<2000x256xf32> -> vector<2000x256xf32>
    %get3A_23 = arith.constant 0 : index
    %get3A_24 = arith.constant 0 : index
    %get3A_25 = vector.load %arg4[%get3A_23, %get3A_24] : memref<128x256xf32, #tpu.memory_space<vmem>>, vector<128x256xf32>
    %dot_general3A_26 = arith.constant dense<0.000000e+00> : vector<2000x256xf32>
    %dot_general3A_27 = tpu.matmul %mul3A_15, %get3A_25, %dot_general3A_26 {dimension_numbers = #tpu.dot_dimension_numbers<[1], [0], [0], [1], [0, 0, 1, 1], [], []>, transpose_lhs_hint = false} : vector<2000x128xf32>, vector<128x256xf32>, vector<2000x256xf32> -> vector<2000x256xf32>
    %add3A_28 = arith.addf %dot_general3A_22, %dot_general3A_27 : vector<2000x256xf32>
    %get3A_29 = arith.constant 0 : index
    %get3A_30 = arith.constant 0 : index
    %get3A_31 = vector.load %arg5[%get3A_29, %get3A_30] : memref<1x256xf32, #tpu.memory_space<vmem>>, vector<1x256xf32>
    %add3A_32 = vector.broadcast %get3A_31 : vector<1x256xf32> to vector<2000x256xf32>
    %add3A_33 = arith.addf %add3A_28, %add3A_32 : vector<2000x256xf32>
    %max3A_34 = arith.constant 0.000000e+00 : f32
    %max3A_35 = vector.broadcast %max3A_34 : f32 to vector<2000x256xf32>
    %max3A_36 = arith.maximumf %add3A_33, %max3A_35 : vector<2000x256xf32>
    %get3A_37 = arith.constant 0 : index
    %get3A_38 = arith.constant 0 : index
    %get3A_39 = vector.load %arg6[%get3A_37, %get3A_38] : memref<256x64xf32, #tpu.memory_space<vmem>>, vector<256x64xf32>
    %dot_general3A_40 = arith.constant dense<0.000000e+00> : vector<2000x64xf32>
    %dot_general3A_41 = tpu.matmul %max3A_36, %get3A_39, %dot_general3A_40 {dimension_numbers = #tpu.dot_dimension_numbers<[1], [0], [0], [1], [0, 0, 1, 1], [], []>, transpose_lhs_hint = false} : vector<2000x256xf32>, vector<256x64xf32>, vector<2000x64xf32> -> vector<2000x64xf32>
    %swap3A = arith.constant 0 : index
    %swap3A_42 = arith.constant 0 : index
    %swap3A_43 = vector.load %arg8[%swap3A, %swap3A_42] : memref<2000x64xf32, #tpu.memory_space<vmem>>, vector<2000x64xf32>
    tpu.vector_store %arg8[%swap3A, %swap3A_42], %dot_general3A_41 {strides = array<i32>} : memref<2000x64xf32, #tpu.memory_space<vmem>>, vector<2000x64xf32>,
    %get3A_44 = arith.constant 0 : index
    %get3A_45 = arith.constant 0 : index
    %get3A_46 = vector.load %arg7[%get3A_44, %get3A_45] : memref<256x64xf32, #tpu.memory_space<vmem>>, vector<256x64xf32>
    %dot_general3A_47 = arith.constant dense<0.000000e+00> : vector<2000x64xf32>
    %dot_general3A_48 = tpu.matmul %max3A_36, %get3A_46, %dot_general3A_47 {dimension_numbers = #tpu.dot_dimension_numbers<[1], [0], [0], [1], [0, 0, 1, 1], [], []>, transpose_lhs_hint = false} : vector<2000x256xf32>, vector<256x64xf32>, vector<2000x64xf32> -> vector<2000x64xf32>
    %swap3A_49 = arith.constant 0 : index
    %swap3A_50 = arith.constant 0 : index
    %swap3A_51 = vector.load %arg9[%swap3A_49, %swap3A_50] : memref<2000x64xf32, #tpu.memory_space<vmem>>, vector<2000x64xf32>
    tpu.vector_store %arg9[%swap3A_49, %swap3A_50], %dot_general3A_48 {strides = array<i32>} : memref<2000x64xf32, #tpu.memory_space<vmem>>, vector<2000x64xf32>,
    %broadcast_in_dim3A_52 = vector.shape_cast %div3A_14 : vector<2000x1xf32> to vector<2000x1xf32>
    %broadcast_in_dim3A_53 = vector.broadcast %broadcast_in_dim3A_52 : vector<2000x1xf32> to vector<2000x64xf32>
    %swap3A_54 = arith.constant 0 : index
    %swap3A_55 = arith.constant 0 : index
    %swap3A_56 = vector.load %arg10[%swap3A_54, %swap3A_55] : memref<2000x64xf32, #tpu.memory_space<vmem>>, vector<2000x64xf32>
    tpu.vector_store %arg10[%swap3A_54, %swap3A_55], %broadcast_in_dim3A_53 {strides = array<i32>} : memref<2000x64xf32, #tpu.memory_space<vmem>>, vector<2000x64xf32>,
    return
  }
  func.func @transform_0(%arg0: i32) -> (i32, i32) {
    %c0_i32 = arith.constant 0 : i32
    %c0_i32_0 = arith.constant 0 : i32
    return %arg0, %c0_i32 : i32, i32
  }
  func.func @transform_1(%arg0: i32) -> (i32, i32, i32) {
    %c0_i32 = arith.constant 0 : i32
    %c0_i32_0 = arith.constant 0 : i32
    %c0_i32_1 = arith.constant 0 : i32
    return %c0_i32, %arg0, %c0_i32_0 : i32, i32, i32
  }
  func.func @transform_2(%arg0: i32) -> (i32, i32) {
    %c0_i32 = arith.constant 0 : i32
    %c0_i32_0 = arith.constant 0 : i32
    %c0_i32_1 = arith.constant 0 : i32
    return %c0_i32, %c0_i32_0 : i32, i32
  }
  func.func @transform_3(%arg0: i32) -> (i32, i32) {
    %c0_i32 = arith.constant 0 : i32
    %c0_i32_0 = arith.constant 0 : i32
    %c0_i32_1 = arith.constant 0 : i32
    return %c0_i32, %c0_i32_0 : i32, i32
  }
  func.func @transform_4(%arg0: i32) -> (i32, i32) {
    %c0_i32 = arith.constant 0 : i32
    %c0_i32_0 = arith.constant 0 : i32
    %c0_i32_1 = arith.constant 0 : i32
    return %c0_i32, %c0_i32_0 : i32, i32
  }
  func.func @transform_5(%arg0: i32) -> (i32, i32) {
    %c0_i32 = arith.constant 0 : i32
    %c0_i32_0 = arith.constant 0 : i32
    %c0_i32_1 = arith.constant 0 : i32
    return %c0_i32, %c0_i32_0 : i32, i32
  }
  func.func @transform_6(%arg0: i32) -> (i32, i32) {
    %c0_i32 = arith.constant 0 : i32
    %c0_i32_0 = arith.constant 0 : i32
    %c0_i32_1 = arith.constant 0 : i32
    return %c0_i32, %c0_i32_0 : i32, i32
  }
  func.func @transform_7(%arg0: i32) -> (i32, i32) {
    %c0_i32 = arith.constant 0 : i32
    %c0_i32_0 = arith.constant 0 : i32
    return %arg0, %c0_i32 : i32, i32
  }
  func.func @transform_8(%arg0: i32) -> (i32, i32) {
    %c0_i32 = arith.constant 0 : i32
    %c0_i32_0 = arith.constant 0 : i32
    return %arg0, %c0_i32 : i32, i32
  }
  func.func @transform_9(%arg0: i32) -> (i32, i32) {
    %c0_i32 = arith.constant 0 : i32
    %c0_i32_0 = arith.constant 0 : i32
    return %arg0, %c0_i32 : i32, i32
  }
}

module attributes {stable_mosaic.version = 14 : i64} {
  func.func @_tc2_body(%arg0: i32, %arg1: memref<2000x64xf32, #tpu.memory_space<vmem>>, %arg2: memref<2x2000x64xf32, #tpu.memory_space<vmem>>, %arg3: memref<2000x64xf32, #tpu.memory_space<vmem>>, %arg4: memref<1x64xf32, #tpu.memory_space<vmem>>, %arg5: memref<2000x64xf32, #tpu.memory_space<vmem>>) attributes {dimension_semantics = [#tpu.dimension_semantics<arbitrary>], iteration_bounds = array<i64: 5>, scalar_prefetch = 0 : i64, scratch_operands = 0 : i64, tpu.core_type = #tpu.core_type<tc>, window_params = [{transform_indices = @transform_0, window_bounds = array<i64: 2000, 64>}, {transform_indices = @transform_1, window_bounds = array<i64: 2, 2000, 64>}, {transform_indices = @transform_2, window_bounds = array<i64: 2000, 64>}, {pipeline_mode = #tpu.pipeline_mode<synchronous>, transform_indices = @transform_3, window_bounds = array<i64: 1, 64>}, {transform_indices = @transform_4, window_bounds = array<i64: 2000, 64>}]} {
    %get3A = arith.constant 0 : index
    %get3A_0 = arith.constant 0 : index
    %get3A_1 = arith.constant 0 : index
    %get3A_2 = vector.load %arg2[%get3A, %get3A_0, %get3A_1] : memref<2x2000x64xf32, #tpu.memory_space<vmem>>, vector<1x2000x64xf32>
    %get3A_3 = vector.shape_cast %get3A_2 : vector<1x2000x64xf32> to vector<2000x64xf32>
    %get3A_4 = arith.constant 1 : index
    %get3A_5 = arith.constant 0 : index
    %get3A_6 = arith.constant 0 : index
    %get3A_7 = vector.load %arg2[%get3A_4, %get3A_5, %get3A_6] : memref<2x2000x64xf32, #tpu.memory_space<vmem>>, vector<1x2000x64xf32>
    %get3A_8 = vector.shape_cast %get3A_7 : vector<1x2000x64xf32> to vector<2000x64xf32>
    %add3A = arith.addf %get3A_3, %get3A_8 : vector<2000x64xf32>
    %get3A_9 = arith.constant 0 : index
    %get3A_10 = arith.constant 0 : index
    %get3A_11 = vector.load %arg1[%get3A_9, %get3A_10] : memref<2000x64xf32, #tpu.memory_space<vmem>>, vector<2000x64xf32>
    %get3A_12 = arith.constant 0 : index
    %get3A_13 = arith.constant 0 : index
    %get3A_14 = vector.load %arg3[%get3A_12, %get3A_13] : memref<2000x64xf32, #tpu.memory_space<vmem>>, vector<2000x64xf32>
    %mul3A = arith.mulf %add3A, %get3A_14 : vector<2000x64xf32>
    %add3A_15 = arith.addf %get3A_11, %mul3A : vector<2000x64xf32>
    %get3A_16 = arith.constant 0 : index
    %get3A_17 = arith.constant 0 : index
    %get3A_18 = vector.load %arg4[%get3A_16, %get3A_17] : memref<1x64xf32, #tpu.memory_space<vmem>>, vector<1x64xf32>
    %add3A_19 = vector.broadcast %get3A_18 : vector<1x64xf32> to vector<2000x64xf32>
    %add3A_20 = arith.addf %add3A_15, %add3A_19 : vector<2000x64xf32>
    %reduce_max3A = arith.constant dense<0xFF800000> : vector<2000xf32>
    %reduce_max3A_21 = vector.multi_reduction <maximumf>, %add3A_20, %reduce_max3A [1] : vector<2000x64xf32> to vector<2000xf32>
    %broadcast_in_dim3A = vector.shape_cast %reduce_max3A_21 : vector<2000xf32> to vector<2000x1xf32>
    %sub3A = vector.broadcast %broadcast_in_dim3A : vector<2000x1xf32> to vector<2000x64xf32>
    %sub3A_22 = arith.subf %add3A_20, %sub3A : vector<2000x64xf32>
    %exp3A = math.exp %sub3A_22 : vector<2000x64xf32>
    %reduce_sum3A = arith.constant dense<0.000000e+00> : vector<2000xf32>
    %reduce_sum3A_23 = vector.multi_reduction <add>, %exp3A, %reduce_sum3A [1] : vector<2000x64xf32> to vector<2000xf32>
    %broadcast_in_dim3A_24 = vector.shape_cast %reduce_sum3A_23 : vector<2000xf32> to vector<2000x1xf32>
    %log3A = math.log %broadcast_in_dim3A_24 : vector<2000x1xf32>
    %add3A_25 = arith.addf %log3A, %broadcast_in_dim3A : vector<2000x1xf32>
    %sub3A_26 = vector.broadcast %add3A_25 : vector<2000x1xf32> to vector<2000x64xf32>
    %sub3A_27 = arith.subf %add3A_20, %sub3A_26 : vector<2000x64xf32>
    %swap3A = arith.constant 0 : index
    %swap3A_28 = arith.constant 0 : index
    %swap3A_29 = vector.load %arg5[%swap3A, %swap3A_28] : memref<2000x64xf32, #tpu.memory_space<vmem>>, vector<2000x64xf32>
    tpu.vector_store %arg5[%swap3A, %swap3A_28], %sub3A_27 {strides = array<i32>} : memref<2000x64xf32, #tpu.memory_space<vmem>>, vector<2000x64xf32>,
    return
  }
  func.func @transform_0(%arg0: i32) -> (i32, i32) {
    %c0_i32 = arith.constant 0 : i32
    %c0_i32_0 = arith.constant 0 : i32
    return %arg0, %c0_i32 : i32, i32
  }
  func.func @transform_1(%arg0: i32) -> (i32, i32, i32) {
    %c0_i32 = arith.constant 0 : i32
    %c0_i32_0 = arith.constant 0 : i32
    %c0_i32_1 = arith.constant 0 : i32
    return %c0_i32, %arg0, %c0_i32_0 : i32, i32, i32
  }
  func.func @transform_2(%arg0: i32) -> (i32, i32) {
    %c0_i32 = arith.constant 0 : i32
    %c0_i32_0 = arith.constant 0 : i32
    return %arg0, %c0_i32 : i32, i32
  }
  func.func @transform_3(%arg0: i32) -> (i32, i32) {
    %c0_i32 = arith.constant 0 : i32
    %c0_i32_0 = arith.constant 0 : i32
    %c0_i32_1 = arith.constant 0 : i32
    return %c0_i32, %c0_i32_0 : i32, i32
  }
  func.func @transform_4(%arg0: i32) -> (i32, i32) {
    %c0_i32 = arith.constant 0 : i32
    %c0_i32_0 = arith.constant 0 : i32
    return %arg0, %c0_i32 : i32, i32
  }
}

</mosaic_0001>

<sc_bundles>
// kernel: kernel.6.cloned.1.call-start
scs
__scs_entry_jumppad:
0x0: {  	(pc) =	sbr.rel $0x88, $3  }
0x1: {  	(tag) =	ssettag $0x0;
	lr =	simm.s32 $0x1  }
0x2: {  	[smem:$0x3F99] =	sst lr;
	_ =	strace $0xD0000000  }
0x3: {  	_ = 	snop  }
0x4: {  	_ = 	snop  }
0x5: {  	_ = 	snop  }
0x6: {  	_ = 	snop  }
0x7: {  	_ = 	snop  }
__scs_overlays_trampoline_lowered:
0x8: {  	[smem:$0x3FA8] =	sst s0  }
0x9: {  	[smem:$0x3FA9] =	sst s1  }
0xa: {  	[smem:$0x3FAA] =	sst s2  }
0xb: {  	[smem:$0x3FAB] =	sst s3  }
0xc: {  	[smem:$0x3FAC] =	sst s4  }
0xd: {  	[smem:$0x3FAD] =	sst s5  }
0xe: {  	[smem:$0x3FAE] =	sst s6  }
0xf: {  	[smem:$0x3FAF] =	sst s7  }
0x10: {  	[smem:$0x3FB0] =	sst s8  }
0x11: {  	[smem:$0x3FB1] =	sst s9;
	s0 =	simm.s32 @!p0 $0x0  }
0x12: {  	s1 =	sld [smem:$0x3F97];
	s0 =	simm.s32 @p0 $0x1  }
0x13: {  	[smem:$0x3FB2] =	sst s0;
	s0 =	simm.s32 @!p1 $0x0  }
0x14: {  	s2 =	sld [smem:$0x3F96];
	s0 =	simm.s32 @p1 $0x1  }
0x15: {  	[smem:$0x3FB3] =	sst s0;
	s0 =	simm.s32 @!p2 $0x0  }
0x16: {  	s3 =	sld [smem:$0x3FDB];
	s0 =	simm.s32 @p2 $0x1  }
0x17: {  	s4 =	simm.s32 $0x1BF5;
	[smem:$0x3FB5] =	sst s0  }
0x18: {  	s0 =	sld [smem:$0x3F98];
	_ =	swait.ge [sflag:s4], $0x0  }
0x19: {  	s7 =	sld [smem:$0x3F99]  }
0x1a: {  	s8 =	sadd.s32 $0xFFFFE003, lr  }
0x1b: {  	s9 =	sadd.s32 $0xFFFFFEF7, lr;
	s5 =	simm.s32 $0xFFFFFFFF;
	p2 =	slt.u32 s8, $0xFFFFF086  }
0x1c: {  	p1 =	slt.u32 s9, $0xF7A;
	s5 =	simm.s32 @!p2 $0x0  }
0x1d: {  	s5 =	simm.s32 @p1 $0x1;
	p0 =	seq.s32 s7, s2  }
0x1e: {  	s7 =	smul.u32 @!p0 $0xF7A, s2;
	p2 =	seq.s32 @!p0 s5, $0x0  }
0x1f: {  	s9 =	smul.u32 $0xF7A, s1;
	s8 =	simm.s32 @!p0 $0x1BF5;
	p2 =	por !p2, p0  }
0x20: {  	[sflag:s8] =	ssyncset.s32 @!p0 $0xFFFFF086;
	s6 =	sadd.s32 @!p0 s3, s7;
	s7 =	simm.s32 @!p0 $0x108  }
0x21: {  	s3 =	sadd.s32 s3, s9;
	s6 =	sadd.s32 @!p0 $0x88, s6;
	s7 =	simm.s32 @p2 $0x1082  }
0x22: {  	[simem:s7], [sflag:s8] =	dma.local @!p0 [hbm:s6], $0xF7A  }
0x23: {  	s9 =	sor.u32 $0xD0000000, s2;
	s6 =	simm.s32 $0x108;
	_ =	swait.ge @!p0 [sflag:s8], $0x0  }
0x24: {  	s3 =	sadd.s32 $0x88, s3;
	s6 =	simm.s32 @!p1 $0x1082;
	[sflag:s4] =	ssyncset.s32 $0xFFFFF086  }
0x25: {  	[simem:s6], [sflag:s4] =	dma.local [hbm:s3], $0xF7A  }
0x26: {  	[smem:$0x3F99] =	sst s1;
	(tag) =	ssettag s2;
	_ =	strace s9  }
0x27: {  	s1 =	sld [smem:$0x3FA9]  }
0x28: {  	s2 =	sld [smem:$0x3FAA]  }
0x29: {  	s4 =	sld [smem:$0x3FAC]  }
0x2a: {  	p0 =	seq.s32 s5, $0x0;
	s5 =	sld [smem:$0x3FAD]  }
0x2b: {  	s6 =	sld [smem:$0x3FAE]  }
0x2c: {  	s7 =	sld [smem:$0x3FAF]  }
0x2d: {  	s3 =	simm.s32 $0x108;
	s8 =	sld [smem:$0x3FB0]  }
0x2e: {  	s3 =	simm.s32 @!p0 $0x1082;
	s9 =	sld [smem:$0x3FB1]  }
0x2f: {  	lr =	sadd.s32 s0, s3;
	s0 =	sld [smem:$0x3FA8]  }
0x30: {  	s3 =	sld [smem:$0x3FAB]  }
0x31: {  	[smem:$0x3FB4] =	sst s10  }
0x32: {  	s10 =	sld [smem:$0x3FB2];
	_ =	sdelay $0x3  }
0x33: {  	p0 =	seq.s32 s10, $0x1;
	s10 =	sld [smem:$0x3FB4];
	_ =	sdelay $0x3  }
0x34: {  	[smem:$0x3FB4] =	sst s10  }
0x35: {  	s10 =	sld [smem:$0x3FB3];
	_ =	sdelay $0x3  }
0x36: {  	p1 =	seq.s32 s10, $0x1;
	s10 =	sld [smem:$0x3FB4];
	_ =	sdelay $0x3  }
0x37: {  	[smem:$0x3FB4] =	sst s10  }
0x38: {  	s10 =	sld [smem:$0x3FB5]  }
0x39: {  	_ = 	snop;
	(pc) =	sbr.ind lr, $3  }
0x3a: {  	_ = 	snop  }
0x3b: {  	_ = 	snop  }
0x3c: {  	p2 =	seq.s32 s10, $0x1;
	s10 =	sld [smem:$0x3FB4]  }
0x3d: {  	_ =	shalt  }
0x3e: {  	_ =	shalt  }
0x3f: {  	_ =	shalt  }
0x40: {  	_ =	shalt  }
0x41: {  	_ =	shalt  }
0x42: {  	_ =	shalt  }
0x43: {  	_ =	shalt  }
0x44: {  	_ =	shalt  }
0x45: {  	_ =	shalt  }
0x46: {  	_ =	shalt  }
0x47: {  	_ =	shalt  }
0x48: {  	_ =	shalt  }
0x49: {  	_ =	shalt  }
0x4a: {  	_ =	shalt  }
0x4b: {  	_ =	shalt  }
0x4c: {  	_ =	shalt  }
0x4d: {  	_ =	shalt  }
0x4e: {  	_ =	shalt  }
0x4f: {  	_ =	shalt  }
0x50: {  	_ =	shalt  }
0x51: {  	_ =	shalt  }
0x52: {  	_ =	shalt  }
0x53: {  	_ =	shalt  }
0x54: {  	_ =	shalt  }
0x55: {  	_ =	shalt  }
0x56: {  	_ =	shalt  }
0x57: {  	_ =	shalt  }
0x58: {  	_ =	shalt  }
0x59: {  	_ =	shalt  }
0x5a: {  	_ =	shalt  }
0x5b: {  	_ =	shalt  }
0x5c: {  	_ =	shalt  }
0x5d: {  	_ =	shalt  }
0x5e: {  	_ =	shalt  }
0x5f: {  	_ =	shalt  }
0x60: {  	_ =	shalt  }
0x61: {  	_ =	shalt  }
0x62: {  	_ =	shalt  }
0x63: {  	_ =	shalt  }
0x64: {  	_ =	shalt  }
0x65: {  	_ =	shalt  }
0x66: {  	_ =	shalt  }
0x67: {  	_ =	shalt  }
0x68: {  	_ =	shalt  }
0x69: {  	_ =	shalt  }
0x6a: {  	_ =	shalt  }
0x6b: {  	_ =	shalt  }
0x6c: {  	_ =	shalt  }
0x6d: {  	_ =	shalt  }
0x6e: {  	_ =	shalt  }
0x6f: {  	_ =	shalt  }
0x70: {  	_ =	shalt  }
0x71: {  	_ =	shalt  }
0x72: {  	_ =	shalt  }
0x73: {  	_ =	shalt  }
0x74: {  	_ =	shalt  }
0x75: {  	_ =	shalt  }
0x76: {  	_ =	shalt  }
0x77: {  	_ =	shalt  }
0x78: {  	_ =	shalt  }
0x79: {  	_ =	shalt  }
0x7a: {  	_ =	shalt  }
0x7b: {  	_ =	shalt  }
0x7c: {  	_ =	shalt  }
0x7d: {  	_ =	shalt  }
0x7e: {  	_ =	shalt  }
0x7f: {  	_ =	shalt  }
0x80: {  	_ =	shalt  }
0x81: {  	_ =	shalt  }
0x82: {  	_ =	shalt  }
0x83: {  	_ =	shalt  }
0x84: {  	_ =	shalt  }
0x85: {  	_ =	shalt  }
0x86: {  	_ =	shalt  }
0x87: {  	_ =	shalt  }
.Lfunc_end0:
.L_simem_size_0:
called_computation_lowered:
.L_overlay_start_0:
0x88: {  	s2 =	sld [smem:$0x3FD9]  }
0x89: {  	s3 =	sld [smem:$0x3FFE];
	_ =	sdelay $0x1  }
0x8a: {  	s1 =	srdreg.scid  }
0x8b: {  	s0 =	sand.u32 $0x1, s1  }
0x8c: {  	s17 =	sshll.u32 s0, $0xA;
	s2 =	sadd.s32 s3, s2  }
0x8d: {  	s2 =	sadd.s32 s2, s17  }
0x8e: {  	[smem:$0x3FC0] =	sst s2  }
0x8f: {  	_ = 	snop  }
0x90: {  	s2 =	sld [smem:$0x3FD0];
	(tm) =	ssettm $0x1  }
0x91: {  	s18 =	sld [smem:$0x3FFB];
	_ =	sdelay $0x3  }
0x92: {  	_ =	strace s18  }
0x93: {  	s3 =	sld [smem:$0x3FFC];
	_ =	sdelay $0x3  }
0x94: {  	_ =	strace s3  }
0x95: {  	s3 =	sld [smem:$0x3FFD];
	_ =	sdelay $0x3  }
0x96: {  	_ =	strace s3  }
0x97: {  	_ =	strace $0x8FFFFFFF  }
0x98: {  	s19 =	sld [smem:$0x3FDB];
	_ =	sdelay $0x1  }
0x99: {  	s4 =	simm.s32 $_scs_section_size  }
0x9a: {  	s5 =	simm.s32 $_size__tile_overlayer_lowered;
	s6 =	simm.s32 $_tile_overlayer_lowered  }
0x9b: {  	s22 =	simm.s32 $0x1BFF;
	s21 =	sshll.u32 s6, $0x1;
	s3 =	sadd.s32 s4, s19  }
0x9c: {  	s7 =	simm.s32 $0x0;
	s20 =	sshll.u32 s5, $0x1;
	s5 =	sadd.s32 s21, s3  }
0x9d: {  	[timem:s7], [sflag:s22] =	dma.local [hbm:s5], s20  }
0x9e: {  	_ =	swait.ge [sflag:s22], s20  }
0x9f: {  	s4 =	ssub.s32 $0x0, s20;
	[sflag:s22] =	ssyncset.done $0x0  }
0xa0: {  	[sflag:s22] =	ssyncadd.s32 s4;
	_ =	sdelay $0x1  }
0xa1: {  	s23 =	simm.s32 $0x1B8B  }
0xa2: {  	_ =	swait.ge [sflag:s23], $0x1  }
0xa3: {  	[sflag:s23] =	ssyncset.done $0x0  }
0xa4: {  	s25 =	simm.s32 $0x1B8E;
	s24 =	sld [smem:$0x3FFE];
	[sflag:s23] =	ssyncadd.s32 $0xFFFFFFFF  }
0xa5: {  	s26 =	simm.s32 $execute0_lowered;
	[smem:$0x3FD2] =	sst s25  }
0xa6: {  	s5 =	sshll.u32 s26, $0x1;
	_ =	strace $0x80000046;
	[dreg:$0x1] =	wrdreg $0xFFFFFFFF  }
0xa7: {  	s28 =	simm.s32 $_size_execute0_lowered;
	s3 =	sadd.s32 s3, s5;
	[dreg:$0x0] =	wrdreg $0x0  }
0xa8: {  	s5 =	sshll.u32 s28, $0x1;
	[dreg:$0x2] =	wrdreg s3  }
0xa9: {  	[dreg:$0x3] =	wrdreg s5  }
0xaa: {  	[dreg:$0x4] =	wrdreg $0xC0  }
0xab: {  	_ =	task [dreg:s7], $0x5FFFF  }
0xac: {  	[dreg:$0x1] =	wrdreg $0xFFFFFFFF  }
0xad: {  	[dreg:$0x0] =	wrdreg $0x60  }
0xae: {  	[dreg:$0x2] =	wrdreg s24  }
0xaf: {  	[dreg:$0x3] =	wrdreg s2  }
0xb0: {  	[dreg:$0x4] =	wrdreg $0x94000  }
0xb1: {  	[dreg:$0x5] =	wrdreg $0x9  }
0xb2: {  	_ =	task.clear_ibuf [dreg:s7], $0x6FFFF;
	_ =	strace $0x90000046  }
0xb3: {  	s29 =	simm.s32 $0x9;
	_ =	strace $0x80000048  }
0xb4: {  	_ =	swait.ge [sflag:s29], $0x1  }
0xb5: {  	[sflag:s29] =	ssyncadd.s32 $0xFFFFFFFF  }
0xb6: {  	_ =	strace $0x90000048  }
0xb7: {  	_ =	sfence  }
0xb8: {  	s30 =	sld [smem:$0x0];
	_ =	sdelay $0x2  }
0xb9: {  	s31 =	sshll.u32 s1, $0xD;
	s1 =	sshrl.u32 s1, $0x2  }
0xba: {  	s3 =	sand.u32 $0x4000, s31;
	s1 =	sadd.s32 s1, s30  }
0xbb: {  	s0 =	sor.u32 s3, s0;
	s1 =	sshll.u32 s1, $0x11  }
0xbc: {  	s0 =	sor.u32 s1, s0  }
0xbd: {  	s0 =	sadd.s32 $0x8F2B, s0  }
0xbe: {  	[sflag:s0] =	ssyncadd.remote.s32 $0x1  }
0xbf: {  	_ =	sfence.sel $0xFFFF  }
0xc0: {  	[dreg:$0x0] =	wrdreg $0xFFFFFFFF;
	(pc) =	sbr.abs _section_cstart, $3  }
0xc1: {  	[dreg:$0x1] =	wrdreg $0xFFFFFFFF  }
0xc2: {  	_ =	task.clear_ibuf [dreg:s7], $0x2FFFF;
	_ =	strace $0x9FFFFFFF  }
0xc3: {  	(tm) =	ssettm $0x7FFFFFFF  }
tec
execute0_lowered:
.L_overlay_start_1:
0x0: {  	(tag) =	ssettag $0x1  }
0x1: {  	s0 =	rddreg [dreg:$0x0]  }
0x2: {  	s1 =	rddreg [dreg:$0x1]  }
0x3: {  	s3 =	srdreg.scid;
	s13 =	stileid.u32  }
0x4: {  	s2 =	rddreg [dreg:$0x2];
	s28 =	simm.s32 $0x80;
	s9 =	smul.u32 $0x57C00, s13  }
0x5: {  	s30 =	simm.s32 $0x400;
	s31 =	simm.s32 $0x7;
	s26 =	smul.u32 $0x15F00, s13  }
0x6: {  	s29 =	simm.s32 $0x2;
	s6 =	sand.u32 $0x1, s3;
	s16 =	smul.u32 $0x4E20, s13  }
0x7: {  	s4 =	sshll.u32 s13, $0x1;
	s3 =	simm.s32 $0x0;
	s11 =	smul.u32 $0x15F900, s6  }
0x8: {  	s4 =	sor.u32 s6, s4;
	s7 =	ssub.s32 $0x2, s6;
	s6 =	smul.u32 $0x2710, s6  }
0x9: {  	p0 =	sne.s32 s13, $0xF;
	[smem:$0x7FF] =	sst s3;
	s5 =	smul.u32 $0x2710, s4  }
0xa: {  	_ =	strace $0x80000047;
	s4 =	sadd.s32 $0x1800, s0;
	s0 =	sadd.s32 $0x2D800, s0  }
0xb: {  	s8 =	sshrl.u32 s7, $0x1;
	s14 =	sshrl.u32 s9, $0x2;
	s9 =	sadd.s32 s26, s2  }
0xc: {  	s7 =	ssub.s32 s7, s8;
	s8 =	sadd.s32 s26, s11;
	s6 =	sadd.s32 s6, s16  }
0xd: {  	s20 =	sshrl.u32 s11, $0x3;
	s5 =	sshrl.u32 s5, $0x3;
	s8 =	sshrl.u32 s8, $0x3  }
0xe: {  	s21 =	sadd.s32 $0x200, s6;
	s23 =	sadd.s32 $0x4E400, s6;
	s26 =	smax.u32 s7, $0x1  }
0xf: {  	s24 =	sadd.s32 $0x180, s6;
	s8 =	sadd.s32 s0, s8;
	[dreg:$0x12] =	wrdreg s26  }
0x10: {  	s6 =	sadd.s32 $0x4E380, s6;
	s5 =	sadd.s32 s1, s5;
	[dreg:$0xf] =	wrdreg s8  }
0x11: {  	s7 =	simm.s32 $0x4;
	s25 =	sadd.s32 $0x9C40, s5;
	[dreg:$0x4] =	wrdreg s5  }
0x12: {  	s0 =	sadd.s32 s0, s20;
	s10 =	sadd.s32 $0x10, s5;
	[dreg:$0x5] =	wrdreg s25  }
0x13: {  	s22 =	sshrl.u32 s21, $0x3;
	s12 =	sadd.s32 $0x9C50, s5;
	[dreg:$0x6] =	wrdreg s10  }
0x14: {  	s6 =	sshrl.u32 s6, $0x3;
	s17 =	sadd.s32 $0x20, s5;
	[dreg:$0x7] =	wrdreg s12  }
0x15: {  	s26 =	simm.s32 $0x200;
	s18 =	sadd.s32 $0x9C60, s5;
	[dreg:$0xc] =	wrdreg s17  }
0x16: {  	s19 =	sadd.s32 $0x4E0, s5;
	s8 =	sshrl.u32 s23, $0x3;
	[dreg:$0xd] =	wrdreg s18  }
0x17: {  	s0 =	sadd.s32 $0x2BE00, s0;
	s10 =	sadd.s32 s14, s2;
	[dreg:$0xe] =	wrdreg s19  }
0x18: {  	s19 =	sadd.s32 s22, s1;
	s25 =	sadd.s32 $0xA120, s5;
	[dreg:$0x11] =	wrdreg s0  }
0x19: {  	s20 =	sadd.s32 s8, s1;
	s12 =	sadd.s32 $0x4800, s10;
	[dreg:$0x10] =	wrdreg s25  }
0x1a: {  	s22 =	sadd.s32 s6, s1;
	s15 =	sadd.s32 $0x9000, s10;
	[dreg:$0x8] =	wrdreg s12  }
.Ltmp0:
0x1b: {  	s14 =	sadd.s32 $0xD800, s10;
	[dreg:$0x9] =	wrdreg s15;
	(pc) =	sbr.rel .LBB2_1-.Ltmp0, $4  }
0x1c: {  	s0 =	simm.s32 $0x3;
	s10 =	sadd.s32 $0x12000, s10;
	[dreg:$0xa] =	wrdreg s14  }
0x1d: {  	s6 =	simm.s32 $0x4C00;
	s8 =	simm.s32 $0x5;
	[dreg:$0xb] =	wrdreg s10  }
0x1e: {  	s14 =	sadd.s32 $0x15F000, s2;
	s10 =	sshrl.u32 s24, $0x3;
	s12 =	simm.s32 $0x0  }
0x1f: {  	v0 =	vimm.f32 $0.0e+00;
	s21 =	sadd.s32 s10, s1;
	s1 =	simm.s32 $0x1;
	s10 =	simm.s32 $0x6  }
.LBB2_8:
0x20: {  	[tilespmem:s6], [sflag:$0x4] =	stream.indirect.gather [hbm4b:s4+s28], $0x90, s25, s28, $0xb8;
	[tilespmem:$0x1F390] =	vst v63  }
0x21: {  	_ =	swait.ge [sflag:s7], $0x4800  }
0x22: {  	[sflag:s7] =	ssyncset.done $0x0  }
0x23: {  	[sflag:s7] =	ssyncadd.s32 $0xFFFFB800  }
0x24: {  	[spmem:s2] =	stream.indirect.scatter.add.f32 [tilespmem:s6], [sflag:$0x6], $0x90, s24, s28, $0xb8;
	[tilespmem:$0x1F390] =	vst v63  }
0x25: {  	_ =	swait.ge [sflag:s8], $0x4800  }
0x26: {  	[sflag:s8] =	ssyncset.done $0x0  }
0x27: {  	[sflag:s8] =	ssyncadd.s32 $0xFFFFB800  }
.LBB2_6:
0x28: {  	s5 =	rddreg [dreg:$0xe]  }
0x29: {  	[tilespmem:s3], [sflag:$0x1] =	stream.linear.gather [hbm4b:s5+s3], $0x10, $0x38;
	[tilespmem:$0x1F390] =	vst v63  }
0x2a: {  	s18 =	rddreg [dreg:$0x10]  }
0x2b: {  	[tilespmem:s26], [sflag:$0x1] =	stream.linear.gather [hbm4b:s18+s3], $0x10, $0x38;
	[tilespmem:$0x1F390] =	vst v63  }
0x2c: {  	_ =	swait.ge [sflag:s10], $0x4800  }
0x2d: {  	[sflag:s10] =	ssyncset.done $0x0  }
0x2e: {  	[sflag:s10] =	ssyncadd.s32 $0xFFFFB800  }
0x2f: {  	_ =	swait.ge [sflag:s1], $0x10  }
0x30: {  	[sflag:s1] =	ssyncset.done $0x0  }
0x31: {  	[sflag:s1] =	ssyncadd.s32 $0xFFFFFFF0  }
0x32: {  	_ =	swait.ge [sflag:s1], $0x10  }
0x33: {  	[sflag:s1] =	ssyncset.done $0x0  }
0x34: {  	s23 =	simm.s32 $0x10;
	[sflag:s1] =	ssyncadd.s32 $0xFFFFFFF0  }
0x35: {  	[tilespmem:s30], [sflag:$0x3] =	stream.indirect.gather [hbm4b:s4+s23], $0x90, s3, s23, $0xb8;
	[tilespmem:$0x1F390] =	vst v63  }
0x36: {  	_ =	swait.ge [sflag:s0], $0x900  }
0x37: {  	[sflag:s0] =	ssyncset.done $0x0  }
0x38: {  	[sflag:s0] =	ssyncadd.s32 $0xFFFFF700  }
0x39: {  	[spmem:s2] =	stream.indirect.scatter.add.f32 [tilespmem:s30], [sflag:$0x5], $0x90, s26, s23, $0xb8;
	[tilespmem:$0x1F390] =	vst v63  }
0x3a: {  	_ =	swait.ge [sflag:s8], $0x900  }
0x3b: {  	[sflag:s8] =	ssyncset.done $0x0  }
0x3c: {  	s24 =	stileid.u32;
	[sflag:s8] =	ssyncadd.s32 $0xFFFFF700  }
0x3d: {  	s5 =	sshll.u32 s24, $0x6;
	[bflag:$0x0] =	sbarrier.arrive $0xFFFF  }
0x3e: {  	s11 =	sshrl.u32 s9, $0x3;
	s5 =	sor.u32 $0x1C07, s5;
	s13 =	rddreg [dreg:$0xf]  }
0x3f: {  	[hbm:s13], [sflag:s5] =	dma.local [spmem:s11], $0x2BE0  }
0x40: {  	_ =	swait.ge [sflag:s31], $0x2BE0  }
0x41: {  	[sflag:s31] =	ssyncset.done $0x0  }
0x42: {  	s11 =	sshrl.u32 @!p0 s14, $0x3;
	s13 =	rddreg [dreg:$0x11];
	[sflag:s31] =	ssyncadd.s32 $0xFFFFD420  }
0x43: {  	[hbm:s13], [sflag:s5] =	dma.local @!p0 [spmem:s11], $0x120  }
0x44: {  	s5 =	simm.s32 @!p0 $0x7  }
0x45: {  	_ =	swait.ge @!p0 [sflag:s5], $0x120  }
0x46: {  	s12 =	sadd.s32 $0x1, s12;
	s25 =	rddreg [dreg:$0x12]  }
0x47: {  	p1 =	sne.s32 s12, s25  }
.Ltmp1:
0x48: {  	_ = 	snop;
	(pc) =	sbr.rel @!p1 .LBB2_7-.Ltmp1, $3  }
0x49: {  	_ =	sdelay $0x1  }
0x4a: {  	[sflag:s5] =	ssyncset.done @!p0 $0x0  }
0x4b: {  	[sflag:s5] =	ssyncadd.s32 @!p0 $0xFFFFFEE0  }
.LBB2_1:
0x4c: {  	s5 =	rddreg [dreg:$0x4]  }
0x4d: {  	s23 =	rddreg [dreg:$0x5]  }
0x4e: {  	[tilespmem:s3], [sflag:$0x1] =	stream.linear.gather [hbm4b:s5+s3], $0x80, $0x38;
	[tilespmem:$0x1F390] =	vst v63  }
0x4f: {  	s24 =	rddreg [dreg:$0x6]  }
0x50: {  	[tilespmem:s26], [sflag:$0x1] =	stream.linear.gather [hbm4b:s23+s3], $0x80, $0x38;
	[tilespmem:$0x1F390] =	vst v63  }
0x51: {  	s25 =	rddreg [dreg:$0x7]  }
0x52: {  	[tilespmem:s28], [sflag:$0x2] =	stream.linear.gather [hbm4b:s24+s3], $0x80, $0x38;
	[tilespmem:$0x1F390] =	vst v63  }
0x53: {  	s11 =	simm.s32 $0x280;
	s13 =	simm.s32 $0x0;
	s15 =	simm.s32 $0x240  }
0x54: {  	[tilespmem:s11], [sflag:$0x2] =	stream.linear.gather [hbm4b:s25+s3], $0x80, $0x38;
	[tilespmem:$0x1F390] =	vst v63  }
.LBB2_2:
0x55: {  	p1 =	sne.s32 s15, $0x11DC0;
	[tilespmem:s13+$0x480] =	vst v0  }
0x56: {  	[tilespmem:s13+$0x400] =	vst v0  }
0x57: {  	[tilespmem:s13+$0x410] =	vst v0  }
0x58: {  	[tilespmem:s13+$0x420] =	vst v0  }
.Ltmp2:
0x59: {  	[tilespmem:s13+$0x430] =	vst v0;
	(pc) =	sbr.rel @p1 .LBB2_2-.Ltmp2, $4  }
0x5a: {  	[tilespmem:s13+$0x440] =	vst v0  }
0x5b: {  	[tilespmem:s13+$0x450] =	vst v0  }
0x5c: {  	[tilespmem:s13+$0x460] =	vst v0  }
0x5d: {  	[tilespmem:s13+$0x470] =	vst v0;
	s13 =	sshra.s32 s15, $0x2;
	s15 =	sadd.s32 $0x240, s15  }
0x5e: {  	[tilespmem:s13+$0x480] =	vst v0  }
0x5f: {  	[tilespmem:s13+$0x400] =	vst v0  }
0x60: {  	[tilespmem:s13+$0x410] =	vst v0  }
0x61: {  	[tilespmem:s13+$0x420] =	vst v0  }
0x62: {  	[tilespmem:s13+$0x430] =	vst v0  }
0x63: {  	[tilespmem:s13+$0x440] =	vst v0  }
0x64: {  	[tilespmem:s13+$0x450] =	vst v0  }
0x65: {  	[tilespmem:s13+$0x460] =	vst v0  }
0x66: {  	[tilespmem:s13+$0x470] =	vst v0  }
0x67: {  	[spmem:s9] =	stream.linear.scatter [tilespmem:s30], [sflag:$0x7], $0x4800, $0x38;
	[tilespmem:$0x1F390] =	vst v63  }
0x68: {  	_ =	swait.ge [sflag:s31], $0x4800  }
0x69: {  	[sflag:s31] =	ssyncset.done $0x0  }
0x6a: {  	s5 =	rddreg [dreg:$0x8];
	[sflag:s31] =	ssyncadd.s32 $0xFFFFB800  }
0x6b: {  	[spmem:s5] =	stream.linear.scatter [tilespmem:s30], [sflag:$0x7], $0x4800, $0x38;
	[tilespmem:$0x1F390] =	vst v63  }
0x6c: {  	_ =	swait.ge [sflag:s31], $0x4800  }
0x6d: {  	[sflag:s31] =	ssyncset.done $0x0  }
0x6e: {  	s16 =	rddreg [dreg:$0x9];
	[sflag:s31] =	ssyncadd.s32 $0xFFFFB800  }
0x6f: {  	[spmem:s16] =	stream.linear.scatter [tilespmem:s30], [sflag:$0x7], $0x4800, $0x38;
	[tilespmem:$0x1F390] =	vst v63  }
0x70: {  	_ =	swait.ge [sflag:s31], $0x4800  }
0x71: {  	[sflag:s31] =	ssyncset.done $0x0  }
0x72: {  	s17 =	rddreg [dreg:$0xa];
	[sflag:s31] =	ssyncadd.s32 $0xFFFFB800  }
0x73: {  	[spmem:s17] =	stream.linear.scatter [tilespmem:s30], [sflag:$0x7], $0x4800, $0x38;
	[tilespmem:$0x1F390] =	vst v63  }
0x74: {  	_ =	swait.ge [sflag:s31], $0x4800  }
0x75: {  	[sflag:s31] =	ssyncset.done $0x0  }
0x76: {  	s18 =	rddreg [dreg:$0xb];
	[sflag:s31] =	ssyncadd.s32 $0xFFFFB800  }
0x77: {  	[spmem:s18] =	stream.linear.scatter [tilespmem:s30], [sflag:$0x7], $0x3F00, $0x38;
	[tilespmem:$0x1F390] =	vst v63  }
0x78: {  	_ =	swait.ge [sflag:s31], $0x3F00  }
0x79: {  	[sflag:s31] =	ssyncset.done $0x0  }
0x7a: {  	s13 =	simm.s32 @!p0 $0x400;
	[sflag:s31] =	ssyncadd.s32 $0xFFFFC100  }
0x7b: {  	[spmem:s14] =	stream.linear.scatter @!p0 [tilespmem:s13], [sflag:$0x7], $0x900, $0x38;
	[tilespmem:$0x1F390] =	vst v63  }
0x7c: {  	s13 =	simm.s32 @!p0 $0x7  }
0x7d: {  	_ =	swait.ge @!p0 [sflag:s13], $0x900  }
0x7e: {  	[sflag:s13] =	ssyncset.done @!p0 $0x0  }
0x7f: {  	[sflag:s13] =	ssyncadd.s32 @!p0 $0xFFFFF700  }
0x80: {  	[bflag:$0x0] =	sbarrier.arrive $0xFFFF  }
0x81: {  	_ =	swait.ge [sflag:s1], $0x80  }
0x82: {  	[sflag:s1] =	ssyncset.done $0x0  }
0x83: {  	[sflag:s1] =	ssyncadd.s32 $0xFFFFFF80  }
0x84: {  	_ =	swait.ge [sflag:s1], $0x80  }
0x85: {  	s11 =	simm.s32 $0x100;
	[sflag:s1] =	ssyncset.done $0x0  }
0x86: {  	s13 =	simm.s32 $0x0;
	s23 =	rddreg [dreg:$0xc];
	[sflag:s1] =	ssyncadd.s32 $0xFFFFFF80  }
0x87: {  	[tilespmem:s11], [sflag:$0x1] =	stream.linear.gather [hbm4b:s23+s13], $0x80, $0x38;
	[tilespmem:$0x1F390] =	vst v63  }
0x88: {  	s25 =	simm.s32 $0x300;
	s24 =	rddreg [dreg:$0xd]  }
0x89: {  	[tilespmem:s25], [sflag:$0x1] =	stream.linear.gather [hbm4b:s24+s13], $0x80, $0x38;
	[tilespmem:$0x1F390] =	vst v63  }
0x8a: {  	s15 =	simm.s32 $0x0;
	s16 =	simm.s32 $0x0;
	s17 =	simm.s32 $0x0  }
0x8b: {  	[tilespmem:s30], [sflag:$0x3] =	stream.indirect.gather [hbm4b:s4+s28], $0x90, s13, s28, $0xb8;
	[tilespmem:$0x1F390] =	vst v63  }
.LBB2_4:
0x8c: {  	_ =	swait.ge [sflag:s0], $0x4800;
	s18 =	sand.u32 $0x400, s13  }
0x8d: {  	[sflag:s0] =	ssyncset.done $0x0;
	s23 =	sshrl.u32 s18, $0x2  }
0x8e: {  	p1 =	seq.s32 s16, $0x0;
	[sflag:s0] =	ssyncadd.s32 $0xFFFFB800;
	s23 =	sor.u32 $0x200, s23  }
0x8f: {  	[spmem:s2] =	stream.indirect.scatter.add.f32 [tilespmem:s30], [sflag:$0x5], $0x90, s23, s28, $0xb8;
	[tilespmem:$0x1F390] =	vst v63  }
0x90: {  	s23 =	simm.s32 @!p1 $0x6  }
0x91: {  	_ =	swait.ge @!p1 [sflag:s23], $0x4800  }
0x92: {  	[sflag:s23] =	ssyncset.done @!p1 $0x0  }
0x93: {  	[sflag:s23] =	ssyncadd.s32 @!p1 $0xFFFFB800  }
0x94: {  	p1 =	seq.s32 s16, $0x4C0;
	_ =	swait.ge [sflag:s29], $0x80  }
.Ltmp3:
0x95: {  	[sflag:s29] =	ssyncset.done $0x0;
	(pc) =	sbr.rel @p1 .LBB2_8-.Ltmp3, $4  }
0x96: {  	[sflag:s29] =	ssyncadd.s32 $0xFFFFFF80  }
0x97: {  	_ =	swait.ge [sflag:s29], $0x80  }
0x98: {  	s23 =	sand.u32 $0x100, s15;
	[sflag:s29] =	ssyncset.done $0x0  }
0x99: {  	s25 =	sor.u32 $0x80, s23;
	s24 =	sor.u32 $0x280, s23;
	[sflag:s29] =	ssyncadd.s32 $0xFFFFFF80  }
0x9a: {  	s5 =	sadd.s32 $0x180, s15  }
0x9b: {  	s11 =	sadd.s32 s16, s21;
	s5 =	sand.u32 $0x180, s5  }
0x9c: {  	[tilespmem:s5], [sflag:$0x2] =	stream.linear.gather [hbm4b:s11+s3], $0x80, $0x38;
	[tilespmem:$0x1F390] =	vst v63  }
0x9d: {  	s5 =	sor.u32 $0x200, s5;
	s11 =	sadd.s32 s16, s22  }
0x9e: {  	[tilespmem:s5], [sflag:$0x2] =	stream.linear.gather [hbm4b:s11+s3], $0x80, $0x38;
	[tilespmem:$0x1F390] =	vst v63  }
0x9f: {  	_ = 	snop  }
0xa0: {  	[tilespmem:s6], [sflag:$0x4] =	stream.indirect.gather [hbm4b:s4+s28], $0x90, s25, s28, $0xb8;
	[tilespmem:$0x1F390] =	vst v63  }
0xa1: {  	_ =	swait.ge [sflag:s7], $0x4800  }
0xa2: {  	[sflag:s7] =	ssyncset.done $0x0  }
0xa3: {  	[sflag:s7] =	ssyncadd.s32 $0xFFFFB800  }
0xa4: {  	[spmem:s2] =	stream.indirect.scatter.add.f32 [tilespmem:s6], [sflag:$0x6], $0x90, s24, s28, $0xb8;
	[tilespmem:$0x1F390] =	vst v63  }
0xa5: {  	_ =	swait.ge [sflag:s8], $0x4800  }
0xa6: {  	[sflag:s8] =	ssyncset.done $0x0  }
0xa7: {  	[sflag:s8] =	ssyncadd.s32 $0xFFFFB800  }
0xa8: {  	_ =	swait.ge [sflag:s1], $0x80  }
0xa9: {  	[sflag:s1] =	ssyncset.done $0x0  }
0xaa: {  	[sflag:s1] =	ssyncadd.s32 $0xFFFFFF80  }
0xab: {  	_ =	swait.ge [sflag:s1], $0x80  }
0xac: {  	p1 =	sgt.u32 s17, $0x24;
	[sflag:s1] =	ssyncset.done $0x0  }
0xad: {  	s5 =	sadd.s32 @!p1 s16, s19;
	s11 =	simm.s32 @!p1 $0x0;
	[sflag:s1] =	ssyncadd.s32 $0xFFFFFF80  }
0xae: {  	[tilespmem:s23], [sflag:$0x1] =	stream.linear.gather @!p1 [hbm4b:s5+s11], $0x80, $0x38;
	[tilespmem:$0x1F390] =	vst v63  }
0xaf: {  	s5 =	sor.u32 @!p1 $0x200, s23;
	s23 =	sadd.s32 @!p1 s16, s20;
	s16 =	sadd.s32 $0x20, s16  }
0xb0: {  	[tilespmem:s5], [sflag:$0x1] =	stream.linear.gather @!p1 [hbm4b:s23+s11], $0x80, $0x38;
	[tilespmem:$0x1F390] =	vst v63  }
0xb1: {  	p1 =	sne.s32 s16, $0x4E0  }
.Ltmp4:
0xb2: {  	_ = 	snop;
	(pc) =	sbr.rel @p1 .LBB2_4-.Ltmp4, $4  }
.Ltmp5:
0xb3: {  	_ = 	snop;
	(pc) =	sbr.rel @!p1 .LBB2_6-.Ltmp5, $4  }
0xb4: {  	s17 =	sadd.s32 $0x1, s17;
	s25 =	sxor.u32 $0x400, s18  }
0xb5: {  	s15 =	sadd.s32 $0x100, s15;
	s13 =	sadd.s32 $0x400, s13;
	s5 =	sshrl.u32 s25, $0x2  }
0xb6: {  	[tilespmem:s30], [sflag:$0x3] =	stream.indirect.gather [hbm4b:s4+s28], $0x90, s5, s28, $0xb8;
	[tilespmem:$0x1F390] =	vst v63  }
0xb7: {  	_ = 	snop  }
.LBB2_7:
0xb8: {  	_ =	sfence.sel $0x180000  }
0xb9: {  	[bflag:$0x0] =	sbarrier.arrive $0xFFFF  }
0xba: {  	_ =	strace $0x90000047  }
0xbb: {  	s0 =	stileid.u32;
	[bflag:$0x2] =	sbarrier.arrive $0xFFFF  }
0xbc: {  	p0 =	sne.s32 s0, $0x0;
	s0 =	rddreg [dreg:$0x3]  }
0xbd: {  	s0 =	sadd.s32 @!p0 $0x100000, s0  }
0xbe: {  	[sflag:s0] =	ssyncadd.tile.s32 @!p0 $0x1;
	_ =	shalt  }
.Lfunc_end2:
_tile_overlayer_lowered:
.L_overlay_start_2:
0xbf: {  	(tag) =	ssettag $0x2  }
0xc0: {  	s0 =	rddreg [dreg:$0x0];
	s2 =	stileid.u32  }
0xc1: {  	s1 =	rddreg [dreg:$0x1];
	p0 =	sne.s32 s2, $0x0  }
0xc2: {  	s3 =	rddreg [dreg:$0x2];
	[bflag:$0x3] =	sbarrier.arrive $0xFFFF;
	s2 =	simm.s32 @!p0 $0x1C07  }
0xc3: {  	[timem:s3], [sflag:s2] =	dma.local @!p0 [hbm:s0], s1  }
0xc4: {  	s0 =	simm.s32 @!p0 $0x7  }
0xc5: {  	_ =	swait.ge @!p0 [sflag:s0], s1  }
0xc6: {  	s1 =	ssub.s32 @!p0 $0x0, s1;
	[sflag:s0] =	ssyncset.done @!p0 $0x0  }
0xc7: {  	[sflag:s0] =	ssyncadd.s32 @!p0 s1  }
0xc8: {  	[bflag:$0x3] =	sbarrier.arrive $0xFFFF  }
0xc9: {  	_ =	shalt  }

// kernel: kernel.9.cloned.1.call-start
scs
__scs_entry_jumppad:
0x0: {  	(pc) =	sbr.rel $0x88, $3  }
0x1: {  	(tag) =	ssettag $0x0;
	lr =	simm.s32 $0x1  }
0x2: {  	[smem:$0x3F99] =	sst lr;
	_ =	strace $0xD0000000  }
0x3: {  	_ = 	snop  }
0x4: {  	_ = 	snop  }
0x5: {  	_ = 	snop  }
0x6: {  	_ = 	snop  }
0x7: {  	_ = 	snop  }
__scs_overlays_trampoline_lowered:
0x8: {  	[smem:$0x3FA8] =	sst s0  }
0x9: {  	[smem:$0x3FA9] =	sst s1  }
0xa: {  	[smem:$0x3FAA] =	sst s2  }
0xb: {  	[smem:$0x3FAB] =	sst s3  }
0xc: {  	[smem:$0x3FAC] =	sst s4  }
0xd: {  	[smem:$0x3FAD] =	sst s5  }
0xe: {  	[smem:$0x3FAE] =	sst s6  }
0xf: {  	[smem:$0x3FAF] =	sst s7  }
0x10: {  	[smem:$0x3FB0] =	sst s8  }
0x11: {  	[smem:$0x3FB1] =	sst s9;
	s0 =	simm.s32 @!p0 $0x0  }
0x12: {  	s1 =	sld [smem:$0x3F97];
	s0 =	simm.s32 @p0 $0x1  }
0x13: {  	[smem:$0x3FB2] =	sst s0;
	s0 =	simm.s32 @!p1 $0x0  }
0x14: {  	s2 =	sld [smem:$0x3F96];
	s0 =	simm.s32 @p1 $0x1  }
0x15: {  	[smem:$0x3FB3] =	sst s0;
	s0 =	simm.s32 @!p2 $0x0  }
0x16: {  	s3 =	sld [smem:$0x3FDB];
	s0 =	simm.s32 @p2 $0x1  }
0x17: {  	s4 =	simm.s32 $0x1BF5;
	[smem:$0x3FB5] =	sst s0  }
0x18: {  	s0 =	sld [smem:$0x3F98];
	_ =	swait.ge [sflag:s4], $0x0  }
0x19: {  	s7 =	sld [smem:$0x3F99]  }
0x1a: {  	s8 =	sadd.s32 $0xFFFFE003, lr  }
0x1b: {  	s9 =	sadd.s32 $0xFFFFFEF7, lr;
	s5 =	simm.s32 $0xFFFFFFFF;
	p2 =	slt.u32 s8, $0xFFFFF086  }
0x1c: {  	p1 =	slt.u32 s9, $0xF7A;
	s5 =	simm.s32 @!p2 $0x0  }
0x1d: {  	s5 =	simm.s32 @p1 $0x1;
	p0 =	seq.s32 s7, s2  }
0x1e: {  	s7 =	smul.u32 @!p0 $0xF7A, s2;
	p2 =	seq.s32 @!p0 s5, $0x0  }
0x1f: {  	s9 =	smul.u32 $0xF7A, s1;
	s8 =	simm.s32 @!p0 $0x1BF5;
	p2 =	por !p2, p0  }
0x20: {  	[sflag:s8] =	ssyncset.s32 @!p0 $0xFFFFF086;
	s6 =	sadd.s32 @!p0 s3, s7;
	s7 =	simm.s32 @!p0 $0x108  }
0x21: {  	s3 =	sadd.s32 s3, s9;
	s6 =	sadd.s32 @!p0 $0x88, s6;
	s7 =	simm.s32 @p2 $0x1082  }
0x22: {  	[simem:s7], [sflag:s8] =	dma.local @!p0 [hbm:s6], $0xF7A  }
0x23: {  	s9 =	sor.u32 $0xD0000000, s2;
	s6 =	simm.s32 $0x108;
	_ =	swait.ge @!p0 [sflag:s8], $0x0  }
0x24: {  	s3 =	sadd.s32 $0x88, s3;
	s6 =	simm.s32 @!p1 $0x1082;
	[sflag:s4] =	ssyncset.s32 $0xFFFFF086  }
0x25: {  	[simem:s6], [sflag:s4] =	dma.local [hbm:s3], $0xF7A  }
0x26: {  	[smem:$0x3F99] =	sst s1;
	(tag) =	ssettag s2;
	_ =	strace s9  }
0x27: {  	s1 =	sld [smem:$0x3FA9]  }
0x28: {  	s2 =	sld [smem:$0x3FAA]  }
0x29: {  	s4 =	sld [smem:$0x3FAC]  }
0x2a: {  	p0 =	seq.s32 s5, $0x0;
	s5 =	sld [smem:$0x3FAD]  }
0x2b: {  	s6 =	sld [smem:$0x3FAE]  }
0x2c: {  	s7 =	sld [smem:$0x3FAF]  }
0x2d: {  	s3 =	simm.s32 $0x108;
	s8 =	sld [smem:$0x3FB0]  }
0x2e: {  	s3 =	simm.s32 @!p0 $0x1082;
	s9 =	sld [smem:$0x3FB1]  }
0x2f: {  	lr =	sadd.s32 s0, s3;
	s0 =	sld [smem:$0x3FA8]  }
0x30: {  	s3 =	sld [smem:$0x3FAB]  }
0x31: {  	[smem:$0x3FB4] =	sst s10  }
0x32: {  	s10 =	sld [smem:$0x3FB2];
	_ =	sdelay $0x3  }
0x33: {  	p0 =	seq.s32 s10, $0x1;
	s10 =	sld [smem:$0x3FB4];
	_ =	sdelay $0x3  }
0x34: {  	[smem:$0x3FB4] =	sst s10  }
0x35: {  	s10 =	sld [smem:$0x3FB3];
	_ =	sdelay $0x3  }
0x36: {  	p1 =	seq.s32 s10, $0x1;
	s10 =	sld [smem:$0x3FB4];
	_ =	sdelay $0x3  }
0x37: {  	[smem:$0x3FB4] =	sst s10  }
0x38: {  	s10 =	sld [smem:$0x3FB5]  }
0x39: {  	_ = 	snop;
	(pc) =	sbr.ind lr, $3  }
0x3a: {  	_ = 	snop  }
0x3b: {  	_ = 	snop  }
0x3c: {  	p2 =	seq.s32 s10, $0x1;
	s10 =	sld [smem:$0x3FB4]  }
0x3d: {  	_ =	shalt  }
0x3e: {  	_ =	shalt  }
0x3f: {  	_ =	shalt  }
0x40: {  	_ =	shalt  }
0x41: {  	_ =	shalt  }
0x42: {  	_ =	shalt  }
0x43: {  	_ =	shalt  }
0x44: {  	_ =	shalt  }
0x45: {  	_ =	shalt  }
0x46: {  	_ =	shalt  }
0x47: {  	_ =	shalt  }
0x48: {  	_ =	shalt  }
0x49: {  	_ =	shalt  }
0x4a: {  	_ =	shalt  }
0x4b: {  	_ =	shalt  }
0x4c: {  	_ =	shalt  }
0x4d: {  	_ =	shalt  }
0x4e: {  	_ =	shalt  }
0x4f: {  	_ =	shalt  }
0x50: {  	_ =	shalt  }
0x51: {  	_ =	shalt  }
0x52: {  	_ =	shalt  }
0x53: {  	_ =	shalt  }
0x54: {  	_ =	shalt  }
0x55: {  	_ =	shalt  }
0x56: {  	_ =	shalt  }
0x57: {  	_ =	shalt  }
0x58: {  	_ =	shalt  }
0x59: {  	_ =	shalt  }
0x5a: {  	_ =	shalt  }
0x5b: {  	_ =	shalt  }
0x5c: {  	_ =	shalt  }
0x5d: {  	_ =	shalt  }
0x5e: {  	_ =	shalt  }
0x5f: {  	_ =	shalt  }
0x60: {  	_ =	shalt  }
0x61: {  	_ =	shalt  }
0x62: {  	_ =	shalt  }
0x63: {  	_ =	shalt  }
0x64: {  	_ =	shalt  }
0x65: {  	_ =	shalt  }
0x66: {  	_ =	shalt  }
0x67: {  	_ =	shalt  }
0x68: {  	_ =	shalt  }
0x69: {  	_ =	shalt  }
0x6a: {  	_ =	shalt  }
0x6b: {  	_ =	shalt  }
0x6c: {  	_ =	shalt  }
0x6d: {  	_ =	shalt  }
0x6e: {  	_ =	shalt  }
0x6f: {  	_ =	shalt  }
0x70: {  	_ =	shalt  }
0x71: {  	_ =	shalt  }
0x72: {  	_ =	shalt  }
0x73: {  	_ =	shalt  }
0x74: {  	_ =	shalt  }
0x75: {  	_ =	shalt  }
0x76: {  	_ =	shalt  }
0x77: {  	_ =	shalt  }
0x78: {  	_ =	shalt  }
0x79: {  	_ =	shalt  }
0x7a: {  	_ =	shalt  }
0x7b: {  	_ =	shalt  }
0x7c: {  	_ =	shalt  }
0x7d: {  	_ =	shalt  }
0x7e: {  	_ =	shalt  }
0x7f: {  	_ =	shalt  }
0x80: {  	_ =	shalt  }
0x81: {  	_ =	shalt  }
0x82: {  	_ =	shalt  }
0x83: {  	_ =	shalt  }
0x84: {  	_ =	shalt  }
0x85: {  	_ =	shalt  }
0x86: {  	_ =	shalt  }
0x87: {  	_ =	shalt  }
.Lfunc_end0:
.L_simem_size_0:
called_computation.1_lowered:
.L_overlay_start_0:
0x88: {  	s2 =	sld [smem:$0x3FD9]  }
0x89: {  	s3 =	sld [smem:$0x3FFE];
	_ =	sdelay $0x1  }
0x8a: {  	s1 =	srdreg.scid  }
0x8b: {  	s0 =	sand.u32 $0x1, s1  }
0x8c: {  	s17 =	sshll.u32 s0, $0xA;
	s2 =	sadd.s32 s3, s2  }
0x8d: {  	s2 =	sadd.s32 s2, s17  }
0x8e: {  	[smem:$0x3FC0] =	sst s2  }
0x8f: {  	_ = 	snop  }
0x90: {  	s2 =	sld [smem:$0x3FD0];
	(tm) =	ssettm $0x1  }
0x91: {  	s18 =	sld [smem:$0x3FFB];
	_ =	sdelay $0x3  }
0x92: {  	_ =	strace s18  }
0x93: {  	s3 =	sld [smem:$0x3FFC];
	_ =	sdelay $0x3  }
0x94: {  	_ =	strace s3  }
0x95: {  	s3 =	sld [smem:$0x3FFD];
	_ =	sdelay $0x3  }
0x96: {  	_ =	strace s3  }
0x97: {  	_ =	strace $0x8FFFFFFF  }
0x98: {  	s19 =	sld [smem:$0x3FDB];
	_ =	sdelay $0x1  }
0x99: {  	s4 =	simm.s32 $_scs_section_size  }
0x9a: {  	s5 =	simm.s32 $_size__tile_overlayer_lowered;
	s6 =	simm.s32 $_tile_overlayer_lowered  }
0x9b: {  	s22 =	simm.s32 $0x1BFF;
	s21 =	sshll.u32 s6, $0x1;
	s3 =	sadd.s32 s4, s19  }
0x9c: {  	s7 =	simm.s32 $0x0;
	s20 =	sshll.u32 s5, $0x1;
	s5 =	sadd.s32 s21, s3  }
0x9d: {  	[timem:s7], [sflag:s22] =	dma.local [hbm:s5], s20  }
0x9e: {  	_ =	swait.ge [sflag:s22], s20  }
0x9f: {  	s4 =	ssub.s32 $0x0, s20;
	[sflag:s22] =	ssyncset.done $0x0  }
0xa0: {  	[sflag:s22] =	ssyncadd.s32 s4;
	_ =	sdelay $0x1  }
0xa1: {  	s23 =	simm.s32 $0x1B8B  }
0xa2: {  	_ =	swait.ge [sflag:s23], $0x1  }
0xa3: {  	[sflag:s23] =	ssyncset.done $0x0  }
0xa4: {  	s25 =	simm.s32 $0x1B8E;
	s24 =	sld [smem:$0x3FFE];
	[sflag:s23] =	ssyncadd.s32 $0xFFFFFFFF  }
0xa5: {  	s26 =	simm.s32 $execute0_lowered;
	[smem:$0x3FD2] =	sst s25  }
0xa6: {  	s5 =	sshll.u32 s26, $0x1;
	_ =	strace $0x80000049;
	[dreg:$0x1] =	wrdreg $0xFFFFFFFF  }
0xa7: {  	s28 =	simm.s32 $_size_execute0_lowered;
	s3 =	sadd.s32 s3, s5;
	[dreg:$0x0] =	wrdreg $0x0  }
0xa8: {  	s5 =	sshll.u32 s28, $0x1;
	[dreg:$0x2] =	wrdreg s3  }
0xa9: {  	[dreg:$0x3] =	wrdreg s5  }
0xaa: {  	[dreg:$0x4] =	wrdreg $0xC0  }
0xab: {  	_ =	task [dreg:s7], $0x5FFFF  }
0xac: {  	[dreg:$0x1] =	wrdreg $0xFFFFFFFF  }
0xad: {  	[dreg:$0x0] =	wrdreg $0x60  }
0xae: {  	[dreg:$0x2] =	wrdreg s24  }
0xaf: {  	[dreg:$0x3] =	wrdreg s2  }
0xb0: {  	[dreg:$0x4] =	wrdreg $0x44000  }
0xb1: {  	[dreg:$0x5] =	wrdreg $0x9  }
0xb2: {  	_ =	task.clear_ibuf [dreg:s7], $0x6FFFF;
	_ =	strace $0x90000049  }
0xb3: {  	s29 =	simm.s32 $0x9;
	_ =	strace $0x8000004B  }
0xb4: {  	_ =	swait.ge [sflag:s29], $0x1  }
0xb5: {  	[sflag:s29] =	ssyncadd.s32 $0xFFFFFFFF  }
0xb6: {  	_ =	strace $0x9000004B  }
0xb7: {  	_ =	sfence  }
0xb8: {  	s30 =	sld [smem:$0x0];
	_ =	sdelay $0x2  }
0xb9: {  	s31 =	sshll.u32 s1, $0xD;
	s1 =	sshrl.u32 s1, $0x2  }
0xba: {  	s3 =	sand.u32 $0x4000, s31;
	s1 =	sadd.s32 s1, s30  }
0xbb: {  	s0 =	sor.u32 s3, s0;
	s1 =	sshll.u32 s1, $0x11  }
0xbc: {  	s0 =	sor.u32 s1, s0  }
0xbd: {  	s0 =	sadd.s32 $0x8F2B, s0  }
0xbe: {  	[sflag:s0] =	ssyncadd.remote.s32 $0x1  }
0xbf: {  	_ =	sfence.sel $0xFFFF  }
0xc0: {  	[dreg:$0x0] =	wrdreg $0xFFFFFFFF;
	(pc) =	sbr.abs _section_cstart, $3  }
0xc1: {  	[dreg:$0x1] =	wrdreg $0xFFFFFFFF  }
0xc2: {  	_ =	task.clear_ibuf [dreg:s7], $0x2FFFF;
	_ =	strace $0x9FFFFFFF  }
0xc3: {  	(tm) =	ssettm $0x7FFFFFFF  }
tec
execute0_lowered:
.L_overlay_start_1:
0x0: {  	(tag) =	ssettag $0x1  }
0x1: {  	s0 =	rddreg [dreg:$0x0]  }
0x2: {  	s1 =	rddreg [dreg:$0x1]  }
0x3: {  	s3 =	srdreg.scid;
	s13 =	stileid.u32  }
0x4: {  	s2 =	rddreg [dreg:$0x2];
	s28 =	simm.s32 $0x80;
	s9 =	smul.u32 $0x27000, s13  }
0x5: {  	s30 =	simm.s32 $0x400;
	s31 =	simm.s32 $0x7;
	s26 =	smul.u32 $0x9C00, s13  }
0x6: {  	s29 =	simm.s32 $0x2;
	s6 =	sand.u32 $0x1, s3;
	s16 =	smul.u32 $0x4E20, s13  }
0x7: {  	s4 =	sshll.u32 s13, $0x1;
	s3 =	simm.s32 $0x0;
	s11 =	smul.u32 $0x9C400, s6  }
0x8: {  	s4 =	sor.u32 s6, s4;
	s7 =	ssub.s32 $0x2, s6;
	s6 =	smul.u32 $0x2710, s6  }
0x9: {  	p0 =	sne.s32 s13, $0xF;
	[smem:$0x7FF] =	sst s3;
	s5 =	smul.u32 $0x2710, s4  }
0xa: {  	_ =	strace $0x8000004A;
	s4 =	sadd.s32 $0x1800, s0;
	s0 =	sadd.s32 $0x15200, s0  }
0xb: {  	s8 =	sshrl.u32 s7, $0x1;
	s14 =	sshrl.u32 s9, $0x2;
	s9 =	sadd.s32 s26, s2  }
0xc: {  	s7 =	ssub.s32 s7, s8;
	s8 =	sadd.s32 s26, s11;
	s6 =	sadd.s32 s6, s16  }
0xd: {  	s20 =	sshrl.u32 s11, $0x3;
	s5 =	sshrl.u32 s5, $0x3;
	s8 =	sshrl.u32 s8, $0x3  }
0xe: {  	s21 =	sadd.s32 $0x200, s6;
	s23 =	sadd.s32 $0x4E400, s6;
	s26 =	smax.u32 s7, $0x1  }
0xf: {  	s24 =	sadd.s32 $0x180, s6;
	s8 =	sadd.s32 s0, s8;
	[dreg:$0x12] =	wrdreg s26  }
0x10: {  	s6 =	sadd.s32 $0x4E380, s6;
	s5 =	sadd.s32 s1, s5;
	[dreg:$0xf] =	wrdreg s8  }
0x11: {  	s7 =	simm.s32 $0x4;
	s25 =	sadd.s32 $0x9C40, s5;
	[dreg:$0x4] =	wrdreg s5  }
0x12: {  	s0 =	sadd.s32 s0, s20;
	s10 =	sadd.s32 $0x10, s5;
	[dreg:$0x5] =	wrdreg s25  }
0x13: {  	s22 =	sshrl.u32 s21, $0x3;
	s12 =	sadd.s32 $0x9C50, s5;
	[dreg:$0x6] =	wrdreg s10  }
0x14: {  	s6 =	sshrl.u32 s6, $0x3;
	s17 =	sadd.s32 $0x20, s5;
	[dreg:$0x7] =	wrdreg s12  }
0x15: {  	s26 =	simm.s32 $0x200;
	s18 =	sadd.s32 $0x9C60, s5;
	[dreg:$0xc] =	wrdreg s17  }
0x16: {  	s19 =	sadd.s32 $0x4E0, s5;
	s8 =	sshrl.u32 s23, $0x3;
	[dreg:$0xd] =	wrdreg s18  }
0x17: {  	s0 =	sadd.s32 $0x13800, s0;
	s10 =	sadd.s32 s14, s2;
	[dreg:$0xe] =	wrdreg s19  }
0x18: {  	s19 =	sadd.s32 s22, s1;
	s25 =	sadd.s32 $0xA120, s5;
	[dreg:$0x11] =	wrdreg s0  }
0x19: {  	s20 =	sadd.s32 s8, s1;
	s12 =	sadd.s32 $0x2000, s10;
	[dreg:$0x10] =	wrdreg s25  }
0x1a: {  	s22 =	sadd.s32 s6, s1;
	s15 =	sadd.s32 $0x4000, s10;
	[dreg:$0x8] =	wrdreg s12  }
.Ltmp0:
0x1b: {  	s14 =	sadd.s32 $0x6000, s10;
	[dreg:$0x9] =	wrdreg s15;
	(pc) =	sbr.rel .LBB2_1-.Ltmp0, $4  }
0x1c: {  	s0 =	simm.s32 $0x3;
	s10 =	sadd.s32 $0x8000, s10;
	[dreg:$0xa] =	wrdreg s14  }
0x1d: {  	s6 =	simm.s32 $0x2400;
	s8 =	simm.s32 $0x5;
	[dreg:$0xb] =	wrdreg s10  }
0x1e: {  	s14 =	sadd.s32 $0x9C000, s2;
	s10 =	sshrl.u32 s24, $0x3;
	s12 =	simm.s32 $0x0  }
0x1f: {  	v0 =	vimm.f32 $0.0e+00;
	s21 =	sadd.s32 s10, s1;
	s1 =	simm.s32 $0x1;
	s10 =	simm.s32 $0x6  }
.LBB2_8:
0x20: {  	[tilespmem:s6], [sflag:$0x4] =	stream.indirect.gather [hbm4b:s4+s28], $0x40, s25, s28, $0xb8;
	[tilespmem:$0xE040] =	vst v63  }
0x21: {  	_ =	swait.ge [sflag:s7], $0x2000  }
0x22: {  	[sflag:s7] =	ssyncset.done $0x0  }
0x23: {  	[sflag:s7] =	ssyncadd.s32 $0xFFFFE000  }
0x24: {  	[spmem:s2] =	stream.indirect.scatter.add.f32 [tilespmem:s6], [sflag:$0x6], $0x40, s24, s28, $0xb8;
	[tilespmem:$0xE040] =	vst v63  }
0x25: {  	_ =	swait.ge [sflag:s8], $0x2000  }
0x26: {  	[sflag:s8] =	ssyncset.done $0x0  }
0x27: {  	[sflag:s8] =	ssyncadd.s32 $0xFFFFE000  }
.LBB2_6:
0x28: {  	s5 =	rddreg [dreg:$0xe]  }
0x29: {  	[tilespmem:s3], [sflag:$0x1] =	stream.linear.gather [hbm4b:s5+s3], $0x10, $0x38;
	[tilespmem:$0xE040] =	vst v63  }
0x2a: {  	s18 =	rddreg [dreg:$0x10]  }
0x2b: {  	[tilespmem:s26], [sflag:$0x1] =	stream.linear.gather [hbm4b:s18+s3], $0x10, $0x38;
	[tilespmem:$0xE040] =	vst v63  }
0x2c: {  	_ =	swait.ge [sflag:s10], $0x2000  }
0x2d: {  	[sflag:s10] =	ssyncset.done $0x0  }
0x2e: {  	[sflag:s10] =	ssyncadd.s32 $0xFFFFE000  }
0x2f: {  	_ =	swait.ge [sflag:s1], $0x10  }
0x30: {  	[sflag:s1] =	ssyncset.done $0x0  }
0x31: {  	[sflag:s1] =	ssyncadd.s32 $0xFFFFFFF0  }
0x32: {  	_ =	swait.ge [sflag:s1], $0x10  }
0x33: {  	[sflag:s1] =	ssyncset.done $0x0  }
0x34: {  	s23 =	simm.s32 $0x10;
	[sflag:s1] =	ssyncadd.s32 $0xFFFFFFF0  }
0x35: {  	[tilespmem:s30], [sflag:$0x3] =	stream.indirect.gather [hbm4b:s4+s23], $0x40, s3, s23, $0xb8;
	[tilespmem:$0xE040] =	vst v63  }
0x36: {  	_ =	swait.ge [sflag:s0], $0x400  }
0x37: {  	[sflag:s0] =	ssyncset.done $0x0  }
0x38: {  	[sflag:s0] =	ssyncadd.s32 $0xFFFFFC00  }
0x39: {  	[spmem:s2] =	stream.indirect.scatter.add.f32 [tilespmem:s30], [sflag:$0x5], $0x40, s26, s23, $0xb8;
	[tilespmem:$0xE040] =	vst v63  }
0x3a: {  	_ =	swait.ge [sflag:s8], $0x400  }
0x3b: {  	[sflag:s8] =	ssyncset.done $0x0  }
0x3c: {  	s24 =	stileid.u32;
	[sflag:s8] =	ssyncadd.s32 $0xFFFFFC00  }
0x3d: {  	s5 =	sshll.u32 s24, $0x6;
	[bflag:$0x0] =	sbarrier.arrive $0xFFFF  }
0x3e: {  	s11 =	sshrl.u32 s9, $0x3;
	s5 =	sor.u32 $0x1C07, s5;
	s13 =	rddreg [dreg:$0xf]  }
0x3f: {  	[hbm:s13], [sflag:s5] =	dma.local [spmem:s11], $0x1380  }
0x40: {  	_ =	swait.ge [sflag:s31], $0x1380  }
0x41: {  	[sflag:s31] =	ssyncset.done $0x0  }
0x42: {  	s11 =	sshrl.u32 @!p0 s14, $0x3;
	s13 =	rddreg [dreg:$0x11];
	[sflag:s31] =	ssyncadd.s32 $0xFFFFEC80  }
0x43: {  	[hbm:s13], [sflag:s5] =	dma.local @!p0 [spmem:s11], $0x80  }
0x44: {  	s5 =	simm.s32 @!p0 $0x7  }
0x45: {  	_ =	swait.ge @!p0 [sflag:s5], $0x80  }
0x46: {  	s12 =	sadd.s32 $0x1, s12;
	s25 =	rddreg [dreg:$0x12]  }
0x47: {  	p1 =	sne.s32 s12, s25  }
.Ltmp1:
0x48: {  	_ = 	snop;
	(pc) =	sbr.rel @!p1 .LBB2_7-.Ltmp1, $3  }
0x49: {  	_ =	sdelay $0x1  }
0x4a: {  	[sflag:s5] =	ssyncset.done @!p0 $0x0  }
0x4b: {  	[sflag:s5] =	ssyncadd.s32 @!p0 $0xFFFFFF80  }
.LBB2_1:
0x4c: {  	s5 =	rddreg [dreg:$0x4]  }
0x4d: {  	s23 =	rddreg [dreg:$0x5]  }
0x4e: {  	[tilespmem:s3], [sflag:$0x1] =	stream.linear.gather [hbm4b:s5+s3], $0x80, $0x38;
	[tilespmem:$0xE040] =	vst v63  }
0x4f: {  	s24 =	rddreg [dreg:$0x6]  }
0x50: {  	[tilespmem:s26], [sflag:$0x1] =	stream.linear.gather [hbm4b:s23+s3], $0x80, $0x38;
	[tilespmem:$0xE040] =	vst v63  }
0x51: {  	s25 =	rddreg [dreg:$0x7]  }
0x52: {  	[tilespmem:s28], [sflag:$0x2] =	stream.linear.gather [hbm4b:s24+s3], $0x80, $0x38;
	[tilespmem:$0xE040] =	vst v63  }
0x53: {  	s11 =	simm.s32 $0x280;
	s15 =	simm.s32 $0x100;
	s13 =	simm.s32 $0x0  }
0x54: {  	[tilespmem:s11], [sflag:$0x2] =	stream.linear.gather [hbm4b:s25+s3], $0x80, $0x38;
	[tilespmem:$0xE040] =	vst v63  }
.LBB2_2:
0x55: {  	p1 =	sne.s32 s15, $0x7F00;
	[tilespmem:s13+$0x430] =	vst v0;
	s16 =	smov.u32 s15;
	s15 =	sadd.s32 $0x100, s15  }
.Ltmp2:
0x56: {  	[tilespmem:s13+$0x420] =	vst v0;
	(pc) =	sbr.rel @p1 .LBB2_2-.Ltmp2, $3  }
0x57: {  	[tilespmem:s13+$0x400] =	vst v0  }
0x58: {  	[tilespmem:s13+$0x410] =	vst v0;
	_ =	sdelay $0x1  }
0x59: {  	s13 =	sshra.s32 s16, $0x2  }
0x5a: {  	[tilespmem:s13+$0x430] =	vst v0  }
0x5b: {  	[tilespmem:s13+$0x420] =	vst v0  }
0x5c: {  	[tilespmem:s13+$0x400] =	vst v0  }
0x5d: {  	[tilespmem:s13+$0x410] =	vst v0  }
0x5e: {  	[spmem:s9] =	stream.linear.scatter [tilespmem:s30], [sflag:$0x7], $0x2000, $0x38;
	[tilespmem:$0xE040] =	vst v63  }
0x5f: {  	_ =	swait.ge [sflag:s31], $0x2000  }
0x60: {  	[sflag:s31] =	ssyncset.done $0x0  }
0x61: {  	s5 =	rddreg [dreg:$0x8];
	[sflag:s31] =	ssyncadd.s32 $0xFFFFE000  }
0x62: {  	[spmem:s5] =	stream.linear.scatter [tilespmem:s30], [sflag:$0x7], $0x2000, $0x38;
	[tilespmem:$0xE040] =	vst v63  }
0x63: {  	_ =	swait.ge [sflag:s31], $0x2000  }
0x64: {  	[sflag:s31] =	ssyncset.done $0x0  }
0x65: {  	s16 =	rddreg [dreg:$0x9];
	[sflag:s31] =	ssyncadd.s32 $0xFFFFE000  }
0x66: {  	[spmem:s16] =	stream.linear.scatter [tilespmem:s30], [sflag:$0x7], $0x2000, $0x38;
	[tilespmem:$0xE040] =	vst v63  }
0x67: {  	_ =	swait.ge [sflag:s31], $0x2000  }
0x68: {  	[sflag:s31] =	ssyncset.done $0x0  }
0x69: {  	s17 =	rddreg [dreg:$0xa];
	[sflag:s31] =	ssyncadd.s32 $0xFFFFE000  }
0x6a: {  	[spmem:s17] =	stream.linear.scatter [tilespmem:s30], [sflag:$0x7], $0x2000, $0x38;
	[tilespmem:$0xE040] =	vst v63  }
0x6b: {  	_ =	swait.ge [sflag:s31], $0x2000  }
0x6c: {  	[sflag:s31] =	ssyncset.done $0x0  }
0x6d: {  	s18 =	rddreg [dreg:$0xb];
	[sflag:s31] =	ssyncadd.s32 $0xFFFFE000  }
0x6e: {  	[spmem:s18] =	stream.linear.scatter [tilespmem:s30], [sflag:$0x7], $0x1C00, $0x38;
	[tilespmem:$0xE040] =	vst v63  }
0x6f: {  	_ =	swait.ge [sflag:s31], $0x1C00  }
0x70: {  	[sflag:s31] =	ssyncset.done $0x0  }
0x71: {  	s13 =	simm.s32 @!p0 $0x400;
	[sflag:s31] =	ssyncadd.s32 $0xFFFFE400  }
0x72: {  	[spmem:s14] =	stream.linear.scatter @!p0 [tilespmem:s13], [sflag:$0x7], $0x400, $0x38;
	[tilespmem:$0xE040] =	vst v63  }
0x73: {  	s13 =	simm.s32 @!p0 $0x7  }
0x74: {  	_ =	swait.ge @!p0 [sflag:s13], $0x400  }
0x75: {  	[sflag:s13] =	ssyncset.done @!p0 $0x0  }
0x76: {  	[sflag:s13] =	ssyncadd.s32 @!p0 $0xFFFFFC00  }
0x77: {  	[bflag:$0x0] =	sbarrier.arrive $0xFFFF  }
0x78: {  	_ =	swait.ge [sflag:s1], $0x80  }
0x79: {  	[sflag:s1] =	ssyncset.done $0x0  }
0x7a: {  	[sflag:s1] =	ssyncadd.s32 $0xFFFFFF80  }
0x7b: {  	_ =	swait.ge [sflag:s1], $0x80  }
0x7c: {  	s11 =	simm.s32 $0x100;
	[sflag:s1] =	ssyncset.done $0x0  }
0x7d: {  	s13 =	simm.s32 $0x0;
	s23 =	rddreg [dreg:$0xc];
	[sflag:s1] =	ssyncadd.s32 $0xFFFFFF80  }
0x7e: {  	[tilespmem:s11], [sflag:$0x1] =	stream.linear.gather [hbm4b:s23+s13], $0x80, $0x38;
	[tilespmem:$0xE040] =	vst v63  }
0x7f: {  	s25 =	simm.s32 $0x300;
	s24 =	rddreg [dreg:$0xd]  }
0x80: {  	[tilespmem:s25], [sflag:$0x1] =	stream.linear.gather [hbm4b:s24+s13], $0x80, $0x38;
	[tilespmem:$0xE040] =	vst v63  }
0x81: {  	s15 =	simm.s32 $0x0;
	s16 =	simm.s32 $0x0;
	s17 =	simm.s32 $0x0  }
0x82: {  	[tilespmem:s30], [sflag:$0x3] =	stream.indirect.gather [hbm4b:s4+s28], $0x40, s13, s28, $0xb8;
	[tilespmem:$0xE040] =	vst v63  }
.LBB2_4:
0x83: {  	_ =	swait.ge [sflag:s0], $0x2000;
	s18 =	sand.u32 $0x400, s13  }
0x84: {  	[sflag:s0] =	ssyncset.done $0x0;
	s23 =	sshrl.u32 s18, $0x2  }
0x85: {  	p1 =	seq.s32 s16, $0x0;
	[sflag:s0] =	ssyncadd.s32 $0xFFFFE000;
	s23 =	sor.u32 $0x200, s23  }
0x86: {  	[spmem:s2] =	stream.indirect.scatter.add.f32 [tilespmem:s30], [sflag:$0x5], $0x40, s23, s28, $0xb8;
	[tilespmem:$0xE040] =	vst v63  }
0x87: {  	s23 =	simm.s32 @!p1 $0x6  }
0x88: {  	_ =	swait.ge @!p1 [sflag:s23], $0x2000  }
0x89: {  	[sflag:s23] =	ssyncset.done @!p1 $0x0  }
0x8a: {  	[sflag:s23] =	ssyncadd.s32 @!p1 $0xFFFFE000  }
0x8b: {  	p1 =	seq.s32 s16, $0x4C0;
	_ =	swait.ge [sflag:s29], $0x80  }
.Ltmp3:
0x8c: {  	[sflag:s29] =	ssyncset.done $0x0;
	(pc) =	sbr.rel @p1 .LBB2_8-.Ltmp3, $4  }
0x8d: {  	[sflag:s29] =	ssyncadd.s32 $0xFFFFFF80  }
0x8e: {  	_ =	swait.ge [sflag:s29], $0x80  }
0x8f: {  	s23 =	sand.u32 $0x100, s15;
	[sflag:s29] =	ssyncset.done $0x0  }
0x90: {  	s25 =	sor.u32 $0x80, s23;
	s24 =	sor.u32 $0x280, s23;
	[sflag:s29] =	ssyncadd.s32 $0xFFFFFF80  }
0x91: {  	s5 =	sadd.s32 $0x180, s15  }
0x92: {  	s11 =	sadd.s32 s16, s21;
	s5 =	sand.u32 $0x180, s5  }
0x93: {  	[tilespmem:s5], [sflag:$0x2] =	stream.linear.gather [hbm4b:s11+s3], $0x80, $0x38;
	[tilespmem:$0xE040] =	vst v63  }
0x94: {  	s5 =	sor.u32 $0x200, s5;
	s11 =	sadd.s32 s16, s22  }
0x95: {  	[tilespmem:s5], [sflag:$0x2] =	stream.linear.gather [hbm4b:s11+s3], $0x80, $0x38;
	[tilespmem:$0xE040] =	vst v63  }
0x96: {  	_ = 	snop  }
0x97: {  	[tilespmem:s6], [sflag:$0x4] =	stream.indirect.gather [hbm4b:s4+s28], $0x40, s25, s28, $0xb8;
	[tilespmem:$0xE040] =	vst v63  }
0x98: {  	_ =	swait.ge [sflag:s7], $0x2000  }
0x99: {  	[sflag:s7] =	ssyncset.done $0x0  }
0x9a: {  	[sflag:s7] =	ssyncadd.s32 $0xFFFFE000  }
0x9b: {  	[spmem:s2] =	stream.indirect.scatter.add.f32 [tilespmem:s6], [sflag:$0x6], $0x40, s24, s28, $0xb8;
	[tilespmem:$0xE040] =	vst v63  }
0x9c: {  	_ =	swait.ge [sflag:s8], $0x2000  }
0x9d: {  	[sflag:s8] =	ssyncset.done $0x0  }
0x9e: {  	[sflag:s8] =	ssyncadd.s32 $0xFFFFE000  }
0x9f: {  	_ =	swait.ge [sflag:s1], $0x80  }
0xa0: {  	[sflag:s1] =	ssyncset.done $0x0  }
0xa1: {  	[sflag:s1] =	ssyncadd.s32 $0xFFFFFF80  }
0xa2: {  	_ =	swait.ge [sflag:s1], $0x80  }
0xa3: {  	p1 =	sgt.u32 s17, $0x24;
	[sflag:s1] =	ssyncset.done $0x0  }
0xa4: {  	s5 =	sadd.s32 @!p1 s16, s19;
	s11 =	simm.s32 @!p1 $0x0;
	[sflag:s1] =	ssyncadd.s32 $0xFFFFFF80  }
0xa5: {  	[tilespmem:s23], [sflag:$0x1] =	stream.linear.gather @!p1 [hbm4b:s5+s11], $0x80, $0x38;
	[tilespmem:$0xE040] =	vst v63  }
0xa6: {  	s5 =	sor.u32 @!p1 $0x200, s23;
	s23 =	sadd.s32 @!p1 s16, s20;
	s16 =	sadd.s32 $0x20, s16  }
0xa7: {  	[tilespmem:s5], [sflag:$0x1] =	stream.linear.gather @!p1 [hbm4b:s23+s11], $0x80, $0x38;
	[tilespmem:$0xE040] =	vst v63  }
0xa8: {  	p1 =	sne.s32 s16, $0x4E0  }
.Ltmp4:
0xa9: {  	_ = 	snop;
	(pc) =	sbr.rel @p1 .LBB2_4-.Ltmp4, $4  }
.Ltmp5:
0xaa: {  	_ = 	snop;
	(pc) =	sbr.rel @!p1 .LBB2_6-.Ltmp5, $4  }
0xab: {  	s17 =	sadd.s32 $0x1, s17;
	s25 =	sxor.u32 $0x400, s18  }
0xac: {  	s15 =	sadd.s32 $0x100, s15;
	s13 =	sadd.s32 $0x400, s13;
	s5 =	sshrl.u32 s25, $0x2  }
0xad: {  	[tilespmem:s30], [sflag:$0x3] =	stream.indirect.gather [hbm4b:s4+s28], $0x40, s5, s28, $0xb8;
	[tilespmem:$0xE040] =	vst v63  }
0xae: {  	_ = 	snop  }
.LBB2_7:
0xaf: {  	_ =	sfence.sel $0x180000  }
0xb0: {  	[bflag:$0x0] =	sbarrier.arrive $0xFFFF  }
0xb1: {  	_ =	strace $0x9000004A  }
0xb2: {  	s0 =	stileid.u32;
	[bflag:$0x2] =	sbarrier.arrive $0xFFFF  }
0xb3: {  	p0 =	sne.s32 s0, $0x0;
	s0 =	rddreg [dreg:$0x3]  }
0xb4: {  	s0 =	sadd.s32 @!p0 $0x100000, s0  }
0xb5: {  	[sflag:s0] =	ssyncadd.tile.s32 @!p0 $0x1;
	_ =	shalt  }
.Lfunc_end2:
_tile_overlayer_lowered:
.L_overlay_start_2:
0xb6: {  	(tag) =	ssettag $0x2  }
0xb7: {  	s0 =	rddreg [dreg:$0x0];
	s2 =	stileid.u32  }
0xb8: {  	s1 =	rddreg [dreg:$0x1];
	p0 =	sne.s32 s2, $0x0  }
0xb9: {  	s3 =	rddreg [dreg:$0x2];
	[bflag:$0x3] =	sbarrier.arrive $0xFFFF;
	s2 =	simm.s32 @!p0 $0x1C07  }
0xba: {  	[timem:s3], [sflag:s2] =	dma.local @!p0 [hbm:s0], s1  }
0xbb: {  	s0 =	simm.s32 @!p0 $0x7  }
0xbc: {  	_ =	swait.ge @!p0 [sflag:s0], s1  }
0xbd: {  	s1 =	ssub.s32 @!p0 $0x0, s1;
	[sflag:s0] =	ssyncset.done @!p0 $0x0  }
0xbe: {  	[sflag:s0] =	ssyncadd.s32 @!p0 s1  }
0xbf: {  	[bflag:$0x3] =	sbarrier.arrive $0xFFFF  }
0xc0: {  	_ =	shalt  }

</sc_bundles>
